<compile_context>
chip_gen: v7x
topology: tpu7x:2x2x1
jax: 0.10.2.dev20260603
libtpu: 0.0.44.dev20260713+nightly
codegen_flags: <defaults>
</compile_context>

<pallas_src>
import functools

import jax
import jax.numpy as jnp
from jax import lax
from jax.experimental import pallas as pl
from jax.experimental.pallas import tpu as pltpu
from jax.experimental.pallas import tpu_sc as plsc

D = 32
D0, D1, D2 = 22, 6, 2
R = D0 * D1 * D2
NC, NS = 2, 16
NW = NC * NS
TS = D + 1
CHUNK = 1280
CB = CHUNK // 128


def _sc_body(n_chunks, n_super,
             attr_hbm, w0_hbm, w1_hbm, w2_hbm, out_hbm,
             w0_v, w1_v, w2_v, t_v,
             attr_va, attr_vb, out_va, out_vb,
             in_sa, in_sb, out_sa, out_sb):
    wid = lax.axis_index("s") * NC + lax.axis_index("c")

    pltpu.sync_copy(w0_hbm, w0_v)
    pltpu.sync_copy(w1_hbm, w1_v)
    pltpu.sync_copy(w2_hbm, w2_v)

    lane = lax.broadcasted_iota(jnp.int32, (16,), 0)

    @plsc.parallel_loop(0, R, step=1, unroll=4)
    def build_row(c):
        i = c // (D1 * D2)
        r = c - i * (D1 * D2)
        j = r // D2
        k = r - j * D2
        for h in (0, 16):
            t = (w0_v[pl.ds(i * D + h, 16)]
                 + w1_v[pl.ds(j * D + h, 16)]
                 + w2_v[pl.ds(k * D + h, 16)])
            plsc.store_scatter(t_v, [lane + (c * TS + h)], t)

    def in_copy(c, attr_v, sem):
        return pltpu.make_async_copy(
            attr_hbm.at[pl.ds(c * (CB * 512), CB * 512)], attr_v, sem)

    def out_copy(c, out_v, sem):
        return pltpu.make_async_copy(
            out_v, out_hbm.at[:, pl.ds(c * CB, CB)], sem)

    def out_start(c, out_v, sem):
        out_copy(c, out_v, sem).start()

    def out_wait(c, out_v, sem):
        out_copy(c, out_v, sem).wait()

    def compute(attr_v, out_v):
        @plsc.parallel_loop(0, CHUNK // 16, step=1, unroll=8)
        def group_body(g):
            a_off = (g // 8) * 512 + (g % 8) * 16
            a0 = attr_v[pl.ds(a_off, 16)]
            a1 = attr_v[pl.ds(a_off + 128, 16)]
            a2 = attr_v[pl.ds(a_off + 256, 16)]
            rowbase = a0 * (D1 * D2 * TS) + a1 * (D2 * TS) + a2 * TS
            leb = g // 8
            le0 = (g % 8) * 16
            for d in range(D):
                v = plsc.load_gather(t_v, [rowbase + d])
                out_v[d // 8, leb, d % 8, pl.ds(le0, 16)] = v

    in_copy(wid, attr_va, in_sa).start()

    def super_body(j, carry):
        c0 = wid + (2 * j) * NW

        def stage(c, attr_v, in_sem, out_v, out_sem,
                  c_next, attr_nv, in_nsem):
            @pl.when(c < n_chunks)
            def _():
                in_copy(c, attr_v, in_sem).wait()

                @pl.when(c_next < n_chunks)
                def _():
                    in_copy(c_next, attr_nv, in_nsem).start()

                @pl.when(c >= 2 * NW)
                def _():
                    out_wait(c - 2 * NW, out_v, out_sem)

                compute(attr_v, out_v)
                out_start(c, out_v, out_sem)

        stage(c0, attr_va, in_sa, out_va, out_sa, c0 + NW, attr_vb, in_sb)
        stage(c0 + NW, attr_vb, in_sb, out_vb, out_sb,
              c0 + 2 * NW, attr_va, in_sa)
        return carry

    lax.fori_loop(0, n_super, super_body, 0)

    last_a = ((n_chunks - 1 - wid) // (2 * NW)) * (2 * NW) + wid

    @pl.when(wid < n_chunks)
    def _():
        out_wait(last_a, out_va, out_sa)

    last_b = ((n_chunks - 1 - wid - NW) // (2 * NW)) * (2 * NW) + wid + NW

    @pl.when(wid + NW < n_chunks)
    def _():
        out_wait(last_b, out_vb, out_sb)


def kernel(edge_attr, W0, W1, W2):
    E = edge_attr.shape[0]
    assert E % CHUNK == 0
    n_chunks = E // CHUNK
    n_iters = (n_chunks + NW - 1) // NW
    n_super = (n_iters + 1) // 2
    EB = E // 128

    attr = jnp.asarray(edge_attr, jnp.int32)
    attr = attr.T.reshape(3, EB, 128).transpose(1, 0, 2)
    attr = jnp.pad(attr, ((0, 0), (0, 1), (0, 0))).reshape(-1)

    mesh = plsc.VectorSubcoreMesh(core_axis_name="c", subcore_axis_name="s")
    body = functools.partial(_sc_body, n_chunks, n_super)
    out4 = pl.kernel(
        body,
        out_type=jax.ShapeDtypeStruct((4, EB, 8, 128), jnp.float32),
        mesh=mesh,
        compiler_params=pltpu.CompilerParams(needs_layout_passes=False),
        scratch_types=[
            pltpu.VMEM((D0 * D,), jnp.float32),
            pltpu.VMEM((D1 * D,), jnp.float32),
            pltpu.VMEM((D2 * D,), jnp.float32),
            pltpu.VMEM((R * TS,), jnp.float32),
            pltpu.VMEM((CB * 512,), jnp.int32),
            pltpu.VMEM((CB * 512,), jnp.int32),
            pltpu.VMEM((4, CB, 8, 128), jnp.float32),
            pltpu.VMEM((4, CB, 8, 128), jnp.float32),
            pltpu.SemaphoreType.DMA,
            pltpu.SemaphoreType.DMA,
            pltpu.SemaphoreType.DMA,
            pltpu.SemaphoreType.DMA,
        ],
    )(attr, W0.reshape(-1), W1.reshape(-1), W2.reshape(-1))
    return out4.transpose(1, 3, 0, 2).reshape(E, D)

# --- scband reference (transcript-rebuilt; emitter-appended) ---
"""Pipeline reference for scband-bond-encoder-31224412242436 (READ-ONLY COPY).

The authoritative reference and input builder live on the scoring server;
editing this copy changes nothing except your own understanding.
"""

import jax, jax.numpy as jnp
import numpy as np

EMB_DIM = 32
FULL_BOND_FEATURE_DIMS = [22, 6, 2]
E = 1600000

def _xavier_uniform(key, shape):
    fan_in, fan_out = shape[0], shape[1]
    limit = float(np.sqrt(6.0 / (fan_in + fan_out)))
    return jax.random.uniform(key, shape, dtype=jnp.float32, minval=-limit, maxval=limit)

def setup_inputs(seed: int = 0) -> dict:
    key = jax.random.key(seed)
    k_idx, k0, k1, k2 = jax.random.split(key, 4)
    edge_attr = jax.random.randint(k_idx, (E, 3), 0, 2, dtype=jnp.int64)
    W0 = _xavier_uniform(k0, (FULL_BOND_FEATURE_DIMS[0], EMB_DIM))
    W1 = _xavier_uniform(k1, (FULL_BOND_FEATURE_DIMS[1], EMB_DIM))
    W2 = _xavier_uniform(k2, (FULL_BOND_FEATURE_DIMS[2], EMB_DIM))
    return {"edge_attr": edge_attr, "W0": W0, "W1": W1, "W2": W2}

def reference(edge_attr, W0, W1, W2):
    # bond_embedding = sum_i Embedding_i(edge_attr[:, i])
    bond_embedding = jnp.take(W0, edge_attr[:, 0], axis=0)
    bond_embedding = bond_embedding + jnp.take(W1, edge_attr[:, 1], axis=0)
    bond_embedding = bond_embedding + jnp.take(W2, edge_attr[:, 2], axis=0)
    return bond_embedding

if __name__ == "__main__":
    import jax
    _d = setup_inputs()
    print(jax.jit(kernel)(*tuple(_d.values())))

</pallas_src>

<mosaic_0001>
#map = affine_map<(d0, d1) -> (0)>
#map1 = affine_map<(d0, d1) -> (0, 0, 0, 0)>
module attributes {stable_mosaic.version = 14 : i64} {
  func.func @_sc_body(%arg0: i32, %arg1: i32, %arg2: memref<6400000xi32, #tpu.memory_space<hbm>>, %arg3: memref<704xf32, #tpu.memory_space<hbm>>, %arg4: memref<192xf32, #tpu.memory_space<hbm>>, %arg5: memref<64xf32, #tpu.memory_space<hbm>>, %arg6: memref<4x12500x8x128xf32, #tpu.memory_space<hbm>>, %arg7: memref<704xf32, #tpu.memory_space<vmem>>, %arg8: memref<192xf32, #tpu.memory_space<vmem>>, %arg9: memref<64xf32, #tpu.memory_space<vmem>>, %arg10: memref<8712xf32, #tpu.memory_space<vmem>>, %arg11: memref<5120xi32, #tpu.memory_space<vmem>>, %arg12: memref<5120xi32, #tpu.memory_space<vmem>>, %arg13: memref<4x10x8x128xf32, #tpu.memory_space<vmem>>, %arg14: memref<4x10x8x128xf32, #tpu.memory_space<vmem>>, %arg15: memref<!tpu.dma_semaphore, #tpu.memory_space<semaphore_mem>>, %arg16: memref<!tpu.dma_semaphore, #tpu.memory_space<semaphore_mem>>, %arg17: memref<!tpu.dma_semaphore, #tpu.memory_space<semaphore_mem>>, %arg18: memref<!tpu.dma_semaphore, #tpu.memory_space<semaphore_mem>>) attributes {dimension_semantics = [#tpu.dimension_semantics<core_parallel>, #tpu.dimension_semantics<subcore_parallel>], iteration_bounds = array<i64: 2, 16>, scalar_prefetch = 0 : i64, scratch_operands = 12 : i64, tpu.core_type = #tpu.core_type<sc_vector_subcore>, window_params = [{transform_indices = #map}, {transform_indices = #map}, {transform_indices = #map}, {transform_indices = #map}, {transform_indices = #map1}]} {
    %mul3A = arith.constant 2 : i32
    %mul3A_0 = arith.muli %arg1, %mul3A : i32
    %add3A = arith.addi %mul3A_0, %arg0 : i32
    "tpu.region"() ({
      %run_scoped3A = tpu.sem_alloc : memref<!tpu.dma_semaphore, #tpu.memory_space<semaphore_mem>>
      tpu.enqueue_dma source(%arg3 : memref<704xf32, #tpu.memory_space<hbm>>) target(%arg7 : memref<704xf32, #tpu.memory_space<vmem>>) target_semaphore(%run_scoped3A : memref<!tpu.dma_semaphore, #tpu.memory_space<semaphore_mem>>)
      tpu.wait_dma2 semaphore(%run_scoped3A : memref<!tpu.dma_semaphore, #tpu.memory_space<semaphore_mem>>) src(%arg3 : memref<704xf32, #tpu.memory_space<hbm>>) dst(%arg7 : memref<704xf32, #tpu.memory_space<vmem>>)
      tpu.yield
    }) : () -> ()
    "tpu.region"() ({
      %run_scoped3A = tpu.sem_alloc : memref<!tpu.dma_semaphore, #tpu.memory_space<semaphore_mem>>
      tpu.enqueue_dma source(%arg4 : memref<192xf32, #tpu.memory_space<hbm>>) target(%arg8 : memref<192xf32, #tpu.memory_space<vmem>>) target_semaphore(%run_scoped3A : memref<!tpu.dma_semaphore, #tpu.memory_space<semaphore_mem>>)
      tpu.wait_dma2 semaphore(%run_scoped3A : memref<!tpu.dma_semaphore, #tpu.memory_space<semaphore_mem>>) src(%arg4 : memref<192xf32, #tpu.memory_space<hbm>>) dst(%arg8 : memref<192xf32, #tpu.memory_space<vmem>>)
      tpu.yield
    }) : () -> ()
    "tpu.region"() ({
      %run_scoped3A = tpu.sem_alloc : memref<!tpu.dma_semaphore, #tpu.memory_space<semaphore_mem>>
      tpu.enqueue_dma source(%arg5 : memref<64xf32, #tpu.memory_space<hbm>>) target(%arg9 : memref<64xf32, #tpu.memory_space<vmem>>) target_semaphore(%run_scoped3A : memref<!tpu.dma_semaphore, #tpu.memory_space<semaphore_mem>>)
      tpu.wait_dma2 semaphore(%run_scoped3A : memref<!tpu.dma_semaphore, #tpu.memory_space<semaphore_mem>>) src(%arg5 : memref<64xf32, #tpu.memory_space<hbm>>) dst(%arg9 : memref<64xf32, #tpu.memory_space<vmem>>)
      tpu.yield
    }) : () -> ()
    %iota3A = tpu.iota {dimensions = array<i32: 0>} : vector<16xi32>
    %parallel_loop3A = arith.constant 0 : i32
    %parallel_loop3A_1 = arith.constant 264 : i32
    %parallel_loop3A_2 = arith.constant 1 : i32
    scf.for %parallel_loop3A_74 = %parallel_loop3A to %parallel_loop3A_1 step %parallel_loop3A_2  : i32 {
      %parallel_loop3A_75 = arith.constant 12 : i32
      %parallel_loop3A_76 = arith.divsi %parallel_loop3A_74, %parallel_loop3A_75 : i32
      %parallel_loop3A_77 = arith.constant 0 : i32
      %parallel_loop3A_78 = arith.cmpi sgt, %parallel_loop3A_74, %parallel_loop3A_77 : i32
      %parallel_loop3A_79 = arith.extui %parallel_loop3A_78 : i1 to i32
      %parallel_loop3A_80 = arith.constant 0 : i32
      %parallel_loop3A_81 = arith.cmpi slt, %parallel_loop3A_74, %parallel_loop3A_80 : i32
      %parallel_loop3A_82 = arith.extui %parallel_loop3A_81 : i1 to i32
      %parallel_loop3A_83 = arith.subi %parallel_loop3A_79, %parallel_loop3A_82 : i32
      %parallel_loop3A_84 = arith.constant 0 : i32
      %parallel_loop3A_85 = arith.cmpi sgt, %parallel_loop3A_75, %parallel_loop3A_84 : i32
      %parallel_loop3A_86 = arith.extui %parallel_loop3A_85 : i1 to i32
      %parallel_loop3A_87 = arith.constant 0 : i32
      %parallel_loop3A_88 = arith.cmpi slt, %parallel_loop3A_75, %parallel_loop3A_87 : i32
      %parallel_loop3A_89 = arith.extui %parallel_loop3A_88 : i1 to i32
      %parallel_loop3A_90 = arith.subi %parallel_loop3A_86, %parallel_loop3A_89 : i32
      %parallel_loop3A_91 = arith.cmpi ne, %parallel_loop3A_83, %parallel_loop3A_90 : i32
      %parallel_loop3A_92 = arith.remsi %parallel_loop3A_74, %parallel_loop3A_75 : i32
      %parallel_loop3A_93 = arith.constant 0 : i32
      %parallel_loop3A_94 = arith.cmpi ne, %parallel_loop3A_92, %parallel_loop3A_93 : i32
      %parallel_loop3A_95 = arith.andi %parallel_loop3A_91, %parallel_loop3A_94 : i1
      %parallel_loop3A_96 = arith.constant 1 : i32
      %parallel_loop3A_97 = arith.subi %parallel_loop3A_76, %parallel_loop3A_96 : i32
      %parallel_loop3A_98 = arith.select %parallel_loop3A_95, %parallel_loop3A_97, %parallel_loop3A_76 : i32
      %parallel_loop3A_99 = arith.constant 12 : i32
      %parallel_loop3A_100 = arith.muli %parallel_loop3A_98, %parallel_loop3A_99 : i32
      %parallel_loop3A_101 = arith.subi %parallel_loop3A_74, %parallel_loop3A_100 : i32
      %parallel_loop3A_102 = arith.constant 2 : i32
      %parallel_loop3A_103 = arith.divsi %parallel_loop3A_101, %parallel_loop3A_102 : i32
      %parallel_loop3A_104 = arith.constant 0 : i32
      %parallel_loop3A_105 = arith.cmpi sgt, %parallel_loop3A_101, %parallel_loop3A_104 : i32
      %parallel_loop3A_106 = arith.extui %parallel_loop3A_105 : i1 to i32
      %parallel_loop3A_107 = arith.constant 0 : i32
      %parallel_loop3A_108 = arith.cmpi slt, %parallel_loop3A_101, %parallel_loop3A_107 : i32
      %parallel_loop3A_109 = arith.extui %parallel_loop3A_108 : i1 to i32
      %parallel_loop3A_110 = arith.subi %parallel_loop3A_106, %parallel_loop3A_109 : i32
      %parallel_loop3A_111 = arith.constant 0 : i32
      %parallel_loop3A_112 = arith.cmpi sgt, %parallel_loop3A_102, %parallel_loop3A_111 : i32
      %parallel_loop3A_113 = arith.extui %parallel_loop3A_112 : i1 to i32
      %parallel_loop3A_114 = arith.constant 0 : i32
      %parallel_loop3A_115 = arith.cmpi slt, %parallel_loop3A_102, %parallel_loop3A_114 : i32
      %parallel_loop3A_116 = arith.extui %parallel_loop3A_115 : i1 to i32
      %parallel_loop3A_117 = arith.subi %parallel_loop3A_113, %parallel_loop3A_116 : i32
      %parallel_loop3A_118 = arith.cmpi ne, %parallel_loop3A_110, %parallel_loop3A_117 : i32
      %parallel_loop3A_119 = arith.remsi %parallel_loop3A_101, %parallel_loop3A_102 : i32
      %parallel_loop3A_120 = arith.constant 0 : i32
      %parallel_loop3A_121 = arith.cmpi ne, %parallel_loop3A_119, %parallel_loop3A_120 : i32
      %parallel_loop3A_122 = arith.andi %parallel_loop3A_118, %parallel_loop3A_121 : i1
      %parallel_loop3A_123 = arith.constant 1 : i32
      %parallel_loop3A_124 = arith.subi %parallel_loop3A_103, %parallel_loop3A_123 : i32
      %parallel_loop3A_125 = arith.select %parallel_loop3A_122, %parallel_loop3A_124, %parallel_loop3A_103 : i32
      %parallel_loop3A_126 = arith.constant 2 : i32
      %parallel_loop3A_127 = arith.muli %parallel_loop3A_125, %parallel_loop3A_126 : i32
      %parallel_loop3A_128 = arith.subi %parallel_loop3A_101, %parallel_loop3A_127 : i32
      %parallel_loop3A_129 = arith.constant 32 : i32
      %parallel_loop3A_130 = arith.muli %parallel_loop3A_98, %parallel_loop3A_129 : i32
      %parallel_loop3A_131 = arith.constant 0 : i32
      %parallel_loop3A_132 = arith.addi %parallel_loop3A_130, %parallel_loop3A_131 : i32
      %parallel_loop3A_133 = arith.index_cast %parallel_loop3A_132 : i32 to index
      %parallel_loop3A_134 = tpu.vector_load %arg7[%parallel_loop3A_133] {strides = array<i32>} : memref<704xf32, #tpu.memory_space<vmem>>, vector<16xf32>,
      %parallel_loop3A_135 = arith.constant 32 : i32
      %parallel_loop3A_136 = arith.muli %parallel_loop3A_125, %parallel_loop3A_135 : i32
      %parallel_loop3A_137 = arith.constant 0 : i32
      %parallel_loop3A_138 = arith.addi %parallel_loop3A_136, %parallel_loop3A_137 : i32
      %parallel_loop3A_139 = arith.index_cast %parallel_loop3A_138 : i32 to index
      %parallel_loop3A_140 = tpu.vector_load %arg8[%parallel_loop3A_139] {strides = array<i32>} : memref<192xf32, #tpu.memory_space<vmem>>, vector<16xf32>,
      %parallel_loop3A_141 = arith.addf %parallel_loop3A_134, %parallel_loop3A_140 : vector<16xf32>
      %parallel_loop3A_142 = arith.constant 32 : i32
      %parallel_loop3A_143 = arith.muli %parallel_loop3A_128, %parallel_loop3A_142 : i32
      %parallel_loop3A_144 = arith.constant 0 : i32
      %parallel_loop3A_145 = arith.addi %parallel_loop3A_143, %parallel_loop3A_144 : i32
      %parallel_loop3A_146 = arith.index_cast %parallel_loop3A_145 : i32 to index
      %parallel_loop3A_147 = tpu.vector_load %arg9[%parallel_loop3A_146] {strides = array<i32>} : memref<64xf32, #tpu.memory_space<vmem>>, vector<16xf32>,
      %parallel_loop3A_148 = arith.addf %parallel_loop3A_141, %parallel_loop3A_147 : vector<16xf32>
      %parallel_loop3A_149 = arith.constant 33 : i32
      %parallel_loop3A_150 = arith.muli %parallel_loop3A_74, %parallel_loop3A_149 : i32
      %parallel_loop3A_151 = arith.constant 0 : i32
      %parallel_loop3A_152 = arith.addi %parallel_loop3A_150, %parallel_loop3A_151 : i32
      %parallel_loop3A_153 = vector.broadcast %parallel_loop3A_152 : i32 to vector<16xi32>
      %parallel_loop3A_154 = arith.addi %iota3A, %parallel_loop3A_153 : vector<16xi32>
      tpu.vector_store_idx %arg10[%parallel_loop3A_154], %parallel_loop3A_148 : memref<8712xf32, #tpu.memory_space<vmem>>[vector<16xi32>], vector<16xf32>,
      %parallel_loop3A_155 = arith.constant 32 : i32
      %parallel_loop3A_156 = arith.muli %parallel_loop3A_98, %parallel_loop3A_155 : i32
      %parallel_loop3A_157 = arith.constant 16 : i32
      %parallel_loop3A_158 = arith.addi %parallel_loop3A_156, %parallel_loop3A_157 : i32
      %parallel_loop3A_159 = arith.index_cast %parallel_loop3A_158 : i32 to index
      %parallel_loop3A_160 = tpu.vector_load %arg7[%parallel_loop3A_159] {strides = array<i32>} : memref<704xf32, #tpu.memory_space<vmem>>, vector<16xf32>,
      %parallel_loop3A_161 = arith.constant 32 : i32
      %parallel_loop3A_162 = arith.muli %parallel_loop3A_125, %parallel_loop3A_161 : i32
      %parallel_loop3A_163 = arith.constant 16 : i32
      %parallel_loop3A_164 = arith.addi %parallel_loop3A_162, %parallel_loop3A_163 : i32
      %parallel_loop3A_165 = arith.index_cast %parallel_loop3A_164 : i32 to index
      %parallel_loop3A_166 = tpu.vector_load %arg8[%parallel_loop3A_165] {strides = array<i32>} : memref<192xf32, #tpu.memory_space<vmem>>, vector<16xf32>,
      %parallel_loop3A_167 = arith.addf %parallel_loop3A_160, %parallel_loop3A_166 : vector<16xf32>
      %parallel_loop3A_168 = arith.constant 32 : i32
      %parallel_loop3A_169 = arith.muli %parallel_loop3A_128, %parallel_loop3A_168 : i32
      %parallel_loop3A_170 = arith.constant 16 : i32
      %parallel_loop3A_171 = arith.addi %parallel_loop3A_169, %parallel_loop3A_170 : i32
      %parallel_loop3A_172 = arith.index_cast %parallel_loop3A_171 : i32 to index
      %parallel_loop3A_173 = tpu.vector_load %arg9[%parallel_loop3A_172] {strides = array<i32>} : memref<64xf32, #tpu.memory_space<vmem>>, vector<16xf32>,
      %parallel_loop3A_174 = arith.addf %parallel_loop3A_167, %parallel_loop3A_173 : vector<16xf32>
      %parallel_loop3A_175 = arith.constant 33 : i32
      %parallel_loop3A_176 = arith.muli %parallel_loop3A_74, %parallel_loop3A_175 : i32
      %parallel_loop3A_177 = arith.constant 16 : i32
      %parallel_loop3A_178 = arith.addi %parallel_loop3A_176, %parallel_loop3A_177 : i32
      %parallel_loop3A_179 = vector.broadcast %parallel_loop3A_178 : i32 to vector<16xi32>
      %parallel_loop3A_180 = arith.addi %iota3A, %parallel_loop3A_179 : vector<16xi32>
      tpu.vector_store_idx %arg10[%parallel_loop3A_180], %parallel_loop3A_174 : memref<8712xf32, #tpu.memory_space<vmem>>[vector<16xi32>], vector<16xf32>,
    } {sc.loop_unroll_factor = 4 : i64, sc.parallel_access}
    %mul3A_3 = arith.constant 5120 : i32
    %mul3A_4 = arith.muli %add3A, %mul3A_3 : i32
    %dma_start3A = tpu.memref_slice %arg2[%mul3A_4] : memref<6400000xi32, #tpu.memory_space<hbm>> -> memref<5120xi32, #tpu.memory_space<hbm>>
    %dma_start3A_5 = tpu.memref_slice %arg2[%mul3A_4] : memref<6400000xi32, #tpu.memory_space<hbm>> -> memref<5120xi32, #tpu.memory_space<hbm>>
    tpu.enqueue_dma source(%dma_start3A_5 : memref<5120xi32, #tpu.memory_space<hbm>>) target(%arg11 : memref<5120xi32, #tpu.memory_space<vmem>>) target_semaphore(%arg15 : memref<!tpu.dma_semaphore, #tpu.memory_space<semaphore_mem>>)
    %scan3A = arith.constant 0 : i32
    %scan3A_6 = arith.constant 0 : i32
    %scan3A_7 = arith.constant 20 : i32
    %scan3A_8 = arith.addi %scan3A_6, %scan3A_7 : i32
    %scan3A_9 = arith.constant 1 : i32
    scf.for %scan3A_74 = %scan3A_6 to %scan3A_8 step %scan3A_9  : i32 {
      %mul3A_75 = arith.constant 2 : i32
      %mul3A_76 = arith.muli %mul3A_75, %scan3A_74 : i32
      %mul3A_77 = arith.constant 32 : i32
      %mul3A_78 = arith.muli %mul3A_76, %mul3A_77 : i32
      %add3A_79 = arith.addi %add3A, %mul3A_78 : i32
      %add3A_80 = arith.constant 32 : i32
      %add3A_81 = arith.addi %add3A_79, %add3A_80 : i32
      %lt3A_82 = arith.constant 1250 : i32
      %lt3A_83 = arith.cmpi slt, %add3A_79, %lt3A_82 : i32
      %convert_element_type3A_84 = arith.extui %lt3A_83 : i1 to i32
      %cond3A_85 = arith.constant 0 : i32
      %cond3A_86 = arith.cmpi ne, %convert_element_type3A_84, %cond3A_85 : i32
      scf.if %cond3A_86 {
        %mul3A_96 = arith.constant 5120 : i32
        %mul3A_97 = arith.muli %add3A_79, %mul3A_96 : i32
        %dma_wait3A = tpu.memref_slice %arg2[%mul3A_97] : memref<6400000xi32, #tpu.memory_space<hbm>> -> memref<5120xi32, #tpu.memory_space<hbm>>
        %dma_wait3A_98 = tpu.memref_slice %arg2[%mul3A_97] : memref<6400000xi32, #tpu.memory_space<hbm>> -> memref<5120xi32, #tpu.memory_space<hbm>>
        tpu.wait_dma2 semaphore(%arg15 : memref<!tpu.dma_semaphore, #tpu.memory_space<semaphore_mem>>) src(%dma_wait3A_98 : memref<5120xi32, #tpu.memory_space<hbm>>) dst(%arg11 : memref<5120xi32, #tpu.memory_space<vmem>>)
        %lt3A_99 = arith.constant 1250 : i32
        %lt3A_100 = arith.cmpi slt, %add3A_81, %lt3A_99 : i32
        %convert_element_type3A_101 = arith.extui %lt3A_100 : i1 to i32
        %cond3A_102 = arith.constant 0 : i32
        %cond3A_103 = arith.cmpi ne, %convert_element_type3A_101, %cond3A_102 : i32
        scf.if %cond3A_103 {
          %mul3A_121 = arith.constant 5120 : i32
          %mul3A_122 = arith.muli %add3A_81, %mul3A_121 : i32
          %dma_start3A_123 = tpu.memref_slice %arg2[%mul3A_122] : memref<6400000xi32, #tpu.memory_space<hbm>> -> memref<5120xi32, #tpu.memory_space<hbm>>
          %dma_start3A_124 = tpu.memref_slice %arg2[%mul3A_122] : memref<6400000xi32, #tpu.memory_space<hbm>> -> memref<5120xi32, #tpu.memory_space<hbm>>
          tpu.enqueue_dma source(%dma_start3A_124 : memref<5120xi32, #tpu.memory_space<hbm>>) target(%arg12 : memref<5120xi32, #tpu.memory_space<vmem>>) target_semaphore(%arg16 : memref<!tpu.dma_semaphore, #tpu.memory_space<semaphore_mem>>)
        } else {
        }
        %ge3A = arith.constant 64 : i32
        %ge3A_104 = arith.cmpi sge, %add3A_79, %ge3A : i32
        %convert_element_type3A_105 = arith.extui %ge3A_104 : i1 to i32
        %cond3A_106 = arith.constant 0 : i32
        %cond3A_107 = arith.cmpi ne, %convert_element_type3A_105, %cond3A_106 : i32
        scf.if %cond3A_107 {
          %sub3A_121 = arith.constant 64 : i32
          %sub3A_122 = arith.subi %add3A_79, %sub3A_121 : i32
          %mul3A_123 = arith.constant 10 : i32
          %mul3A_124 = arith.muli %sub3A_122, %mul3A_123 : i32
          %dma_wait3A_125 = arith.constant 0 : i32
          %dma_wait3A_126 = arith.constant 0 : i32
          %dma_wait3A_127 = arith.constant 0 : i32
          %dma_wait3A_128 = tpu.memref_slice %arg6[%dma_wait3A_125, %mul3A_124, %dma_wait3A_126, %dma_wait3A_127] : memref<4x12500x8x128xf32, #tpu.memory_space<hbm>> -> memref<4x10x8x128xf32, #tpu.memory_space<hbm>>
          %dma_wait3A_129 = arith.constant 0 : i32
          %dma_wait3A_130 = arith.constant 0 : i32
          %dma_wait3A_131 = arith.constant 0 : i32
          %dma_wait3A_132 = tpu.memref_slice %arg6[%dma_wait3A_129, %mul3A_124, %dma_wait3A_130, %dma_wait3A_131] : memref<4x12500x8x128xf32, #tpu.memory_space<hbm>> -> memref<4x10x8x128xf32, #tpu.memory_space<hbm>>
          tpu.wait_dma2 semaphore(%arg17 : memref<!tpu.dma_semaphore, #tpu.memory_space<semaphore_mem>>) src(%arg13 : memref<4x10x8x128xf32, #tpu.memory_space<vmem>>) dst(%dma_wait3A_132 : memref<4x10x8x128xf32, #tpu.memory_space<hbm>>)
        } else {
        }
        %parallel_loop3A_108 = arith.constant 0 : i32
        %parallel_loop3A_109 = arith.constant 80 : i32
        %parallel_loop3A_110 = arith.constant 1 : i32
        scf.for %parallel_loop3A_121 = %parallel_loop3A_108 to %parallel_loop3A_109 step %parallel_loop3A_110  : i32 {
          %parallel_loop3A_122 = arith.constant 8 : i32
          %parallel_loop3A_123 = arith.divsi %parallel_loop3A_121, %parallel_loop3A_122 : i32
          %parallel_loop3A_124 = arith.constant 0 : i32
          %parallel_loop3A_125 = arith.cmpi sgt, %parallel_loop3A_121, %parallel_loop3A_124 : i32
          %parallel_loop3A_126 = arith.extui %parallel_loop3A_125 : i1 to i32
          %parallel_loop3A_127 = arith.constant 0 : i32
          %parallel_loop3A_128 = arith.cmpi slt, %parallel_loop3A_121, %parallel_loop3A_127 : i32
          %parallel_loop3A_129 = arith.extui %parallel_loop3A_128 : i1 to i32
          %parallel_loop3A_130 = arith.subi %parallel_loop3A_126, %parallel_loop3A_129 : i32
          %parallel_loop3A_131 = arith.constant 0 : i32
          %parallel_loop3A_132 = arith.cmpi sgt, %parallel_loop3A_122, %parallel_loop3A_131 : i32
          %parallel_loop3A_133 = arith.extui %parallel_loop3A_132 : i1 to i32
          %parallel_loop3A_134 = arith.constant 0 : i32
          %parallel_loop3A_135 = arith.cmpi slt, %parallel_loop3A_122, %parallel_loop3A_134 : i32
          %parallel_loop3A_136 = arith.extui %parallel_loop3A_135 : i1 to i32
          %parallel_loop3A_137 = arith.subi %parallel_loop3A_133, %parallel_loop3A_136 : i32
          %parallel_loop3A_138 = arith.cmpi ne, %parallel_loop3A_130, %parallel_loop3A_137 : i32
          %parallel_loop3A_139 = arith.remsi %parallel_loop3A_121, %parallel_loop3A_122 : i32
          %parallel_loop3A_140 = arith.constant 0 : i32
          %parallel_loop3A_141 = arith.cmpi ne, %parallel_loop3A_139, %parallel_loop3A_140 : i32
          %parallel_loop3A_142 = arith.andi %parallel_loop3A_138, %parallel_loop3A_141 : i1
          %parallel_loop3A_143 = arith.constant 1 : i32
          %parallel_loop3A_144 = arith.subi %parallel_loop3A_123, %parallel_loop3A_143 : i32
          %parallel_loop3A_145 = arith.select %parallel_loop3A_142, %parallel_loop3A_144, %parallel_loop3A_123 : i32
          %parallel_loop3A_146 = arith.constant 512 : i32
          %parallel_loop3A_147 = arith.muli %parallel_loop3A_145, %parallel_loop3A_146 : i32
          %parallel_loop3A_148 = arith.constant 8 : i32
          %parallel_loop3A_149 = arith.constant 0 : i32
          %parallel_loop3A_150 = arith.cmpi eq, %parallel_loop3A_148, %parallel_loop3A_149 : i32
          %parallel_loop3A_151 = arith.constant 1 : i32
          %parallel_loop3A_152 = arith.select %parallel_loop3A_150, %parallel_loop3A_151, %parallel_loop3A_148 : i32
          %parallel_loop3A_153 = arith.remsi %parallel_loop3A_121, %parallel_loop3A_152 : i32
          %parallel_loop3A_154 = arith.constant 0 : i32
          %parallel_loop3A_155 = arith.cmpi ne, %parallel_loop3A_153, %parallel_loop3A_154 : i32
          %parallel_loop3A_156 = arith.constant 0 : i32
          %parallel_loop3A_157 = arith.cmpi slt, %parallel_loop3A_153, %parallel_loop3A_156 : i32
          %parallel_loop3A_158 = arith.constant 0 : i32
          %parallel_loop3A_159 = arith.cmpi slt, %parallel_loop3A_152, %parallel_loop3A_158 : i32
          %parallel_loop3A_160 = arith.xori %parallel_loop3A_157, %parallel_loop3A_159 : i1
          %parallel_loop3A_161 = arith.andi %parallel_loop3A_160, %parallel_loop3A_155 : i1
          %parallel_loop3A_162 = arith.addi %parallel_loop3A_153, %parallel_loop3A_152 : i32
          %parallel_loop3A_163 = arith.select %parallel_loop3A_161, %parallel_loop3A_162, %parallel_loop3A_153 : i32
          %parallel_loop3A_164 = arith.constant 16 : i32
          %parallel_loop3A_165 = arith.muli %parallel_loop3A_163, %parallel_loop3A_164 : i32
          %parallel_loop3A_166 = arith.addi %parallel_loop3A_147, %parallel_loop3A_165 : i32
          %parallel_loop3A_167 = arith.index_cast %parallel_loop3A_166 : i32 to index
          %parallel_loop3A_168 = tpu.vector_load %arg11[%parallel_loop3A_167] {strides = array<i32>} : memref<5120xi32, #tpu.memory_space<vmem>>, vector<16xi32>,
          %parallel_loop3A_169 = arith.constant 128 : i32
          %parallel_loop3A_170 = arith.addi %parallel_loop3A_166, %parallel_loop3A_169 : i32
          %parallel_loop3A_171 = arith.index_cast %parallel_loop3A_170 : i32 to index
          %parallel_loop3A_172 = tpu.vector_load %arg11[%parallel_loop3A_171] {strides = array<i32>} : memref<5120xi32, #tpu.memory_space<vmem>>, vector<16xi32>,
          %parallel_loop3A_173 = arith.constant 256 : i32
          %parallel_loop3A_174 = arith.addi %parallel_loop3A_166, %parallel_loop3A_173 : i32
          %parallel_loop3A_175 = arith.index_cast %parallel_loop3A_174 : i32 to index
          %parallel_loop3A_176 = tpu.vector_load %arg11[%parallel_loop3A_175] {strides = array<i32>} : memref<5120xi32, #tpu.memory_space<vmem>>, vector<16xi32>,
          %parallel_loop3A_177 = arith.constant 396 : i32
          %parallel_loop3A_178 = vector.broadcast %parallel_loop3A_177 : i32 to vector<16xi32>
          %parallel_loop3A_179 = arith.muli %parallel_loop3A_168, %parallel_loop3A_178 : vector<16xi32>
          %parallel_loop3A_180 = arith.constant 66 : i32
          %parallel_loop3A_181 = vector.broadcast %parallel_loop3A_180 : i32 to vector<16xi32>
          %parallel_loop3A_182 = arith.muli %parallel_loop3A_172, %parallel_loop3A_181 : vector<16xi32>
          %parallel_loop3A_183 = arith.addi %parallel_loop3A_179, %parallel_loop3A_182 : vector<16xi32>
          %parallel_loop3A_184 = arith.constant 33 : i32
          %parallel_loop3A_185 = vector.broadcast %parallel_loop3A_184 : i32 to vector<16xi32>
          %parallel_loop3A_186 = arith.muli %parallel_loop3A_176, %parallel_loop3A_185 : vector<16xi32>
          %parallel_loop3A_187 = arith.addi %parallel_loop3A_183, %parallel_loop3A_186 : vector<16xi32>
          %parallel_loop3A_188 = arith.constant 8 : i32
          %parallel_loop3A_189 = arith.divsi %parallel_loop3A_121, %parallel_loop3A_188 : i32
          %parallel_loop3A_190 = arith.constant 0 : i32
          %parallel_loop3A_191 = arith.cmpi sgt, %parallel_loop3A_121, %parallel_loop3A_190 : i32
          %parallel_loop3A_192 = arith.extui %parallel_loop3A_191 : i1 to i32
          %parallel_loop3A_193 = arith.constant 0 : i32
          %parallel_loop3A_194 = arith.cmpi slt, %parallel_loop3A_121, %parallel_loop3A_193 : i32
          %parallel_loop3A_195 = arith.extui %parallel_loop3A_194 : i1 to i32
          %parallel_loop3A_196 = arith.subi %parallel_loop3A_192, %parallel_loop3A_195 : i32
          %parallel_loop3A_197 = arith.constant 0 : i32
          %parallel_loop3A_198 = arith.cmpi sgt, %parallel_loop3A_188, %parallel_loop3A_197 : i32
          %parallel_loop3A_199 = arith.extui %parallel_loop3A_198 : i1 to i32
          %parallel_loop3A_200 = arith.constant 0 : i32
          %parallel_loop3A_201 = arith.cmpi slt, %parallel_loop3A_188, %parallel_loop3A_200 : i32
          %parallel_loop3A_202 = arith.extui %parallel_loop3A_201 : i1 to i32
          %parallel_loop3A_203 = arith.subi %parallel_loop3A_199, %parallel_loop3A_202 : i32
          %parallel_loop3A_204 = arith.cmpi ne, %parallel_loop3A_196, %parallel_loop3A_203 : i32
          %parallel_loop3A_205 = arith.remsi %parallel_loop3A_121, %parallel_loop3A_188 : i32
          %parallel_loop3A_206 = arith.constant 0 : i32
          %parallel_loop3A_207 = arith.cmpi ne, %parallel_loop3A_205, %parallel_loop3A_206 : i32
          %parallel_loop3A_208 = arith.andi %parallel_loop3A_204, %parallel_loop3A_207 : i1
          %parallel_loop3A_209 = arith.constant 1 : i32
          %parallel_loop3A_210 = arith.subi %parallel_loop3A_189, %parallel_loop3A_209 : i32
          %parallel_loop3A_211 = arith.select %parallel_loop3A_208, %parallel_loop3A_210, %parallel_loop3A_189 : i32
          %parallel_loop3A_212 = arith.constant 8 : i32
          %parallel_loop3A_213 = arith.constant 0 : i32
          %parallel_loop3A_214 = arith.cmpi eq, %parallel_loop3A_212, %parallel_loop3A_213 : i32
          %parallel_loop3A_215 = arith.constant 1 : i32
          %parallel_loop3A_216 = arith.select %parallel_loop3A_214, %parallel_loop3A_215, %parallel_loop3A_212 : i32
          %parallel_loop3A_217 = arith.remsi %parallel_loop3A_121, %parallel_loop3A_216 : i32
          %parallel_loop3A_218 = arith.constant 0 : i32
          %parallel_loop3A_219 = arith.cmpi ne, %parallel_loop3A_217, %parallel_loop3A_218 : i32
          %parallel_loop3A_220 = arith.constant 0 : i32
          %parallel_loop3A_221 = arith.cmpi slt, %parallel_loop3A_217, %parallel_loop3A_220 : i32
          %parallel_loop3A_222 = arith.constant 0 : i32
          %parallel_loop3A_223 = arith.cmpi slt, %parallel_loop3A_216, %parallel_loop3A_222 : i32
          %parallel_loop3A_224 = arith.xori %parallel_loop3A_221, %parallel_loop3A_223 : i1
          %parallel_loop3A_225 = arith.andi %parallel_loop3A_224, %parallel_loop3A_219 : i1
          %parallel_loop3A_226 = arith.addi %parallel_loop3A_217, %parallel_loop3A_216 : i32
          %parallel_loop3A_227 = arith.select %parallel_loop3A_225, %parallel_loop3A_226, %parallel_loop3A_217 : i32
          %parallel_loop3A_228 = arith.constant 16 : i32
          %parallel_loop3A_229 = arith.muli %parallel_loop3A_227, %parallel_loop3A_228 : i32
          %parallel_loop3A_230 = arith.constant 0 : i32
          %parallel_loop3A_231 = vector.broadcast %parallel_loop3A_230 : i32 to vector<16xi32>
          %parallel_loop3A_232 = arith.addi %parallel_loop3A_187, %parallel_loop3A_231 : vector<16xi32>
          %parallel_loop3A_233 = tpu.vector_load_idx %arg10[%parallel_loop3A_232] : memref<8712xf32, #tpu.memory_space<vmem>>[vector<16xi32>], vector<16xf32>,
          %parallel_loop3A_234 = arith.constant 0 : i32
          %parallel_loop3A_235 = arith.constant 0 : i32
          %parallel_loop3A_236 = arith.index_cast %parallel_loop3A_234 : i32 to index
          %parallel_loop3A_237 = arith.index_cast %parallel_loop3A_211 : i32 to index
          %parallel_loop3A_238 = arith.index_cast %parallel_loop3A_235 : i32 to index
          %parallel_loop3A_239 = arith.index_cast %parallel_loop3A_229 : i32 to index
          %parallel_loop3A_240 = tpu.vector_load %arg13[%parallel_loop3A_236, %parallel_loop3A_237, %parallel_loop3A_238, %parallel_loop3A_239] {strides = array<i32>} : memref<4x10x8x128xf32, #tpu.memory_space<vmem>>, vector<16xf32>,
          tpu.vector_store %arg13[%parallel_loop3A_236, %parallel_loop3A_237, %parallel_loop3A_238, %parallel_loop3A_239], %parallel_loop3A_233 {strides = array<i32>} : memref<4x10x8x128xf32, #tpu.memory_space<vmem>>, vector<16xf32>,
          %parallel_loop3A_241 = arith.constant 1 : i32
          %parallel_loop3A_242 = vector.broadcast %parallel_loop3A_241 : i32 to vector<16xi32>
          %parallel_loop3A_243 = arith.addi %parallel_loop3A_187, %parallel_loop3A_242 : vector<16xi32>
          %parallel_loop3A_244 = tpu.vector_load_idx %arg10[%parallel_loop3A_243] : memref<8712xf32, #tpu.memory_space<vmem>>[vector<16xi32>], vector<16xf32>,
          %parallel_loop3A_245 = arith.constant 0 : i32
          %parallel_loop3A_246 = arith.constant 1 : i32
          %parallel_loop3A_247 = arith.index_cast %parallel_loop3A_245 : i32 to index
          %parallel_loop3A_248 = arith.index_cast %parallel_loop3A_211 : i32 to index
          %parallel_loop3A_249 = arith.index_cast %parallel_loop3A_246 : i32 to index
          %parallel_loop3A_250 = arith.index_cast %parallel_loop3A_229 : i32 to index
          %parallel_loop3A_251 = tpu.vector_load %arg13[%parallel_loop3A_247, %parallel_loop3A_248, %parallel_loop3A_249, %parallel_loop3A_250] {strides = array<i32>} : memref<4x10x8x128xf32, #tpu.memory_space<vmem>>, vector<16xf32>,
          tpu.vector_store %arg13[%parallel_loop3A_247, %parallel_loop3A_248, %parallel_loop3A_249, %parallel_loop3A_250], %parallel_loop3A_244 {strides = array<i32>} : memref<4x10x8x128xf32, #tpu.memory_space<vmem>>, vector<16xf32>,
          %parallel_loop3A_252 = arith.constant 2 : i32
          %parallel_loop3A_253 = vector.broadcast %parallel_loop3A_252 : i32 to vector<16xi32>
          %parallel_loop3A_254 = arith.addi %parallel_loop3A_187, %parallel_loop3A_253 : vector<16xi32>
          %parallel_loop3A_255 = tpu.vector_load_idx %arg10[%parallel_loop3A_254] : memref<8712xf32, #tpu.memory_space<vmem>>[vector<16xi32>], vector<16xf32>,
          %parallel_loop3A_256 = arith.constant 0 : i32
          %parallel_loop3A_257 = arith.constant 2 : i32
          %parallel_loop3A_258 = arith.index_cast %parallel_loop3A_256 : i32 to index
          %parallel_loop3A_259 = arith.index_cast %parallel_loop3A_211 : i32 to index
          %parallel_loop3A_260 = arith.index_cast %parallel_loop3A_257 : i32 to index
          %parallel_loop3A_261 = arith.index_cast %parallel_loop3A_229 : i32 to index
          %parallel_loop3A_262 = tpu.vector_load %arg13[%parallel_loop3A_258, %parallel_loop3A_259, %parallel_loop3A_260, %parallel_loop3A_261] {strides = array<i32>} : memref<4x10x8x128xf32, #tpu.memory_space<vmem>>, vector<16xf32>,
          tpu.vector_store %arg13[%parallel_loop3A_258, %parallel_loop3A_259, %parallel_loop3A_260, %parallel_loop3A_261], %parallel_loop3A_255 {strides = array<i32>} : memref<4x10x8x128xf32, #tpu.memory_space<vmem>>, vector<16xf32>,
          %parallel_loop3A_263 = arith.constant 3 : i32
          %parallel_loop3A_264 = vector.broadcast %parallel_loop3A_263 : i32 to vector<16xi32>
          %parallel_loop3A_265 = arith.addi %parallel_loop3A_187, %parallel_loop3A_264 : vector<16xi32>
          %parallel_loop3A_266 = tpu.vector_load_idx %arg10[%parallel_loop3A_265] : memref<8712xf32, #tpu.memory_space<vmem>>[vector<16xi32>], vector<16xf32>,
          %parallel_loop3A_267 = arith.constant 0 : i32
          %parallel_loop3A_268 = arith.constant 3 : i32
          %parallel_loop3A_269 = arith.index_cast %parallel_loop3A_267 : i32 to index
          %parallel_loop3A_270 = arith.index_cast %parallel_loop3A_211 : i32 to index
          %parallel_loop3A_271 = arith.index_cast %parallel_loop3A_268 : i32 to index
          %parallel_loop3A_272 = arith.index_cast %parallel_loop3A_229 : i32 to index
          %parallel_loop3A_273 = tpu.vector_load %arg13[%parallel_loop3A_269, %parallel_loop3A_270, %parallel_loop3A_271, %parallel_loop3A_272] {strides = array<i32>} : memref<4x10x8x128xf32, #tpu.memory_space<vmem>>, vector<16xf32>,
          tpu.vector_store %arg13[%parallel_loop3A_269, %parallel_loop3A_270, %parallel_loop3A_271, %parallel_loop3A_272], %parallel_loop3A_266 {strides = array<i32>} : memref<4x10x8x128xf32, #tpu.memory_space<vmem>>, vector<16xf32>,
          %parallel_loop3A_274 = arith.constant 4 : i32
          %parallel_loop3A_275 = vector.broadcast %parallel_loop3A_274 : i32 to vector<16xi32>
          %parallel_loop3A_276 = arith.addi %parallel_loop3A_187, %parallel_loop3A_275 : vector<16xi32>
          %parallel_loop3A_277 = tpu.vector_load_idx %arg10[%parallel_loop3A_276] : memref<8712xf32, #tpu.memory_space<vmem>>[vector<16xi32>], vector<16xf32>,
          %parallel_loop3A_278 = arith.constant 0 : i32
          %parallel_loop3A_279 = arith.constant 4 : i32
          %parallel_loop3A_280 = arith.index_cast %parallel_loop3A_278 : i32 to index
          %parallel_loop3A_281 = arith.index_cast %parallel_loop3A_211 : i32 to index
          %parallel_loop3A_282 = arith.index_cast %parallel_loop3A_279 : i32 to index
          %parallel_loop3A_283 = arith.index_cast %parallel_loop3A_229 : i32 to index
          %parallel_loop3A_284 = tpu.vector_load %arg13[%parallel_loop3A_280, %parallel_loop3A_281, %parallel_loop3A_282, %parallel_loop3A_283] {strides = array<i32>} : memref<4x10x8x128xf32, #tpu.memory_space<vmem>>, vector<16xf32>,
          tpu.vector_store %arg13[%parallel_loop3A_280, %parallel_loop3A_281, %parallel_loop3A_282, %parallel_loop3A_283], %parallel_loop3A_277 {strides = array<i32>} : memref<4x10x8x128xf32, #tpu.memory_space<vmem>>, vector<16xf32>,
          %parallel_loop3A_285 = arith.constant 5 : i32
          %parallel_loop3A_286 = vector.broadcast %parallel_loop3A_285 : i32 to vector<16xi32>
          %parallel_loop3A_287 = arith.addi %parallel_loop3A_187, %parallel_loop3A_286 : vector<16xi32>
          %parallel_loop3A_288 = tpu.vector_load_idx %arg10[%parallel_loop3A_287] : memref<8712xf32, #tpu.memory_space<vmem>>[vector<16xi32>], vector<16xf32>,
          %parallel_loop3A_289 = arith.constant 0 : i32
          %parallel_loop3A_290 = arith.constant 5 : i32
          %parallel_loop3A_291 = arith.index_cast %parallel_loop3A_289 : i32 to index
          %parallel_loop3A_292 = arith.index_cast %parallel_loop3A_211 : i32 to index
          %parallel_loop3A_293 = arith.index_cast %parallel_loop3A_290 : i32 to index
          %parallel_loop3A_294 = arith.index_cast %parallel_loop3A_229 : i32 to index
          %parallel_loop3A_295 = tpu.vector_load %arg13[%parallel_loop3A_291, %parallel_loop3A_292, %parallel_loop3A_293, %parallel_loop3A_294] {strides = array<i32>} : memref<4x10x8x128xf32, #tpu.memory_space<vmem>>, vector<16xf32>,
          tpu.vector_store %arg13[%parallel_loop3A_291, %parallel_loop3A_292, %parallel_loop3A_293, %parallel_loop3A_294], %parallel_loop3A_288 {strides = array<i32>} : memref<4x10x8x128xf32, #tpu.memory_space<vmem>>, vector<16xf32>,
          %parallel_loop3A_296 = arith.constant 6 : i32
          %parallel_loop3A_297 = vector.broadcast %parallel_loop3A_296 : i32 to vector<16xi32>
          %parallel_loop3A_298 = arith.addi %parallel_loop3A_187, %parallel_loop3A_297 : vector<16xi32>
          %parallel_loop3A_299 = tpu.vector_load_idx %arg10[%parallel_loop3A_298] : memref<8712xf32, #tpu.memory_space<vmem>>[vector<16xi32>], vector<16xf32>,
          %parallel_loop3A_300 = arith.constant 0 : i32
          %parallel_loop3A_301 = arith.constant 6 : i32
          %parallel_loop3A_302 = arith.index_cast %parallel_loop3A_300 : i32 to index
          %parallel_loop3A_303 = arith.index_cast %parallel_loop3A_211 : i32 to index
          %parallel_loop3A_304 = arith.index_cast %parallel_loop3A_301 : i32 to index
          %parallel_loop3A_305 = arith.index_cast %parallel_loop3A_229 : i32 to index
          %parallel_loop3A_306 = tpu.vector_load %arg13[%parallel_loop3A_302, %parallel_loop3A_303, %parallel_loop3A_304, %parallel_loop3A_305] {strides = array<i32>} : memref<4x10x8x128xf32, #tpu.memory_space<vmem>>, vector<16xf32>,
          tpu.vector_store %arg13[%parallel_loop3A_302, %parallel_loop3A_303, %parallel_loop3A_304, %parallel_loop3A_305], %parallel_loop3A_299 {strides = array<i32>} : memref<4x10x8x128xf32, #tpu.memory_space<vmem>>, vector<16xf32>,
          %parallel_loop3A_307 = arith.constant 7 : i32
          %parallel_loop3A_308 = vector.broadcast %parallel_loop3A_307 : i32 to vector<16xi32>
          %parallel_loop3A_309 = arith.addi %parallel_loop3A_187, %parallel_loop3A_308 : vector<16xi32>
          %parallel_loop3A_310 = tpu.vector_load_idx %arg10[%parallel_loop3A_309] : memref<8712xf32, #tpu.memory_space<vmem>>[vector<16xi32>], vector<16xf32>,
          %parallel_loop3A_311 = arith.constant 0 : i32
          %parallel_loop3A_312 = arith.constant 7 : i32
          %parallel_loop3A_313 = arith.index_cast %parallel_loop3A_311 : i32 to index
          %parallel_loop3A_314 = arith.index_cast %parallel_loop3A_211 : i32 to index
          %parallel_loop3A_315 = arith.index_cast %parallel_loop3A_312 : i32 to index
          %parallel_loop3A_316 = arith.index_cast %parallel_loop3A_229 : i32 to index
          %parallel_loop3A_317 = tpu.vector_load %arg13[%parallel_loop3A_313, %parallel_loop3A_314, %parallel_loop3A_315, %parallel_loop3A_316] {strides = array<i32>} : memref<4x10x8x128xf32, #tpu.memory_space<vmem>>, vector<16xf32>,
          tpu.vector_store %arg13[%parallel_loop3A_313, %parallel_loop3A_314, %parallel_loop3A_315, %parallel_loop3A_316], %parallel_loop3A_310 {strides = array<i32>} : memref<4x10x8x128xf32, #tpu.memory_space<vmem>>, vector<16xf32>,
          %parallel_loop3A_318 = arith.constant 8 : i32
          %parallel_loop3A_319 = vector.broadcast %parallel_loop3A_318 : i32 to vector<16xi32>
          %parallel_loop3A_320 = arith.addi %parallel_loop3A_187, %parallel_loop3A_319 : vector<16xi32>
          %parallel_loop3A_321 = tpu.vector_load_idx %arg10[%parallel_loop3A_320] : memref<8712xf32, #tpu.memory_space<vmem>>[vector<16xi32>], vector<16xf32>,
          %parallel_loop3A_322 = arith.constant 1 : i32
          %parallel_loop3A_323 = arith.constant 0 : i32
          %parallel_loop3A_324 = arith.index_cast %parallel_loop3A_322 : i32 to index
          %parallel_loop3A_325 = arith.index_cast %parallel_loop3A_211 : i32 to index
          %parallel_loop3A_326 = arith.index_cast %parallel_loop3A_323 : i32 to index
          %parallel_loop3A_327 = arith.index_cast %parallel_loop3A_229 : i32 to index
          %parallel_loop3A_328 = tpu.vector_load %arg13[%parallel_loop3A_324, %parallel_loop3A_325, %parallel_loop3A_326, %parallel_loop3A_327] {strides = array<i32>} : memref<4x10x8x128xf32, #tpu.memory_space<vmem>>, vector<16xf32>,
          tpu.vector_store %arg13[%parallel_loop3A_324, %parallel_loop3A_325, %parallel_loop3A_326, %parallel_loop3A_327], %parallel_loop3A_321 {strides = array<i32>} : memref<4x10x8x128xf32, #tpu.memory_space<vmem>>, vector<16xf32>,
          %parallel_loop3A_329 = arith.constant 9 : i32
          %parallel_loop3A_330 = vector.broadcast %parallel_loop3A_329 : i32 to vector<16xi32>
          %parallel_loop3A_331 = arith.addi %parallel_loop3A_187, %parallel_loop3A_330 : vector<16xi32>
          %parallel_loop3A_332 = tpu.vector_load_idx %arg10[%parallel_loop3A_331] : memref<8712xf32, #tpu.memory_space<vmem>>[vector<16xi32>], vector<16xf32>,
          %parallel_loop3A_333 = arith.constant 1 : i32
          %parallel_loop3A_334 = arith.constant 1 : i32
          %parallel_loop3A_335 = arith.index_cast %parallel_loop3A_333 : i32 to index
          %parallel_loop3A_336 = arith.index_cast %parallel_loop3A_211 : i32 to index
          %parallel_loop3A_337 = arith.index_cast %parallel_loop3A_334 : i32 to index
          %parallel_loop3A_338 = arith.index_cast %parallel_loop3A_229 : i32 to index
          %parallel_loop3A_339 = tpu.vector_load %arg13[%parallel_loop3A_335, %parallel_loop3A_336, %parallel_loop3A_337, %parallel_loop3A_338] {strides = array<i32>} : memref<4x10x8x128xf32, #tpu.memory_space<vmem>>, vector<16xf32>,
          tpu.vector_store %arg13[%parallel_loop3A_335, %parallel_loop3A_336, %parallel_loop3A_337, %parallel_loop3A_338], %parallel_loop3A_332 {strides = array<i32>} : memref<4x10x8x128xf32, #tpu.memory_space<vmem>>, vector<16xf32>,
          %parallel_loop3A_340 = arith.constant 10 : i32
          %parallel_loop3A_341 = vector.broadcast %parallel_loop3A_340 : i32 to vector<16xi32>
          %parallel_loop3A_342 = arith.addi %parallel_loop3A_187, %parallel_loop3A_341 : vector<16xi32>
          %parallel_loop3A_343 = tpu.vector_load_idx %arg10[%parallel_loop3A_342] : memref<8712xf32, #tpu.memory_space<vmem>>[vector<16xi32>], vector<16xf32>,
          %parallel_loop3A_344 = arith.constant 1 : i32
          %parallel_loop3A_345 = arith.constant 2 : i32
          %parallel_loop3A_346 = arith.index_cast %parallel_loop3A_344 : i32 to index
          %parallel_loop3A_347 = arith.index_cast %parallel_loop3A_211 : i32 to index
          %parallel_loop3A_348 = arith.index_cast %parallel_loop3A_345 : i32 to index
          %parallel_loop3A_349 = arith.index_cast %parallel_loop3A_229 : i32 to index
          %parallel_loop3A_350 = tpu.vector_load %arg13[%parallel_loop3A_346, %parallel_loop3A_347, %parallel_loop3A_348, %parallel_loop3A_349] {strides = array<i32>} : memref<4x10x8x128xf32, #tpu.memory_space<vmem>>, vector<16xf32>,
          tpu.vector_store %arg13[%parallel_loop3A_346, %parallel_loop3A_347, %parallel_loop3A_348, %parallel_loop3A_349], %parallel_loop3A_343 {strides = array<i32>} : memref<4x10x8x128xf32, #tpu.memory_space<vmem>>, vector<16xf32>,
          %parallel_loop3A_351 = arith.constant 11 : i32
          %parallel_loop3A_352 = vector.broadcast %parallel_loop3A_351 : i32 to vector<16xi32>
          %parallel_loop3A_353 = arith.addi %parallel_loop3A_187, %parallel_loop3A_352 : vector<16xi32>
          %parallel_loop3A_354 = tpu.vector_load_idx %arg10[%parallel_loop3A_353] : memref<8712xf32, #tpu.memory_space<vmem>>[vector<16xi32>], vector<16xf32>,
          %parallel_loop3A_355 = arith.constant 1 : i32
          %parallel_loop3A_356 = arith.constant 3 : i32
          %parallel_loop3A_357 = arith.index_cast %parallel_loop3A_355 : i32 to index
          %parallel_loop3A_358 = arith.index_cast %parallel_loop3A_211 : i32 to index
          %parallel_loop3A_359 = arith.index_cast %parallel_loop3A_356 : i32 to index
          %parallel_loop3A_360 = arith.index_cast %parallel_loop3A_229 : i32 to index
          %parallel_loop3A_361 = tpu.vector_load %arg13[%parallel_loop3A_357, %parallel_loop3A_358, %parallel_loop3A_359, %parallel_loop3A_360] {strides = array<i32>} : memref<4x10x8x128xf32, #tpu.memory_space<vmem>>, vector<16xf32>,
          tpu.vector_store %arg13[%parallel_loop3A_357, %parallel_loop3A_358, %parallel_loop3A_359, %parallel_loop3A_360], %parallel_loop3A_354 {strides = array<i32>} : memref<4x10x8x128xf32, #tpu.memory_space<vmem>>, vector<16xf32>,
          %parallel_loop3A_362 = arith.constant 12 : i32
          %parallel_loop3A_363 = vector.broadcast %parallel_loop3A_362 : i32 to vector<16xi32>
          %parallel_loop3A_364 = arith.addi %parallel_loop3A_187, %parallel_loop3A_363 : vector<16xi32>
          %parallel_loop3A_365 = tpu.vector_load_idx %arg10[%parallel_loop3A_364] : memref<8712xf32, #tpu.memory_space<vmem>>[vector<16xi32>], vector<16xf32>,
          %parallel_loop3A_366 = arith.constant 1 : i32
          %parallel_loop3A_367 = arith.constant 4 : i32
          %parallel_loop3A_368 = arith.index_cast %parallel_loop3A_366 : i32 to index
          %parallel_loop3A_369 = arith.index_cast %parallel_loop3A_211 : i32 to index
          %parallel_loop3A_370 = arith.index_cast %parallel_loop3A_367 : i32 to index
          %parallel_loop3A_371 = arith.index_cast %parallel_loop3A_229 : i32 to index
          %parallel_loop3A_372 = tpu.vector_load %arg13[%parallel_loop3A_368, %parallel_loop3A_369, %parallel_loop3A_370, %parallel_loop3A_371] {strides = array<i32>} : memref<4x10x8x128xf32, #tpu.memory_space<vmem>>, vector<16xf32>,
          tpu.vector_store %arg13[%parallel_loop3A_368, %parallel_loop3A_369, %parallel_loop3A_370, %parallel_loop3A_371], %parallel_loop3A_365 {strides = array<i32>} : memref<4x10x8x128xf32, #tpu.memory_space<vmem>>, vector<16xf32>,
          %parallel_loop3A_373 = arith.constant 13 : i32
          %parallel_loop3A_374 = vector.broadcast %parallel_loop3A_373 : i32 to vector<16xi32>
          %parallel_loop3A_375 = arith.addi %parallel_loop3A_187, %parallel_loop3A_374 : vector<16xi32>
          %parallel_loop3A_376 = tpu.vector_load_idx %arg10[%parallel_loop3A_375] : memref<8712xf32, #tpu.memory_space<vmem>>[vector<16xi32>], vector<16xf32>,
          %parallel_loop3A_377 = arith.constant 1 : i32
          %parallel_loop3A_378 = arith.constant 5 : i32
          %parallel_loop3A_379 = arith.index_cast %parallel_loop3A_377 : i32 to index
          %parallel_loop3A_380 = arith.index_cast %parallel_loop3A_211 : i32 to index
          %parallel_loop3A_381 = arith.index_cast %parallel_loop3A_378 : i32 to index
          %parallel_loop3A_382 = arith.index_cast %parallel_loop3A_229 : i32 to index
          %parallel_loop3A_383 = tpu.vector_load %arg13[%parallel_loop3A_379, %parallel_loop3A_380, %parallel_loop3A_381, %parallel_loop3A_382] {strides = array<i32>} : memref<4x10x8x128xf32, #tpu.memory_space<vmem>>, vector<16xf32>,
          tpu.vector_store %arg13[%parallel_loop3A_379, %parallel_loop3A_380, %parallel_loop3A_381, %parallel_loop3A_382], %parallel_loop3A_376 {strides = array<i32>} : memref<4x10x8x128xf32, #tpu.memory_space<vmem>>, vector<16xf32>,
          %parallel_loop3A_384 = arith.constant 14 : i32
          %parallel_loop3A_385 = vector.broadcast %parallel_loop3A_384 : i32 to vector<16xi32>
          %parallel_loop3A_386 = arith.addi %parallel_loop3A_187, %parallel_loop3A_385 : vector<16xi32>
          %parallel_loop3A_387 = tpu.vector_load_idx %arg10[%parallel_loop3A_386] : memref<8712xf32, #tpu.memory_space<vmem>>[vector<16xi32>], vector<16xf32>,
          %parallel_loop3A_388 = arith.constant 1 : i32
          %parallel_loop3A_389 = arith.constant 6 : i32
          %parallel_loop3A_390 = arith.index_cast %parallel_loop3A_388 : i32 to index
          %parallel_loop3A_391 = arith.index_cast %parallel_loop3A_211 : i32 to index
          %parallel_loop3A_392 = arith.index_cast %parallel_loop3A_389 : i32 to index
          %parallel_loop3A_393 = arith.index_cast %parallel_loop3A_229 : i32 to index
          %parallel_loop3A_394 = tpu.vector_load %arg13[%parallel_loop3A_390, %parallel_loop3A_391, %parallel_loop3A_392, %parallel_loop3A_393] {strides = array<i32>} : memref<4x10x8x128xf32, #tpu.memory_space<vmem>>, vector<16xf32>,
          tpu.vector_store %arg13[%parallel_loop3A_390, %parallel_loop3A_391, %parallel_loop3A_392, %parallel_loop3A_393], %parallel_loop3A_387 {strides = array<i32>} : memref<4x10x8x128xf32, #tpu.memory_space<vmem>>, vector<16xf32>,
          %parallel_loop3A_395 = arith.constant 15 : i32
          %parallel_loop3A_396 = vector.broadcast %parallel_loop3A_395 : i32 to vector<16xi32>
          %parallel_loop3A_397 = arith.addi %parallel_loop3A_187, %parallel_loop3A_396 : vector<16xi32>
          %parallel_loop3A_398 = tpu.vector_load_idx %arg10[%parallel_loop3A_397] : memref<8712xf32, #tpu.memory_space<vmem>>[vector<16xi32>], vector<16xf32>,
          %parallel_loop3A_399 = arith.constant 1 : i32
          %parallel_loop3A_400 = arith.constant 7 : i32
          %parallel_loop3A_401 = arith.index_cast %parallel_loop3A_399 : i32 to index
          %parallel_loop3A_402 = arith.index_cast %parallel_loop3A_211 : i32 to index
          %parallel_loop3A_403 = arith.index_cast %parallel_loop3A_400 : i32 to index
          %parallel_loop3A_404 = arith.index_cast %parallel_loop3A_229 : i32 to index
          %parallel_loop3A_405 = tpu.vector_load %arg13[%parallel_loop3A_401, %parallel_loop3A_402, %parallel_loop3A_403, %parallel_loop3A_404] {strides = array<i32>} : memref<4x10x8x128xf32, #tpu.memory_space<vmem>>, vector<16xf32>,
          tpu.vector_store %arg13[%parallel_loop3A_401, %parallel_loop3A_402, %parallel_loop3A_403, %parallel_loop3A_404], %parallel_loop3A_398 {strides = array<i32>} : memref<4x10x8x128xf32, #tpu.memory_space<vmem>>, vector<16xf32>,
          %parallel_loop3A_406 = arith.constant 16 : i32
          %parallel_loop3A_407 = vector.broadcast %parallel_loop3A_406 : i32 to vector<16xi32>
          %parallel_loop3A_408 = arith.addi %parallel_loop3A_187, %parallel_loop3A_407 : vector<16xi32>
          %parallel_loop3A_409 = tpu.vector_load_idx %arg10[%parallel_loop3A_408] : memref<8712xf32, #tpu.memory_space<vmem>>[vector<16xi32>], vector<16xf32>,
          %parallel_loop3A_410 = arith.constant 2 : i32
          %parallel_loop3A_411 = arith.constant 0 : i32
          %parallel_loop3A_412 = arith.index_cast %parallel_loop3A_410 : i32 to index
          %parallel_loop3A_413 = arith.index_cast %parallel_loop3A_211 : i32 to index
          %parallel_loop3A_414 = arith.index_cast %parallel_loop3A_411 : i32 to index
          %parallel_loop3A_415 = arith.index_cast %parallel_loop3A_229 : i32 to index
          %parallel_loop3A_416 = tpu.vector_load %arg13[%parallel_loop3A_412, %parallel_loop3A_413, %parallel_loop3A_414, %parallel_loop3A_415] {strides = array<i32>} : memref<4x10x8x128xf32, #tpu.memory_space<vmem>>, vector<16xf32>,
          tpu.vector_store %arg13[%parallel_loop3A_412, %parallel_loop3A_413, %parallel_loop3A_414, %parallel_loop3A_415], %parallel_loop3A_409 {strides = array<i32>} : memref<4x10x8x128xf32, #tpu.memory_space<vmem>>, vector<16xf32>,
          %parallel_loop3A_417 = arith.constant 17 : i32
          %parallel_loop3A_418 = vector.broadcast %parallel_loop3A_417 : i32 to vector<16xi32>
          %parallel_loop3A_419 = arith.addi %parallel_loop3A_187, %parallel_loop3A_418 : vector<16xi32>
          %parallel_loop3A_420 = tpu.vector_load_idx %arg10[%parallel_loop3A_419] : memref<8712xf32, #tpu.memory_space<vmem>>[vector<16xi32>], vector<16xf32>,
          %parallel_loop3A_421 = arith.constant 2 : i32
          %parallel_loop3A_422 = arith.constant 1 : i32
          %parallel_loop3A_423 = arith.index_cast %parallel_loop3A_421 : i32 to index
          %parallel_loop3A_424 = arith.index_cast %parallel_loop3A_211 : i32 to index
          %parallel_loop3A_425 = arith.index_cast %parallel_loop3A_422 : i32 to index
          %parallel_loop3A_426 = arith.index_cast %parallel_loop3A_229 : i32 to index
          %parallel_loop3A_427 = tpu.vector_load %arg13[%parallel_loop3A_423, %parallel_loop3A_424, %parallel_loop3A_425, %parallel_loop3A_426] {strides = array<i32>} : memref<4x10x8x128xf32, #tpu.memory_space<vmem>>, vector<16xf32>,
          tpu.vector_store %arg13[%parallel_loop3A_423, %parallel_loop3A_424, %parallel_loop3A_425, %parallel_loop3A_426], %parallel_loop3A_420 {strides = array<i32>} : memref<4x10x8x128xf32, #tpu.memory_space<vmem>>, vector<16xf32>,
          %parallel_loop3A_428 = arith.constant 18 : i32
          %parallel_loop3A_429 = vector.broadcast %parallel_loop3A_428 : i32 to vector<16xi32>
          %parallel_loop3A_430 = arith.addi %parallel_loop3A_187, %parallel_loop3A_429 : vector<16xi32>
          %parallel_loop3A_431 = tpu.vector_load_idx %arg10[%parallel_loop3A_430] : memref<8712xf32, #tpu.memory_space<vmem>>[vector<16xi32>], vector<16xf32>,
          %parallel_loop3A_432 = arith.constant 2 : i32
          %parallel_loop3A_433 = arith.constant 2 : i32
          %parallel_loop3A_434 = arith.index_cast %parallel_loop3A_432 : i32 to index
          %parallel_loop3A_435 = arith.index_cast %parallel_loop3A_211 : i32 to index
          %parallel_loop3A_436 = arith.index_cast %parallel_loop3A_433 : i32 to index
          %parallel_loop3A_437 = arith.index_cast %parallel_loop3A_229 : i32 to index
          %parallel_loop3A_438 = tpu.vector_load %arg13[%parallel_loop3A_434, %parallel_loop3A_435, %parallel_loop3A_436, %parallel_loop3A_437] {strides = array<i32>} : memref<4x10x8x128xf32, #tpu.memory_space<vmem>>, vector<16xf32>,
          tpu.vector_store %arg13[%parallel_loop3A_434, %parallel_loop3A_435, %parallel_loop3A_436, %parallel_loop3A_437], %parallel_loop3A_431 {strides = array<i32>} : memref<4x10x8x128xf32, #tpu.memory_space<vmem>>, vector<16xf32>,
          %parallel_loop3A_439 = arith.constant 19 : i32
          %parallel_loop3A_440 = vector.broadcast %parallel_loop3A_439 : i32 to vector<16xi32>
          %parallel_loop3A_441 = arith.addi %parallel_loop3A_187, %parallel_loop3A_440 : vector<16xi32>
          %parallel_loop3A_442 = tpu.vector_load_idx %arg10[%parallel_loop3A_441] : memref<8712xf32, #tpu.memory_space<vmem>>[vector<16xi32>], vector<16xf32>,
          %parallel_loop3A_443 = arith.constant 2 : i32
          %parallel_loop3A_444 = arith.constant 3 : i32
          %parallel_loop3A_445 = arith.index_cast %parallel_loop3A_443 : i32 to index
          %parallel_loop3A_446 = arith.index_cast %parallel_loop3A_211 : i32 to index
          %parallel_loop3A_447 = arith.index_cast %parallel_loop3A_444 : i32 to index
          %parallel_loop3A_448 = arith.index_cast %parallel_loop3A_229 : i32 to index
          %parallel_loop3A_449 = tpu.vector_load %arg13[%parallel_loop3A_445, %parallel_loop3A_446, %parallel_loop3A_447, %parallel_loop3A_448] {strides = array<i32>} : memref<4x10x8x128xf32, #tpu.memory_space<vmem>>, vector<16xf32>,
          tpu.vector_store %arg13[%parallel_loop3A_445, %parallel_loop3A_446, %parallel_loop3A_447, %parallel_loop3A_448], %parallel_loop3A_442 {strides = array<i32>} : memref<4x10x8x128xf32, #tpu.memory_space<vmem>>, vector<16xf32>,
          %parallel_loop3A_450 = arith.constant 20 : i32
          %parallel_loop3A_451 = vector.broadcast %parallel_loop3A_450 : i32 to vector<16xi32>
          %parallel_loop3A_452 = arith.addi %parallel_loop3A_187, %parallel_loop3A_451 : vector<16xi32>
          %parallel_loop3A_453 = tpu.vector_load_idx %arg10[%parallel_loop3A_452] : memref<8712xf32, #tpu.memory_space<vmem>>[vector<16xi32>], vector<16xf32>,
          %parallel_loop3A_454 = arith.constant 2 : i32
          %parallel_loop3A_455 = arith.constant 4 : i32
          %parallel_loop3A_456 = arith.index_cast %parallel_loop3A_454 : i32 to index
          %parallel_loop3A_457 = arith.index_cast %parallel_loop3A_211 : i32 to index
          %parallel_loop3A_458 = arith.index_cast %parallel_loop3A_455 : i32 to index
          %parallel_loop3A_459 = arith.index_cast %parallel_loop3A_229 : i32 to index
          %parallel_loop3A_460 = tpu.vector_load %arg13[%parallel_loop3A_456, %parallel_loop3A_457, %parallel_loop3A_458, %parallel_loop3A_459] {strides = array<i32>} : memref<4x10x8x128xf32, #tpu.memory_space<vmem>>, vector<16xf32>,
          tpu.vector_store %arg13[%parallel_loop3A_456, %parallel_loop3A_457, %parallel_loop3A_458, %parallel_loop3A_459], %parallel_loop3A_453 {strides = array<i32>} : memref<4x10x8x128xf32, #tpu.memory_space<vmem>>, vector<16xf32>,
          %parallel_loop3A_461 = arith.constant 21 : i32
          %parallel_loop3A_462 = vector.broadcast %parallel_loop3A_461 : i32 to vector<16xi32>
          %parallel_loop3A_463 = arith.addi %parallel_loop3A_187, %parallel_loop3A_462 : vector<16xi32>
          %parallel_loop3A_464 = tpu.vector_load_idx %arg10[%parallel_loop3A_463] : memref<8712xf32, #tpu.memory_space<vmem>>[vector<16xi32>], vector<16xf32>,
          %parallel_loop3A_465 = arith.constant 2 : i32
          %parallel_loop3A_466 = arith.constant 5 : i32
          %parallel_loop3A_467 = arith.index_cast %parallel_loop3A_465 : i32 to index
          %parallel_loop3A_468 = arith.index_cast %parallel_loop3A_211 : i32 to index
          %parallel_loop3A_469 = arith.index_cast %parallel_loop3A_466 : i32 to index
          %parallel_loop3A_470 = arith.index_cast %parallel_loop3A_229 : i32 to index
          %parallel_loop3A_471 = tpu.vector_load %arg13[%parallel_loop3A_467, %parallel_loop3A_468, %parallel_loop3A_469, %parallel_loop3A_470] {strides = array<i32>} : memref<4x10x8x128xf32, #tpu.memory_space<vmem>>, vector<16xf32>,
          tpu.vector_store %arg13[%parallel_loop3A_467, %parallel_loop3A_468, %parallel_loop3A_469, %parallel_loop3A_470], %parallel_loop3A_464 {strides = array<i32>} : memref<4x10x8x128xf32, #tpu.memory_space<vmem>>, vector<16xf32>,
          %parallel_loop3A_472 = arith.constant 22 : i32
          %parallel_loop3A_473 = vector.broadcast %parallel_loop3A_472 : i32 to vector<16xi32>
          %parallel_loop3A_474 = arith.addi %parallel_loop3A_187, %parallel_loop3A_473 : vector<16xi32>
          %parallel_loop3A_475 = tpu.vector_load_idx %arg10[%parallel_loop3A_474] : memref<8712xf32, #tpu.memory_space<vmem>>[vector<16xi32>], vector<16xf32>,
          %parallel_loop3A_476 = arith.constant 2 : i32
          %parallel_loop3A_477 = arith.constant 6 : i32
          %parallel_loop3A_478 = arith.index_cast %parallel_loop3A_476 : i32 to index
          %parallel_loop3A_479 = arith.index_cast %parallel_loop3A_211 : i32 to index
          %parallel_loop3A_480 = arith.index_cast %parallel_loop3A_477 : i32 to index
          %parallel_loop3A_481 = arith.index_cast %parallel_loop3A_229 : i32 to index
          %parallel_loop3A_482 = tpu.vector_load %arg13[%parallel_loop3A_478, %parallel_loop3A_479, %parallel_loop3A_480, %parallel_loop3A_481] {strides = array<i32>} : memref<4x10x8x128xf32, #tpu.memory_space<vmem>>, vector<16xf32>,
          tpu.vector_store %arg13[%parallel_loop3A_478, %parallel_loop3A_479, %parallel_loop3A_480, %parallel_loop3A_481], %parallel_loop3A_475 {strides = array<i32>} : memref<4x10x8x128xf32, #tpu.memory_space<vmem>>, vector<16xf32>,
          %parallel_loop3A_483 = arith.constant 23 : i32
          %parallel_loop3A_484 = vector.broadcast %parallel_loop3A_483 : i32 to vector<16xi32>
          %parallel_loop3A_485 = arith.addi %parallel_loop3A_187, %parallel_loop3A_484 : vector<16xi32>
          %parallel_loop3A_486 = tpu.vector_load_idx %arg10[%parallel_loop3A_485] : memref<8712xf32, #tpu.memory_space<vmem>>[vector<16xi32>], vector<16xf32>,
          %parallel_loop3A_487 = arith.constant 2 : i32
          %parallel_loop3A_488 = arith.constant 7 : i32
          %parallel_loop3A_489 = arith.index_cast %parallel_loop3A_487 : i32 to index
          %parallel_loop3A_490 = arith.index_cast %parallel_loop3A_211 : i32 to index
          %parallel_loop3A_491 = arith.index_cast %parallel_loop3A_488 : i32 to index
          %parallel_loop3A_492 = arith.index_cast %parallel_loop3A_229 : i32 to index
          %parallel_loop3A_493 = tpu.vector_load %arg13[%parallel_loop3A_489, %parallel_loop3A_490, %parallel_loop3A_491, %parallel_loop3A_492] {strides = array<i32>} : memref<4x10x8x128xf32, #tpu.memory_space<vmem>>, vector<16xf32>,
          tpu.vector_store %arg13[%parallel_loop3A_489, %parallel_loop3A_490, %parallel_loop3A_491, %parallel_loop3A_492], %parallel_loop3A_486 {strides = array<i32>} : memref<4x10x8x128xf32, #tpu.memory_space<vmem>>, vector<16xf32>,
          %parallel_loop3A_494 = arith.constant 24 : i32
          %parallel_loop3A_495 = vector.broadcast %parallel_loop3A_494 : i32 to vector<16xi32>
          %parallel_loop3A_496 = arith.addi %parallel_loop3A_187, %parallel_loop3A_495 : vector<16xi32>
          %parallel_loop3A_497 = tpu.vector_load_idx %arg10[%parallel_loop3A_496] : memref<8712xf32, #tpu.memory_space<vmem>>[vector<16xi32>], vector<16xf32>,
          %parallel_loop3A_498 = arith.constant 3 : i32
          %parallel_loop3A_499 = arith.constant 0 : i32
          %parallel_loop3A_500 = arith.index_cast %parallel_loop3A_498 : i32 to index
          %parallel_loop3A_501 = arith.index_cast %parallel_loop3A_211 : i32 to index
          %parallel_loop3A_502 = arith.index_cast %parallel_loop3A_499 : i32 to index
          %parallel_loop3A_503 = arith.index_cast %parallel_loop3A_229 : i32 to index
          %parallel_loop3A_504 = tpu.vector_load %arg13[%parallel_loop3A_500, %parallel_loop3A_501, %parallel_loop3A_502, %parallel_loop3A_503] {strides = array<i32>} : memref<4x10x8x128xf32, #tpu.memory_space<vmem>>, vector<16xf32>,
          tpu.vector_store %arg13[%parallel_loop3A_500, %parallel_loop3A_501, %parallel_loop3A_502, %parallel_loop3A_503], %parallel_loop3A_497 {strides = array<i32>} : memref<4x10x8x128xf32, #tpu.memory_space<vmem>>, vector<16xf32>,
          %parallel_loop3A_505 = arith.constant 25 : i32
          %parallel_loop3A_506 = vector.broadcast %parallel_loop3A_505 : i32 to vector<16xi32>
          %parallel_loop3A_507 = arith.addi %parallel_loop3A_187, %parallel_loop3A_506 : vector<16xi32>
          %parallel_loop3A_508 = tpu.vector_load_idx %arg10[%parallel_loop3A_507] : memref<8712xf32, #tpu.memory_space<vmem>>[vector<16xi32>], vector<16xf32>,
          %parallel_loop3A_509 = arith.constant 3 : i32
          %parallel_loop3A_510 = arith.constant 1 : i32
          %parallel_loop3A_511 = arith.index_cast %parallel_loop3A_509 : i32 to index
          %parallel_loop3A_512 = arith.index_cast %parallel_loop3A_211 : i32 to index
          %parallel_loop3A_513 = arith.index_cast %parallel_loop3A_510 : i32 to index
          %parallel_loop3A_514 = arith.index_cast %parallel_loop3A_229 : i32 to index
          %parallel_loop3A_515 = tpu.vector_load %arg13[%parallel_loop3A_511, %parallel_loop3A_512, %parallel_loop3A_513, %parallel_loop3A_514] {strides = array<i32>} : memref<4x10x8x128xf32, #tpu.memory_space<vmem>>, vector<16xf32>,
          tpu.vector_store %arg13[%parallel_loop3A_511, %parallel_loop3A_512, %parallel_loop3A_513, %parallel_loop3A_514], %parallel_loop3A_508 {strides = array<i32>} : memref<4x10x8x128xf32, #tpu.memory_space<vmem>>, vector<16xf32>,
          %parallel_loop3A_516 = arith.constant 26 : i32
          %parallel_loop3A_517 = vector.broadcast %parallel_loop3A_516 : i32 to vector<16xi32>
          %parallel_loop3A_518 = arith.addi %parallel_loop3A_187, %parallel_loop3A_517 : vector<16xi32>
          %parallel_loop3A_519 = tpu.vector_load_idx %arg10[%parallel_loop3A_518] : memref<8712xf32, #tpu.memory_space<vmem>>[vector<16xi32>], vector<16xf32>,
          %parallel_loop3A_520 = arith.constant 3 : i32
          %parallel_loop3A_521 = arith.constant 2 : i32
          %parallel_loop3A_522 = arith.index_cast %parallel_loop3A_520 : i32 to index
          %parallel_loop3A_523 = arith.index_cast %parallel_loop3A_211 : i32 to index
          %parallel_loop3A_524 = arith.index_cast %parallel_loop3A_521 : i32 to index
          %parallel_loop3A_525 = arith.index_cast %parallel_loop3A_229 : i32 to index
          %parallel_loop3A_526 = tpu.vector_load %arg13[%parallel_loop3A_522, %parallel_loop3A_523, %parallel_loop3A_524, %parallel_loop3A_525] {strides = array<i32>} : memref<4x10x8x128xf32, #tpu.memory_space<vmem>>, vector<16xf32>,
          tpu.vector_store %arg13[%parallel_loop3A_522, %parallel_loop3A_523, %parallel_loop3A_524, %parallel_loop3A_525], %parallel_loop3A_519 {strides = array<i32>} : memref<4x10x8x128xf32, #tpu.memory_space<vmem>>, vector<16xf32>,
          %parallel_loop3A_527 = arith.constant 27 : i32
          %parallel_loop3A_528 = vector.broadcast %parallel_loop3A_527 : i32 to vector<16xi32>
          %parallel_loop3A_529 = arith.addi %parallel_loop3A_187, %parallel_loop3A_528 : vector<16xi32>
          %parallel_loop3A_530 = tpu.vector_load_idx %arg10[%parallel_loop3A_529] : memref<8712xf32, #tpu.memory_space<vmem>>[vector<16xi32>], vector<16xf32>,
          %parallel_loop3A_531 = arith.constant 3 : i32
          %parallel_loop3A_532 = arith.constant 3 : i32
          %parallel_loop3A_533 = arith.index_cast %parallel_loop3A_531 : i32 to index
          %parallel_loop3A_534 = arith.index_cast %parallel_loop3A_211 : i32 to index
          %parallel_loop3A_535 = arith.index_cast %parallel_loop3A_532 : i32 to index
          %parallel_loop3A_536 = arith.index_cast %parallel_loop3A_229 : i32 to index
          %parallel_loop3A_537 = tpu.vector_load %arg13[%parallel_loop3A_533, %parallel_loop3A_534, %parallel_loop3A_535, %parallel_loop3A_536] {strides = array<i32>} : memref<4x10x8x128xf32, #tpu.memory_space<vmem>>, vector<16xf32>,
          tpu.vector_store %arg13[%parallel_loop3A_533, %parallel_loop3A_534, %parallel_loop3A_535, %parallel_loop3A_536], %parallel_loop3A_530 {strides = array<i32>} : memref<4x10x8x128xf32, #tpu.memory_space<vmem>>, vector<16xf32>,
          %parallel_loop3A_538 = arith.constant 28 : i32
          %parallel_loop3A_539 = vector.broadcast %parallel_loop3A_538 : i32 to vector<16xi32>
          %parallel_loop3A_540 = arith.addi %parallel_loop3A_187, %parallel_loop3A_539 : vector<16xi32>
          %parallel_loop3A_541 = tpu.vector_load_idx %arg10[%parallel_loop3A_540] : memref<8712xf32, #tpu.memory_space<vmem>>[vector<16xi32>], vector<16xf32>,
          %parallel_loop3A_542 = arith.constant 3 : i32
          %parallel_loop3A_543 = arith.constant 4 : i32
          %parallel_loop3A_544 = arith.index_cast %parallel_loop3A_542 : i32 to index
          %parallel_loop3A_545 = arith.index_cast %parallel_loop3A_211 : i32 to index
          %parallel_loop3A_546 = arith.index_cast %parallel_loop3A_543 : i32 to index
          %parallel_loop3A_547 = arith.index_cast %parallel_loop3A_229 : i32 to index
          %parallel_loop3A_548 = tpu.vector_load %arg13[%parallel_loop3A_544, %parallel_loop3A_545, %parallel_loop3A_546, %parallel_loop3A_547] {strides = array<i32>} : memref<4x10x8x128xf32, #tpu.memory_space<vmem>>, vector<16xf32>,
          tpu.vector_store %arg13[%parallel_loop3A_544, %parallel_loop3A_545, %parallel_loop3A_546, %parallel_loop3A_547], %parallel_loop3A_541 {strides = array<i32>} : memref<4x10x8x128xf32, #tpu.memory_space<vmem>>, vector<16xf32>,
          %parallel_loop3A_549 = arith.constant 29 : i32
          %parallel_loop3A_550 = vector.broadcast %parallel_loop3A_549 : i32 to vector<16xi32>
          %parallel_loop3A_551 = arith.addi %parallel_loop3A_187, %parallel_loop3A_550 : vector<16xi32>
          %parallel_loop3A_552 = tpu.vector_load_idx %arg10[%parallel_loop3A_551] : memref<8712xf32, #tpu.memory_space<vmem>>[vector<16xi32>], vector<16xf32>,
          %parallel_loop3A_553 = arith.constant 3 : i32
          %parallel_loop3A_554 = arith.constant 5 : i32
          %parallel_loop3A_555 = arith.index_cast %parallel_loop3A_553 : i32 to index
          %parallel_loop3A_556 = arith.index_cast %parallel_loop3A_211 : i32 to index
          %parallel_loop3A_557 = arith.index_cast %parallel_loop3A_554 : i32 to index
          %parallel_loop3A_558 = arith.index_cast %parallel_loop3A_229 : i32 to index
          %parallel_loop3A_559 = tpu.vector_load %arg13[%parallel_loop3A_555, %parallel_loop3A_556, %parallel_loop3A_557, %parallel_loop3A_558] {strides = array<i32>} : memref<4x10x8x128xf32, #tpu.memory_space<vmem>>, vector<16xf32>,
          tpu.vector_store %arg13[%parallel_loop3A_555, %parallel_loop3A_556, %parallel_loop3A_557, %parallel_loop3A_558], %parallel_loop3A_552 {strides = array<i32>} : memref<4x10x8x128xf32, #tpu.memory_space<vmem>>, vector<16xf32>,
          %parallel_loop3A_560 = arith.constant 30 : i32
          %parallel_loop3A_561 = vector.broadcast %parallel_loop3A_560 : i32 to vector<16xi32>
          %parallel_loop3A_562 = arith.addi %parallel_loop3A_187, %parallel_loop3A_561 : vector<16xi32>
          %parallel_loop3A_563 = tpu.vector_load_idx %arg10[%parallel_loop3A_562] : memref<8712xf32, #tpu.memory_space<vmem>>[vector<16xi32>], vector<16xf32>,
          %parallel_loop3A_564 = arith.constant 3 : i32
          %parallel_loop3A_565 = arith.constant 6 : i32
          %parallel_loop3A_566 = arith.index_cast %parallel_loop3A_564 : i32 to index
          %parallel_loop3A_567 = arith.index_cast %parallel_loop3A_211 : i32 to index
          %parallel_loop3A_568 = arith.index_cast %parallel_loop3A_565 : i32 to index
          %parallel_loop3A_569 = arith.index_cast %parallel_loop3A_229 : i32 to index
          %parallel_loop3A_570 = tpu.vector_load %arg13[%parallel_loop3A_566, %parallel_loop3A_567, %parallel_loop3A_568, %parallel_loop3A_569] {strides = array<i32>} : memref<4x10x8x128xf32, #tpu.memory_space<vmem>>, vector<16xf32>,
          tpu.vector_store %arg13[%parallel_loop3A_566, %parallel_loop3A_567, %parallel_loop3A_568, %parallel_loop3A_569], %parallel_loop3A_563 {strides = array<i32>} : memref<4x10x8x128xf32, #tpu.memory_space<vmem>>, vector<16xf32>,
          %parallel_loop3A_571 = arith.constant 31 : i32
          %parallel_loop3A_572 = vector.broadcast %parallel_loop3A_571 : i32 to vector<16xi32>
          %parallel_loop3A_573 = arith.addi %parallel_loop3A_187, %parallel_loop3A_572 : vector<16xi32>
          %parallel_loop3A_574 = tpu.vector_load_idx %arg10[%parallel_loop3A_573] : memref<8712xf32, #tpu.memory_space<vmem>>[vector<16xi32>], vector<16xf32>,
          %parallel_loop3A_575 = arith.constant 3 : i32
          %parallel_loop3A_576 = arith.constant 7 : i32
          %parallel_loop3A_577 = arith.index_cast %parallel_loop3A_575 : i32 to index
          %parallel_loop3A_578 = arith.index_cast %parallel_loop3A_211 : i32 to index
          %parallel_loop3A_579 = arith.index_cast %parallel_loop3A_576 : i32 to index
          %parallel_loop3A_580 = arith.index_cast %parallel_loop3A_229 : i32 to index
          %parallel_loop3A_581 = tpu.vector_load %arg13[%parallel_loop3A_577, %parallel_loop3A_578, %parallel_loop3A_579, %parallel_loop3A_580] {strides = array<i32>} : memref<4x10x8x128xf32, #tpu.memory_space<vmem>>, vector<16xf32>,
          tpu.vector_store %arg13[%parallel_loop3A_577, %parallel_loop3A_578, %parallel_loop3A_579, %parallel_loop3A_580], %parallel_loop3A_574 {strides = array<i32>} : memref<4x10x8x128xf32, #tpu.memory_space<vmem>>, vector<16xf32>,
        } {sc.loop_unroll_factor = 8 : i64, sc.parallel_access}
        %mul3A_111 = arith.constant 10 : i32
        %mul3A_112 = arith.muli %add3A_79, %mul3A_111 : i32
        %dma_start3A_113 = arith.constant 0 : i32
        %dma_start3A_114 = arith.constant 0 : i32
        %dma_start3A_115 = arith.constant 0 : i32
        %dma_start3A_116 = tpu.memref_slice %arg6[%dma_start3A_113, %mul3A_112, %dma_start3A_114, %dma_start3A_115] : memref<4x12500x8x128xf32, #tpu.memory_space<hbm>> -> memref<4x10x8x128xf32, #tpu.memory_space<hbm>>
        %dma_start3A_117 = arith.constant 0 : i32
        %dma_start3A_118 = arith.constant 0 : i32
        %dma_start3A_119 = arith.constant 0 : i32
        %dma_start3A_120 = tpu.memref_slice %arg6[%dma_start3A_117, %mul3A_112, %dma_start3A_118, %dma_start3A_119] : memref<4x12500x8x128xf32, #tpu.memory_space<hbm>> -> memref<4x10x8x128xf32, #tpu.memory_space<hbm>>
        tpu.enqueue_dma source(%arg13 : memref<4x10x8x128xf32, #tpu.memory_space<vmem>>) target(%dma_start3A_120 : memref<4x10x8x128xf32, #tpu.memory_space<hbm>>) target_semaphore(%arg17 : memref<!tpu.dma_semaphore, #tpu.memory_space<semaphore_mem>>)
      } else {
      }
      %add3A_87 = arith.constant 32 : i32
      %add3A_88 = arith.addi %add3A_79, %add3A_87 : i32
      %add3A_89 = arith.constant 64 : i32
      %add3A_90 = arith.addi %add3A_79, %add3A_89 : i32
      %lt3A_91 = arith.constant 1250 : i32
      %lt3A_92 = arith.cmpi slt, %add3A_88, %lt3A_91 : i32
      %convert_element_type3A_93 = arith.extui %lt3A_92 : i1 to i32
      %cond3A_94 = arith.constant 0 : i32
      %cond3A_95 = arith.cmpi ne, %convert_element_type3A_93, %cond3A_94 : i32
      scf.if %cond3A_95 {
        %mul3A_96 = arith.constant 5120 : i32
        %mul3A_97 = arith.muli %add3A_88, %mul3A_96 : i32
        %dma_wait3A = tpu.memref_slice %arg2[%mul3A_97] : memref<6400000xi32, #tpu.memory_space<hbm>> -> memref<5120xi32, #tpu.memory_space<hbm>>
        %dma_wait3A_98 = tpu.memref_slice %arg2[%mul3A_97] : memref<6400000xi32, #tpu.memory_space<hbm>> -> memref<5120xi32, #tpu.memory_space<hbm>>
        tpu.wait_dma2 semaphore(%arg16 : memref<!tpu.dma_semaphore, #tpu.memory_space<semaphore_mem>>) src(%dma_wait3A_98 : memref<5120xi32, #tpu.memory_space<hbm>>) dst(%arg12 : memref<5120xi32, #tpu.memory_space<vmem>>)
        %lt3A_99 = arith.constant 1250 : i32
        %lt3A_100 = arith.cmpi slt, %add3A_90, %lt3A_99 : i32
        %convert_element_type3A_101 = arith.extui %lt3A_100 : i1 to i32
        %cond3A_102 = arith.constant 0 : i32
        %cond3A_103 = arith.cmpi ne, %convert_element_type3A_101, %cond3A_102 : i32
        scf.if %cond3A_103 {
          %mul3A_121 = arith.constant 5120 : i32
          %mul3A_122 = arith.muli %add3A_90, %mul3A_121 : i32
          %dma_start3A_123 = tpu.memref_slice %arg2[%mul3A_122] : memref<6400000xi32, #tpu.memory_space<hbm>> -> memref<5120xi32, #tpu.memory_space<hbm>>
          %dma_start3A_124 = tpu.memref_slice %arg2[%mul3A_122] : memref<6400000xi32, #tpu.memory_space<hbm>> -> memref<5120xi32, #tpu.memory_space<hbm>>
          tpu.enqueue_dma source(%dma_start3A_124 : memref<5120xi32, #tpu.memory_space<hbm>>) target(%arg11 : memref<5120xi32, #tpu.memory_space<vmem>>) target_semaphore(%arg15 : memref<!tpu.dma_semaphore, #tpu.memory_space<semaphore_mem>>)
        } else {
        }
        %ge3A = arith.constant 64 : i32
        %ge3A_104 = arith.cmpi sge, %add3A_88, %ge3A : i32
        %convert_element_type3A_105 = arith.extui %ge3A_104 : i1 to i32
        %cond3A_106 = arith.constant 0 : i32
        %cond3A_107 = arith.cmpi ne, %convert_element_type3A_105, %cond3A_106 : i32
        scf.if %cond3A_107 {
          %sub3A_121 = arith.constant 64 : i32
          %sub3A_122 = arith.subi %add3A_88, %sub3A_121 : i32
          %mul3A_123 = arith.constant 10 : i32
          %mul3A_124 = arith.muli %sub3A_122, %mul3A_123 : i32
          %dma_wait3A_125 = arith.constant 0 : i32
          %dma_wait3A_126 = arith.constant 0 : i32
          %dma_wait3A_127 = arith.constant 0 : i32
          %dma_wait3A_128 = tpu.memref_slice %arg6[%dma_wait3A_125, %mul3A_124, %dma_wait3A_126, %dma_wait3A_127] : memref<4x12500x8x128xf32, #tpu.memory_space<hbm>> -> memref<4x10x8x128xf32, #tpu.memory_space<hbm>>
          %dma_wait3A_129 = arith.constant 0 : i32
          %dma_wait3A_130 = arith.constant 0 : i32
          %dma_wait3A_131 = arith.constant 0 : i32
          %dma_wait3A_132 = tpu.memref_slice %arg6[%dma_wait3A_129, %mul3A_124, %dma_wait3A_130, %dma_wait3A_131] : memref<4x12500x8x128xf32, #tpu.memory_space<hbm>> -> memref<4x10x8x128xf32, #tpu.memory_space<hbm>>
          tpu.wait_dma2 semaphore(%arg18 : memref<!tpu.dma_semaphore, #tpu.memory_space<semaphore_mem>>) src(%arg14 : memref<4x10x8x128xf32, #tpu.memory_space<vmem>>) dst(%dma_wait3A_132 : memref<4x10x8x128xf32, #tpu.memory_space<hbm>>)
        } else {
        }
        %parallel_loop3A_108 = arith.constant 0 : i32
        %parallel_loop3A_109 = arith.constant 80 : i32
        %parallel_loop3A_110 = arith.constant 1 : i32
        scf.for %parallel_loop3A_121 = %parallel_loop3A_108 to %parallel_loop3A_109 step %parallel_loop3A_110  : i32 {
          %parallel_loop3A_122 = arith.constant 8 : i32
          %parallel_loop3A_123 = arith.divsi %parallel_loop3A_121, %parallel_loop3A_122 : i32
          %parallel_loop3A_124 = arith.constant 0 : i32
          %parallel_loop3A_125 = arith.cmpi sgt, %parallel_loop3A_121, %parallel_loop3A_124 : i32
          %parallel_loop3A_126 = arith.extui %parallel_loop3A_125 : i1 to i32
          %parallel_loop3A_127 = arith.constant 0 : i32
          %parallel_loop3A_128 = arith.cmpi slt, %parallel_loop3A_121, %parallel_loop3A_127 : i32
          %parallel_loop3A_129 = arith.extui %parallel_loop3A_128 : i1 to i32
          %parallel_loop3A_130 = arith.subi %parallel_loop3A_126, %parallel_loop3A_129 : i32
          %parallel_loop3A_131 = arith.constant 0 : i32
          %parallel_loop3A_132 = arith.cmpi sgt, %parallel_loop3A_122, %parallel_loop3A_131 : i32
          %parallel_loop3A_133 = arith.extui %parallel_loop3A_132 : i1 to i32
          %parallel_loop3A_134 = arith.constant 0 : i32
          %parallel_loop3A_135 = arith.cmpi slt, %parallel_loop3A_122, %parallel_loop3A_134 : i32
          %parallel_loop3A_136 = arith.extui %parallel_loop3A_135 : i1 to i32
          %parallel_loop3A_137 = arith.subi %parallel_loop3A_133, %parallel_loop3A_136 : i32
          %parallel_loop3A_138 = arith.cmpi ne, %parallel_loop3A_130, %parallel_loop3A_137 : i32
          %parallel_loop3A_139 = arith.remsi %parallel_loop3A_121, %parallel_loop3A_122 : i32
          %parallel_loop3A_140 = arith.constant 0 : i32
          %parallel_loop3A_141 = arith.cmpi ne, %parallel_loop3A_139, %parallel_loop3A_140 : i32
          %parallel_loop3A_142 = arith.andi %parallel_loop3A_138, %parallel_loop3A_141 : i1
          %parallel_loop3A_143 = arith.constant 1 : i32
          %parallel_loop3A_144 = arith.subi %parallel_loop3A_123, %parallel_loop3A_143 : i32
          %parallel_loop3A_145 = arith.select %parallel_loop3A_142, %parallel_loop3A_144, %parallel_loop3A_123 : i32
          %parallel_loop3A_146 = arith.constant 512 : i32
          %parallel_loop3A_147 = arith.muli %parallel_loop3A_145, %parallel_loop3A_146 : i32
          %parallel_loop3A_148 = arith.constant 8 : i32
          %parallel_loop3A_149 = arith.constant 0 : i32
          %parallel_loop3A_150 = arith.cmpi eq, %parallel_loop3A_148, %parallel_loop3A_149 : i32
          %parallel_loop3A_151 = arith.constant 1 : i32
          %parallel_loop3A_152 = arith.select %parallel_loop3A_150, %parallel_loop3A_151, %parallel_loop3A_148 : i32
          %parallel_loop3A_153 = arith.remsi %parallel_loop3A_121, %parallel_loop3A_152 : i32
          %parallel_loop3A_154 = arith.constant 0 : i32
          %parallel_loop3A_155 = arith.cmpi ne, %parallel_loop3A_153, %parallel_loop3A_154 : i32
          %parallel_loop3A_156 = arith.constant 0 : i32
          %parallel_loop3A_157 = arith.cmpi slt, %parallel_loop3A_153, %parallel_loop3A_156 : i32
          %parallel_loop3A_158 = arith.constant 0 : i32
          %parallel_loop3A_159 = arith.cmpi slt, %parallel_loop3A_152, %parallel_loop3A_158 : i32
          %parallel_loop3A_160 = arith.xori %parallel_loop3A_157, %parallel_loop3A_159 : i1
          %parallel_loop3A_161 = arith.andi %parallel_loop3A_160, %parallel_loop3A_155 : i1
          %parallel_loop3A_162 = arith.addi %parallel_loop3A_153, %parallel_loop3A_152 : i32
          %parallel_loop3A_163 = arith.select %parallel_loop3A_161, %parallel_loop3A_162, %parallel_loop3A_153 : i32
          %parallel_loop3A_164 = arith.constant 16 : i32
          %parallel_loop3A_165 = arith.muli %parallel_loop3A_163, %parallel_loop3A_164 : i32
          %parallel_loop3A_166 = arith.addi %parallel_loop3A_147, %parallel_loop3A_165 : i32
          %parallel_loop3A_167 = arith.index_cast %parallel_loop3A_166 : i32 to index
          %parallel_loop3A_168 = tpu.vector_load %arg12[%parallel_loop3A_167] {strides = array<i32>} : memref<5120xi32, #tpu.memory_space<vmem>>, vector<16xi32>,
          %parallel_loop3A_169 = arith.constant 128 : i32
          %parallel_loop3A_170 = arith.addi %parallel_loop3A_166, %parallel_loop3A_169 : i32
          %parallel_loop3A_171 = arith.index_cast %parallel_loop3A_170 : i32 to index
          %parallel_loop3A_172 = tpu.vector_load %arg12[%parallel_loop3A_171] {strides = array<i32>} : memref<5120xi32, #tpu.memory_space<vmem>>, vector<16xi32>,
          %parallel_loop3A_173 = arith.constant 256 : i32
          %parallel_loop3A_174 = arith.addi %parallel_loop3A_166, %parallel_loop3A_173 : i32
          %parallel_loop3A_175 = arith.index_cast %parallel_loop3A_174 : i32 to index
          %parallel_loop3A_176 = tpu.vector_load %arg12[%parallel_loop3A_175] {strides = array<i32>} : memref<5120xi32, #tpu.memory_space<vmem>>, vector<16xi32>,
          %parallel_loop3A_177 = arith.constant 396 : i32
          %parallel_loop3A_178 = vector.broadcast %parallel_loop3A_177 : i32 to vector<16xi32>
          %parallel_loop3A_179 = arith.muli %parallel_loop3A_168, %parallel_loop3A_178 : vector<16xi32>
          %parallel_loop3A_180 = arith.constant 66 : i32
          %parallel_loop3A_181 = vector.broadcast %parallel_loop3A_180 : i32 to vector<16xi32>
          %parallel_loop3A_182 = arith.muli %parallel_loop3A_172, %parallel_loop3A_181 : vector<16xi32>
          %parallel_loop3A_183 = arith.addi %parallel_loop3A_179, %parallel_loop3A_182 : vector<16xi32>
          %parallel_loop3A_184 = arith.constant 33 : i32
          %parallel_loop3A_185 = vector.broadcast %parallel_loop3A_184 : i32 to vector<16xi32>
          %parallel_loop3A_186 = arith.muli %parallel_loop3A_176, %parallel_loop3A_185 : vector<16xi32>
          %parallel_loop3A_187 = arith.addi %parallel_loop3A_183, %parallel_loop3A_186 : vector<16xi32>
          %parallel_loop3A_188 = arith.constant 8 : i32
          %parallel_loop3A_189 = arith.divsi %parallel_loop3A_121, %parallel_loop3A_188 : i32
          %parallel_loop3A_190 = arith.constant 0 : i32
          %parallel_loop3A_191 = arith.cmpi sgt, %parallel_loop3A_121, %parallel_loop3A_190 : i32
          %parallel_loop3A_192 = arith.extui %parallel_loop3A_191 : i1 to i32
          %parallel_loop3A_193 = arith.constant 0 : i32
          %parallel_loop3A_194 = arith.cmpi slt, %parallel_loop3A_121, %parallel_loop3A_193 : i32
          %parallel_loop3A_195 = arith.extui %parallel_loop3A_194 : i1 to i32
          %parallel_loop3A_196 = arith.subi %parallel_loop3A_192, %parallel_loop3A_195 : i32
          %parallel_loop3A_197 = arith.constant 0 : i32
          %parallel_loop3A_198 = arith.cmpi sgt, %parallel_loop3A_188, %parallel_loop3A_197 : i32
          %parallel_loop3A_199 = arith.extui %parallel_loop3A_198 : i1 to i32
          %parallel_loop3A_200 = arith.constant 0 : i32
          %parallel_loop3A_201 = arith.cmpi slt, %parallel_loop3A_188, %parallel_loop3A_200 : i32
          %parallel_loop3A_202 = arith.extui %parallel_loop3A_201 : i1 to i32
          %parallel_loop3A_203 = arith.subi %parallel_loop3A_199, %parallel_loop3A_202 : i32
          %parallel_loop3A_204 = arith.cmpi ne, %parallel_loop3A_196, %parallel_loop3A_203 : i32
          %parallel_loop3A_205 = arith.remsi %parallel_loop3A_121, %parallel_loop3A_188 : i32
          %parallel_loop3A_206 = arith.constant 0 : i32
          %parallel_loop3A_207 = arith.cmpi ne, %parallel_loop3A_205, %parallel_loop3A_206 : i32
          %parallel_loop3A_208 = arith.andi %parallel_loop3A_204, %parallel_loop3A_207 : i1
          %parallel_loop3A_209 = arith.constant 1 : i32
          %parallel_loop3A_210 = arith.subi %parallel_loop3A_189, %parallel_loop3A_209 : i32
          %parallel_loop3A_211 = arith.select %parallel_loop3A_208, %parallel_loop3A_210, %parallel_loop3A_189 : i32
          %parallel_loop3A_212 = arith.constant 8 : i32
          %parallel_loop3A_213 = arith.constant 0 : i32
          %parallel_loop3A_214 = arith.cmpi eq, %parallel_loop3A_212, %parallel_loop3A_213 : i32
          %parallel_loop3A_215 = arith.constant 1 : i32
          %parallel_loop3A_216 = arith.select %parallel_loop3A_214, %parallel_loop3A_215, %parallel_loop3A_212 : i32
          %parallel_loop3A_217 = arith.remsi %parallel_loop3A_121, %parallel_loop3A_216 : i32
          %parallel_loop3A_218 = arith.constant 0 : i32
          %parallel_loop3A_219 = arith.cmpi ne, %parallel_loop3A_217, %parallel_loop3A_218 : i32
          %parallel_loop3A_220 = arith.constant 0 : i32
          %parallel_loop3A_221 = arith.cmpi slt, %parallel_loop3A_217, %parallel_loop3A_220 : i32
          %parallel_loop3A_222 = arith.constant 0 : i32
          %parallel_loop3A_223 = arith.cmpi slt, %parallel_loop3A_216, %parallel_loop3A_222 : i32
          %parallel_loop3A_224 = arith.xori %parallel_loop3A_221, %parallel_loop3A_223 : i1
          %parallel_loop3A_225 = arith.andi %parallel_loop3A_224, %parallel_loop3A_219 : i1
          %parallel_loop3A_226 = arith.addi %parallel_loop3A_217, %parallel_loop3A_216 : i32
          %parallel_loop3A_227 = arith.select %parallel_loop3A_225, %parallel_loop3A_226, %parallel_loop3A_217 : i32
          %parallel_loop3A_228 = arith.constant 16 : i32
          %parallel_loop3A_229 = arith.muli %parallel_loop3A_227, %parallel_loop3A_228 : i32
          %parallel_loop3A_230 = arith.constant 0 : i32
          %parallel_loop3A_231 = vector.broadcast %parallel_loop3A_230 : i32 to vector<16xi32>
          %parallel_loop3A_232 = arith.addi %parallel_loop3A_187, %parallel_loop3A_231 : vector<16xi32>
          %parallel_loop3A_233 = tpu.vector_load_idx %arg10[%parallel_loop3A_232] : memref<8712xf32, #tpu.memory_space<vmem>>[vector<16xi32>], vector<16xf32>,
          %parallel_loop3A_234 = arith.constant 0 : i32
          %parallel_loop3A_235 = arith.constant 0 : i32
          %parallel_loop3A_236 = arith.index_cast %parallel_loop3A_234 : i32 to index
          %parallel_loop3A_237 = arith.index_cast %parallel_loop3A_211 : i32 to index
          %parallel_loop3A_238 = arith.index_cast %parallel_loop3A_235 : i32 to index
          %parallel_loop3A_239 = arith.index_cast %parallel_loop3A_229 : i32 to index
          %parallel_loop3A_240 = tpu.vector_load %arg14[%parallel_loop3A_236, %parallel_loop3A_237, %parallel_loop3A_238, %parallel_loop3A_239] {strides = array<i32>} : memref<4x10x8x128xf32, #tpu.memory_space<vmem>>, vector<16xf32>,
          tpu.vector_store %arg14[%parallel_loop3A_236, %parallel_loop3A_237, %parallel_loop3A_238, %parallel_loop3A_239], %parallel_loop3A_233 {strides = array<i32>} : memref<4x10x8x128xf32, #tpu.memory_space<vmem>>, vector<16xf32>,
          %parallel_loop3A_241 = arith.constant 1 : i32
          %parallel_loop3A_242 = vector.broadcast %parallel_loop3A_241 : i32 to vector<16xi32>
          %parallel_loop3A_243 = arith.addi %parallel_loop3A_187, %parallel_loop3A_242 : vector<16xi32>
          %parallel_loop3A_244 = tpu.vector_load_idx %arg10[%parallel_loop3A_243] : memref<8712xf32, #tpu.memory_space<vmem>>[vector<16xi32>], vector<16xf32>,
          %parallel_loop3A_245 = arith.constant 0 : i32
          %parallel_loop3A_246 = arith.constant 1 : i32
          %parallel_loop3A_247 = arith.index_cast %parallel_loop3A_245 : i32 to index
          %parallel_loop3A_248 = arith.index_cast %parallel_loop3A_211 : i32 to index
          %parallel_loop3A_249 = arith.index_cast %parallel_loop3A_246 : i32 to index
          %parallel_loop3A_250 = arith.index_cast %parallel_loop3A_229 : i32 to index
          %parallel_loop3A_251 = tpu.vector_load %arg14[%parallel_loop3A_247, %parallel_loop3A_248, %parallel_loop3A_249, %parallel_loop3A_250] {strides = array<i32>} : memref<4x10x8x128xf32, #tpu.memory_space<vmem>>, vector<16xf32>,
          tpu.vector_store %arg14[%parallel_loop3A_247, %parallel_loop3A_248, %parallel_loop3A_249, %parallel_loop3A_250], %parallel_loop3A_244 {strides = array<i32>} : memref<4x10x8x128xf32, #tpu.memory_space<vmem>>, vector<16xf32>,
          %parallel_loop3A_252 = arith.constant 2 : i32
          %parallel_loop3A_253 = vector.broadcast %parallel_loop3A_252 : i32 to vector<16xi32>
          %parallel_loop3A_254 = arith.addi %parallel_loop3A_187, %parallel_loop3A_253 : vector<16xi32>
          %parallel_loop3A_255 = tpu.vector_load_idx %arg10[%parallel_loop3A_254] : memref<8712xf32, #tpu.memory_space<vmem>>[vector<16xi32>], vector<16xf32>,
          %parallel_loop3A_256 = arith.constant 0 : i32
          %parallel_loop3A_257 = arith.constant 2 : i32
          %parallel_loop3A_258 = arith.index_cast %parallel_loop3A_256 : i32 to index
          %parallel_loop3A_259 = arith.index_cast %parallel_loop3A_211 : i32 to index
          %parallel_loop3A_260 = arith.index_cast %parallel_loop3A_257 : i32 to index
          %parallel_loop3A_261 = arith.index_cast %parallel_loop3A_229 : i32 to index
          %parallel_loop3A_262 = tpu.vector_load %arg14[%parallel_loop3A_258, %parallel_loop3A_259, %parallel_loop3A_260, %parallel_loop3A_261] {strides = array<i32>} : memref<4x10x8x128xf32, #tpu.memory_space<vmem>>, vector<16xf32>,
          tpu.vector_store %arg14[%parallel_loop3A_258, %parallel_loop3A_259, %parallel_loop3A_260, %parallel_loop3A_261], %parallel_loop3A_255 {strides = array<i32>} : memref<4x10x8x128xf32, #tpu.memory_space<vmem>>, vector<16xf32>,
          %parallel_loop3A_263 = arith.constant 3 : i32
          %parallel_loop3A_264 = vector.broadcast %parallel_loop3A_263 : i32 to vector<16xi32>
          %parallel_loop3A_265 = arith.addi %parallel_loop3A_187, %parallel_loop3A_264 : vector<16xi32>
          %parallel_loop3A_266 = tpu.vector_load_idx %arg10[%parallel_loop3A_265] : memref<8712xf32, #tpu.memory_space<vmem>>[vector<16xi32>], vector<16xf32>,
          %parallel_loop3A_267 = arith.constant 0 : i32
          %parallel_loop3A_268 = arith.constant 3 : i32
          %parallel_loop3A_269 = arith.index_cast %parallel_loop3A_267 : i32 to index
          %parallel_loop3A_270 = arith.index_cast %parallel_loop3A_211 : i32 to index
          %parallel_loop3A_271 = arith.index_cast %parallel_loop3A_268 : i32 to index
          %parallel_loop3A_272 = arith.index_cast %parallel_loop3A_229 : i32 to index
          %parallel_loop3A_273 = tpu.vector_load %arg14[%parallel_loop3A_269, %parallel_loop3A_270, %parallel_loop3A_271, %parallel_loop3A_272] {strides = array<i32>} : memref<4x10x8x128xf32, #tpu.memory_space<vmem>>, vector<16xf32>,
          tpu.vector_store %arg14[%parallel_loop3A_269, %parallel_loop3A_270, %parallel_loop3A_271, %parallel_loop3A_272], %parallel_loop3A_266 {strides = array<i32>} : memref<4x10x8x128xf32, #tpu.memory_space<vmem>>, vector<16xf32>,
          %parallel_loop3A_274 = arith.constant 4 : i32
          %parallel_loop3A_275 = vector.broadcast %parallel_loop3A_274 : i32 to vector<16xi32>
          %parallel_loop3A_276 = arith.addi %parallel_loop3A_187, %parallel_loop3A_275 : vector<16xi32>
          %parallel_loop3A_277 = tpu.vector_load_idx %arg10[%parallel_loop3A_276] : memref<8712xf32, #tpu.memory_space<vmem>>[vector<16xi32>], vector<16xf32>,
          %parallel_loop3A_278 = arith.constant 0 : i32
          %parallel_loop3A_279 = arith.constant 4 : i32
          %parallel_loop3A_280 = arith.index_cast %parallel_loop3A_278 : i32 to index
          %parallel_loop3A_281 = arith.index_cast %parallel_loop3A_211 : i32 to index
          %parallel_loop3A_282 = arith.index_cast %parallel_loop3A_279 : i32 to index
          %parallel_loop3A_283 = arith.index_cast %parallel_loop3A_229 : i32 to index
          %parallel_loop3A_284 = tpu.vector_load %arg14[%parallel_loop3A_280, %parallel_loop3A_281, %parallel_loop3A_282, %parallel_loop3A_283] {strides = array<i32>} : memref<4x10x8x128xf32, #tpu.memory_space<vmem>>, vector<16xf32>,
          tpu.vector_store %arg14[%parallel_loop3A_280, %parallel_loop3A_281, %parallel_loop3A_282, %parallel_loop3A_283], %parallel_loop3A_277 {strides = array<i32>} : memref<4x10x8x128xf32, #tpu.memory_space<vmem>>, vector<16xf32>,
          %parallel_loop3A_285 = arith.constant 5 : i32
          %parallel_loop3A_286 = vector.broadcast %parallel_loop3A_285 : i32 to vector<16xi32>
          %parallel_loop3A_287 = arith.addi %parallel_loop3A_187, %parallel_loop3A_286 : vector<16xi32>
          %parallel_loop3A_288 = tpu.vector_load_idx %arg10[%parallel_loop3A_287] : memref<8712xf32, #tpu.memory_space<vmem>>[vector<16xi32>], vector<16xf32>,
          %parallel_loop3A_289 = arith.constant 0 : i32
          %parallel_loop3A_290 = arith.constant 5 : i32
          %parallel_loop3A_291 = arith.index_cast %parallel_loop3A_289 : i32 to index
          %parallel_loop3A_292 = arith.index_cast %parallel_loop3A_211 : i32 to index
          %parallel_loop3A_293 = arith.index_cast %parallel_loop3A_290 : i32 to index
          %parallel_loop3A_294 = arith.index_cast %parallel_loop3A_229 : i32 to index
          %parallel_loop3A_295 = tpu.vector_load %arg14[%parallel_loop3A_291, %parallel_loop3A_292, %parallel_loop3A_293, %parallel_loop3A_294] {strides = array<i32>} : memref<4x10x8x128xf32, #tpu.memory_space<vmem>>, vector<16xf32>,
          tpu.vector_store %arg14[%parallel_loop3A_291, %parallel_loop3A_292, %parallel_loop3A_293, %parallel_loop3A_294], %parallel_loop3A_288 {strides = array<i32>} : memref<4x10x8x128xf32, #tpu.memory_space<vmem>>, vector<16xf32>,
          %parallel_loop3A_296 = arith.constant 6 : i32
          %parallel_loop3A_297 = vector.broadcast %parallel_loop3A_296 : i32 to vector<16xi32>
          %parallel_loop3A_298 = arith.addi %parallel_loop3A_187, %parallel_loop3A_297 : vector<16xi32>
          %parallel_loop3A_299 = tpu.vector_load_idx %arg10[%parallel_loop3A_298] : memref<8712xf32, #tpu.memory_space<vmem>>[vector<16xi32>], vector<16xf32>,
          %parallel_loop3A_300 = arith.constant 0 : i32
          %parallel_loop3A_301 = arith.constant 6 : i32
          %parallel_loop3A_302 = arith.index_cast %parallel_loop3A_300 : i32 to index
          %parallel_loop3A_303 = arith.index_cast %parallel_loop3A_211 : i32 to index
          %parallel_loop3A_304 = arith.index_cast %parallel_loop3A_301 : i32 to index
          %parallel_loop3A_305 = arith.index_cast %parallel_loop3A_229 : i32 to index
          %parallel_loop3A_306 = tpu.vector_load %arg14[%parallel_loop3A_302, %parallel_loop3A_303, %parallel_loop3A_304, %parallel_loop3A_305] {strides = array<i32>} : memref<4x10x8x128xf32, #tpu.memory_space<vmem>>, vector<16xf32>,
          tpu.vector_store %arg14[%parallel_loop3A_302, %parallel_loop3A_303, %parallel_loop3A_304, %parallel_loop3A_305], %parallel_loop3A_299 {strides = array<i32>} : memref<4x10x8x128xf32, #tpu.memory_space<vmem>>, vector<16xf32>,
          %parallel_loop3A_307 = arith.constant 7 : i32
          %parallel_loop3A_308 = vector.broadcast %parallel_loop3A_307 : i32 to vector<16xi32>
          %parallel_loop3A_309 = arith.addi %parallel_loop3A_187, %parallel_loop3A_308 : vector<16xi32>
          %parallel_loop3A_310 = tpu.vector_load_idx %arg10[%parallel_loop3A_309] : memref<8712xf32, #tpu.memory_space<vmem>>[vector<16xi32>], vector<16xf32>,
          %parallel_loop3A_311 = arith.constant 0 : i32
          %parallel_loop3A_312 = arith.constant 7 : i32
          %parallel_loop3A_313 = arith.index_cast %parallel_loop3A_311 : i32 to index
          %parallel_loop3A_314 = arith.index_cast %parallel_loop3A_211 : i32 to index
          %parallel_loop3A_315 = arith.index_cast %parallel_loop3A_312 : i32 to index
          %parallel_loop3A_316 = arith.index_cast %parallel_loop3A_229 : i32 to index
          %parallel_loop3A_317 = tpu.vector_load %arg14[%parallel_loop3A_313, %parallel_loop3A_314, %parallel_loop3A_315, %parallel_loop3A_316] {strides = array<i32>} : memref<4x10x8x128xf32, #tpu.memory_space<vmem>>, vector<16xf32>,
          tpu.vector_store %arg14[%parallel_loop3A_313, %parallel_loop3A_314, %parallel_loop3A_315, %parallel_loop3A_316], %parallel_loop3A_310 {strides = array<i32>} : memref<4x10x8x128xf32, #tpu.memory_space<vmem>>, vector<16xf32>,
          %parallel_loop3A_318 = arith.constant 8 : i32
          %parallel_loop3A_319 = vector.broadcast %parallel_loop3A_318 : i32 to vector<16xi32>
          %parallel_loop3A_320 = arith.addi %parallel_loop3A_187, %parallel_loop3A_319 : vector<16xi32>
          %parallel_loop3A_321 = tpu.vector_load_idx %arg10[%parallel_loop3A_320] : memref<8712xf32, #tpu.memory_space<vmem>>[vector<16xi32>], vector<16xf32>,
          %parallel_loop3A_322 = arith.constant 1 : i32
          %parallel_loop3A_323 = arith.constant 0 : i32
          %parallel_loop3A_324 = arith.index_cast %parallel_loop3A_322 : i32 to index
          %parallel_loop3A_325 = arith.index_cast %parallel_loop3A_211 : i32 to index
          %parallel_loop3A_326 = arith.index_cast %parallel_loop3A_323 : i32 to index
          %parallel_loop3A_327 = arith.index_cast %parallel_loop3A_229 : i32 to index
          %parallel_loop3A_328 = tpu.vector_load %arg14[%parallel_loop3A_324, %parallel_loop3A_325, %parallel_loop3A_326, %parallel_loop3A_327] {strides = array<i32>} : memref<4x10x8x128xf32, #tpu.memory_space<vmem>>, vector<16xf32>,
          tpu.vector_store %arg14[%parallel_loop3A_324, %parallel_loop3A_325, %parallel_loop3A_326, %parallel_loop3A_327], %parallel_loop3A_321 {strides = array<i32>} : memref<4x10x8x128xf32, #tpu.memory_space<vmem>>, vector<16xf32>,
          %parallel_loop3A_329 = arith.constant 9 : i32
          %parallel_loop3A_330 = vector.broadcast %parallel_loop3A_329 : i32 to vector<16xi32>
          %parallel_loop3A_331 = arith.addi %parallel_loop3A_187, %parallel_loop3A_330 : vector<16xi32>
          %parallel_loop3A_332 = tpu.vector_load_idx %arg10[%parallel_loop3A_331] : memref<8712xf32, #tpu.memory_space<vmem>>[vector<16xi32>], vector<16xf32>,
          %parallel_loop3A_333 = arith.constant 1 : i32
          %parallel_loop3A_334 = arith.constant 1 : i32
          %parallel_loop3A_335 = arith.index_cast %parallel_loop3A_333 : i32 to index
          %parallel_loop3A_336 = arith.index_cast %parallel_loop3A_211 : i32 to index
          %parallel_loop3A_337 = arith.index_cast %parallel_loop3A_334 : i32 to index
          %parallel_loop3A_338 = arith.index_cast %parallel_loop3A_229 : i32 to index
          %parallel_loop3A_339 = tpu.vector_load %arg14[%parallel_loop3A_335, %parallel_loop3A_336, %parallel_loop3A_337, %parallel_loop3A_338] {strides = array<i32>} : memref<4x10x8x128xf32, #tpu.memory_space<vmem>>, vector<16xf32>,
          tpu.vector_store %arg14[%parallel_loop3A_335, %parallel_loop3A_336, %parallel_loop3A_337, %parallel_loop3A_338], %parallel_loop3A_332 {strides = array<i32>} : memref<4x10x8x128xf32, #tpu.memory_space<vmem>>, vector<16xf32>,
          %parallel_loop3A_340 = arith.constant 10 : i32
          %parallel_loop3A_341 = vector.broadcast %parallel_loop3A_340 : i32 to vector<16xi32>
          %parallel_loop3A_342 = arith.addi %parallel_loop3A_187, %parallel_loop3A_341 : vector<16xi32>
          %parallel_loop3A_343 = tpu.vector_load_idx %arg10[%parallel_loop3A_342] : memref<8712xf32, #tpu.memory_space<vmem>>[vector<16xi32>], vector<16xf32>,
          %parallel_loop3A_344 = arith.constant 1 : i32
          %parallel_loop3A_345 = arith.constant 2 : i32
          %parallel_loop3A_346 = arith.index_cast %parallel_loop3A_344 : i32 to index
          %parallel_loop3A_347 = arith.index_cast %parallel_loop3A_211 : i32 to index
          %parallel_loop3A_348 = arith.index_cast %parallel_loop3A_345 : i32 to index
          %parallel_loop3A_349 = arith.index_cast %parallel_loop3A_229 : i32 to index
          %parallel_loop3A_350 = tpu.vector_load %arg14[%parallel_loop3A_346, %parallel_loop3A_347, %parallel_loop3A_348, %parallel_loop3A_349] {strides = array<i32>} : memref<4x10x8x128xf32, #tpu.memory_space<vmem>>, vector<16xf32>,
          tpu.vector_store %arg14[%parallel_loop3A_346, %parallel_loop3A_347, %parallel_loop3A_348, %parallel_loop3A_349], %parallel_loop3A_343 {strides = array<i32>} : memref<4x10x8x128xf32, #tpu.memory_space<vmem>>, vector<16xf32>,
          %parallel_loop3A_351 = arith.constant 11 : i32
          %parallel_loop3A_352 = vector.broadcast %parallel_loop3A_351 : i32 to vector<16xi32>
          %parallel_loop3A_353 = arith.addi %parallel_loop3A_187, %parallel_loop3A_352 : vector<16xi32>
          %parallel_loop3A_354 = tpu.vector_load_idx %arg10[%parallel_loop3A_353] : memref<8712xf32, #tpu.memory_space<vmem>>[vector<16xi32>], vector<16xf32>,
          %parallel_loop3A_355 = arith.constant 1 : i32
          %parallel_loop3A_356 = arith.constant 3 : i32
          %parallel_loop3A_357 = arith.index_cast %parallel_loop3A_355 : i32 to index
          %parallel_loop3A_358 = arith.index_cast %parallel_loop3A_211 : i32 to index
          %parallel_loop3A_359 = arith.index_cast %parallel_loop3A_356 : i32 to index
          %parallel_loop3A_360 = arith.index_cast %parallel_loop3A_229 : i32 to index
          %parallel_loop3A_361 = tpu.vector_load %arg14[%parallel_loop3A_357, %parallel_loop3A_358, %parallel_loop3A_359, %parallel_loop3A_360] {strides = array<i32>} : memref<4x10x8x128xf32, #tpu.memory_space<vmem>>, vector<16xf32>,
          tpu.vector_store %arg14[%parallel_loop3A_357, %parallel_loop3A_358, %parallel_loop3A_359, %parallel_loop3A_360], %parallel_loop3A_354 {strides = array<i32>} : memref<4x10x8x128xf32, #tpu.memory_space<vmem>>, vector<16xf32>,
          %parallel_loop3A_362 = arith.constant 12 : i32
          %parallel_loop3A_363 = vector.broadcast %parallel_loop3A_362 : i32 to vector<16xi32>
          %parallel_loop3A_364 = arith.addi %parallel_loop3A_187, %parallel_loop3A_363 : vector<16xi32>
          %parallel_loop3A_365 = tpu.vector_load_idx %arg10[%parallel_loop3A_364] : memref<8712xf32, #tpu.memory_space<vmem>>[vector<16xi32>], vector<16xf32>,
          %parallel_loop3A_366 = arith.constant 1 : i32
          %parallel_loop3A_367 = arith.constant 4 : i32
          %parallel_loop3A_368 = arith.index_cast %parallel_loop3A_366 : i32 to index
          %parallel_loop3A_369 = arith.index_cast %parallel_loop3A_211 : i32 to index
          %parallel_loop3A_370 = arith.index_cast %parallel_loop3A_367 : i32 to index
          %parallel_loop3A_371 = arith.index_cast %parallel_loop3A_229 : i32 to index
          %parallel_loop3A_372 = tpu.vector_load %arg14[%parallel_loop3A_368, %parallel_loop3A_369, %parallel_loop3A_370, %parallel_loop3A_371] {strides = array<i32>} : memref<4x10x8x128xf32, #tpu.memory_space<vmem>>, vector<16xf32>,
          tpu.vector_store %arg14[%parallel_loop3A_368, %parallel_loop3A_369, %parallel_loop3A_370, %parallel_loop3A_371], %parallel_loop3A_365 {strides = array<i32>} : memref<4x10x8x128xf32, #tpu.memory_space<vmem>>, vector<16xf32>,
          %parallel_loop3A_373 = arith.constant 13 : i32
          %parallel_loop3A_374 = vector.broadcast %parallel_loop3A_373 : i32 to vector<16xi32>
          %parallel_loop3A_375 = arith.addi %parallel_loop3A_187, %parallel_loop3A_374 : vector<16xi32>
          %parallel_loop3A_376 = tpu.vector_load_idx %arg10[%parallel_loop3A_375] : memref<8712xf32, #tpu.memory_space<vmem>>[vector<16xi32>], vector<16xf32>,
          %parallel_loop3A_377 = arith.constant 1 : i32
          %parallel_loop3A_378 = arith.constant 5 : i32
          %parallel_loop3A_379 = arith.index_cast %parallel_loop3A_377 : i32 to index
          %parallel_loop3A_380 = arith.index_cast %parallel_loop3A_211 : i32 to index
          %parallel_loop3A_381 = arith.index_cast %parallel_loop3A_378 : i32 to index
          %parallel_loop3A_382 = arith.index_cast %parallel_loop3A_229 : i32 to index
          %parallel_loop3A_383 = tpu.vector_load %arg14[%parallel_loop3A_379, %parallel_loop3A_380, %parallel_loop3A_381, %parallel_loop3A_382] {strides = array<i32>} : memref<4x10x8x128xf32, #tpu.memory_space<vmem>>, vector<16xf32>,
          tpu.vector_store %arg14[%parallel_loop3A_379, %parallel_loop3A_380, %parallel_loop3A_381, %parallel_loop3A_382], %parallel_loop3A_376 {strides = array<i32>} : memref<4x10x8x128xf32, #tpu.memory_space<vmem>>, vector<16xf32>,
          %parallel_loop3A_384 = arith.constant 14 : i32
          %parallel_loop3A_385 = vector.broadcast %parallel_loop3A_384 : i32 to vector<16xi32>
          %parallel_loop3A_386 = arith.addi %parallel_loop3A_187, %parallel_loop3A_385 : vector<16xi32>
          %parallel_loop3A_387 = tpu.vector_load_idx %arg10[%parallel_loop3A_386] : memref<8712xf32, #tpu.memory_space<vmem>>[vector<16xi32>], vector<16xf32>,
          %parallel_loop3A_388 = arith.constant 1 : i32
          %parallel_loop3A_389 = arith.constant 6 : i32
          %parallel_loop3A_390 = arith.index_cast %parallel_loop3A_388 : i32 to index
          %parallel_loop3A_391 = arith.index_cast %parallel_loop3A_211 : i32 to index
          %parallel_loop3A_392 = arith.index_cast %parallel_loop3A_389 : i32 to index
          %parallel_loop3A_393 = arith.index_cast %parallel_loop3A_229 : i32 to index
          %parallel_loop3A_394 = tpu.vector_load %arg14[%parallel_loop3A_390, %parallel_loop3A_391, %parallel_loop3A_392, %parallel_loop3A_393] {strides = array<i32>} : memref<4x10x8x128xf32, #tpu.memory_space<vmem>>, vector<16xf32>,
          tpu.vector_store %arg14[%parallel_loop3A_390, %parallel_loop3A_391, %parallel_loop3A_392, %parallel_loop3A_393], %parallel_loop3A_387 {strides = array<i32>} : memref<4x10x8x128xf32, #tpu.memory_space<vmem>>, vector<16xf32>,
          %parallel_loop3A_395 = arith.constant 15 : i32
          %parallel_loop3A_396 = vector.broadcast %parallel_loop3A_395 : i32 to vector<16xi32>
          %parallel_loop3A_397 = arith.addi %parallel_loop3A_187, %parallel_loop3A_396 : vector<16xi32>
          %parallel_loop3A_398 = tpu.vector_load_idx %arg10[%parallel_loop3A_397] : memref<8712xf32, #tpu.memory_space<vmem>>[vector<16xi32>], vector<16xf32>,
          %parallel_loop3A_399 = arith.constant 1 : i32
          %parallel_loop3A_400 = arith.constant 7 : i32
          %parallel_loop3A_401 = arith.index_cast %parallel_loop3A_399 : i32 to index
          %parallel_loop3A_402 = arith.index_cast %parallel_loop3A_211 : i32 to index
          %parallel_loop3A_403 = arith.index_cast %parallel_loop3A_400 : i32 to index
          %parallel_loop3A_404 = arith.index_cast %parallel_loop3A_229 : i32 to index
          %parallel_loop3A_405 = tpu.vector_load %arg14[%parallel_loop3A_401, %parallel_loop3A_402, %parallel_loop3A_403, %parallel_loop3A_404] {strides = array<i32>} : memref<4x10x8x128xf32, #tpu.memory_space<vmem>>, vector<16xf32>,
          tpu.vector_store %arg14[%parallel_loop3A_401, %parallel_loop3A_402, %parallel_loop3A_403, %parallel_loop3A_404], %parallel_loop3A_398 {strides = array<i32>} : memref<4x10x8x128xf32, #tpu.memory_space<vmem>>, vector<16xf32>,
          %parallel_loop3A_406 = arith.constant 16 : i32
          %parallel_loop3A_407 = vector.broadcast %parallel_loop3A_406 : i32 to vector<16xi32>
          %parallel_loop3A_408 = arith.addi %parallel_loop3A_187, %parallel_loop3A_407 : vector<16xi32>
          %parallel_loop3A_409 = tpu.vector_load_idx %arg10[%parallel_loop3A_408] : memref<8712xf32, #tpu.memory_space<vmem>>[vector<16xi32>], vector<16xf32>,
          %parallel_loop3A_410 = arith.constant 2 : i32
          %parallel_loop3A_411 = arith.constant 0 : i32
          %parallel_loop3A_412 = arith.index_cast %parallel_loop3A_410 : i32 to index
          %parallel_loop3A_413 = arith.index_cast %parallel_loop3A_211 : i32 to index
          %parallel_loop3A_414 = arith.index_cast %parallel_loop3A_411 : i32 to index
          %parallel_loop3A_415 = arith.index_cast %parallel_loop3A_229 : i32 to index
          %parallel_loop3A_416 = tpu.vector_load %arg14[%parallel_loop3A_412, %parallel_loop3A_413, %parallel_loop3A_414, %parallel_loop3A_415] {strides = array<i32>} : memref<4x10x8x128xf32, #tpu.memory_space<vmem>>, vector<16xf32>,
          tpu.vector_store %arg14[%parallel_loop3A_412, %parallel_loop3A_413, %parallel_loop3A_414, %parallel_loop3A_415], %parallel_loop3A_409 {strides = array<i32>} : memref<4x10x8x128xf32, #tpu.memory_space<vmem>>, vector<16xf32>,
          %parallel_loop3A_417 = arith.constant 17 : i32
          %parallel_loop3A_418 = vector.broadcast %parallel_loop3A_417 : i32 to vector<16xi32>
          %parallel_loop3A_419 = arith.addi %parallel_loop3A_187, %parallel_loop3A_418 : vector<16xi32>
          %parallel_loop3A_420 = tpu.vector_load_idx %arg10[%parallel_loop3A_419] : memref<8712xf32, #tpu.memory_space<vmem>>[vector<16xi32>], vector<16xf32>,
          %parallel_loop3A_421 = arith.constant 2 : i32
          %parallel_loop3A_422 = arith.constant 1 : i32
          %parallel_loop3A_423 = arith.index_cast %parallel_loop3A_421 : i32 to index
          %parallel_loop3A_424 = arith.index_cast %parallel_loop3A_211 : i32 to index
          %parallel_loop3A_425 = arith.index_cast %parallel_loop3A_422 : i32 to index
          %parallel_loop3A_426 = arith.index_cast %parallel_loop3A_229 : i32 to index
          %parallel_loop3A_427 = tpu.vector_load %arg14[%parallel_loop3A_423, %parallel_loop3A_424, %parallel_loop3A_425, %parallel_loop3A_426] {strides = array<i32>} : memref<4x10x8x128xf32, #tpu.memory_space<vmem>>, vector<16xf32>,
          tpu.vector_store %arg14[%parallel_loop3A_423, %parallel_loop3A_424, %parallel_loop3A_425, %parallel_loop3A_426], %parallel_loop3A_420 {strides = array<i32>} : memref<4x10x8x128xf32, #tpu.memory_space<vmem>>, vector<16xf32>,
          %parallel_loop3A_428 = arith.constant 18 : i32
          %parallel_loop3A_429 = vector.broadcast %parallel_loop3A_428 : i32 to vector<16xi32>
          %parallel_loop3A_430 = arith.addi %parallel_loop3A_187, %parallel_loop3A_429 : vector<16xi32>
          %parallel_loop3A_431 = tpu.vector_load_idx %arg10[%parallel_loop3A_430] : memref<8712xf32, #tpu.memory_space<vmem>>[vector<16xi32>], vector<16xf32>,
          %parallel_loop3A_432 = arith.constant 2 : i32
          %parallel_loop3A_433 = arith.constant 2 : i32
          %parallel_loop3A_434 = arith.index_cast %parallel_loop3A_432 : i32 to index
          %parallel_loop3A_435 = arith.index_cast %parallel_loop3A_211 : i32 to index
          %parallel_loop3A_436 = arith.index_cast %parallel_loop3A_433 : i32 to index
          %parallel_loop3A_437 = arith.index_cast %parallel_loop3A_229 : i32 to index
          %parallel_loop3A_438 = tpu.vector_load %arg14[%parallel_loop3A_434, %parallel_loop3A_435, %parallel_loop3A_436, %parallel_loop3A_437] {strides = array<i32>} : memref<4x10x8x128xf32, #tpu.memory_space<vmem>>, vector<16xf32>,
          tpu.vector_store %arg14[%parallel_loop3A_434, %parallel_loop3A_435, %parallel_loop3A_436, %parallel_loop3A_437], %parallel_loop3A_431 {strides = array<i32>} : memref<4x10x8x128xf32, #tpu.memory_space<vmem>>, vector<16xf32>,
          %parallel_loop3A_439 = arith.constant 19 : i32
          %parallel_loop3A_440 = vector.broadcast %parallel_loop3A_439 : i32 to vector<16xi32>
          %parallel_loop3A_441 = arith.addi %parallel_loop3A_187, %parallel_loop3A_440 : vector<16xi32>
          %parallel_loop3A_442 = tpu.vector_load_idx %arg10[%parallel_loop3A_441] : memref<8712xf32, #tpu.memory_space<vmem>>[vector<16xi32>], vector<16xf32>,
          %parallel_loop3A_443 = arith.constant 2 : i32
          %parallel_loop3A_444 = arith.constant 3 : i32
          %parallel_loop3A_445 = arith.index_cast %parallel_loop3A_443 : i32 to index
          %parallel_loop3A_446 = arith.index_cast %parallel_loop3A_211 : i32 to index
          %parallel_loop3A_447 = arith.index_cast %parallel_loop3A_444 : i32 to index
          %parallel_loop3A_448 = arith.index_cast %parallel_loop3A_229 : i32 to index
          %parallel_loop3A_449 = tpu.vector_load %arg14[%parallel_loop3A_445, %parallel_loop3A_446, %parallel_loop3A_447, %parallel_loop3A_448] {strides = array<i32>} : memref<4x10x8x128xf32, #tpu.memory_space<vmem>>, vector<16xf32>,
          tpu.vector_store %arg14[%parallel_loop3A_445, %parallel_loop3A_446, %parallel_loop3A_447, %parallel_loop3A_448], %parallel_loop3A_442 {strides = array<i32>} : memref<4x10x8x128xf32, #tpu.memory_space<vmem>>, vector<16xf32>,
          %parallel_loop3A_450 = arith.constant 20 : i32
          %parallel_loop3A_451 = vector.broadcast %parallel_loop3A_450 : i32 to vector<16xi32>
          %parallel_loop3A_452 = arith.addi %parallel_loop3A_187, %parallel_loop3A_451 : vector<16xi32>
          %parallel_loop3A_453 = tpu.vector_load_idx %arg10[%parallel_loop3A_452] : memref<8712xf32, #tpu.memory_space<vmem>>[vector<16xi32>], vector<16xf32>,
          %parallel_loop3A_454 = arith.constant 2 : i32
          %parallel_loop3A_455 = arith.constant 4 : i32
          %parallel_loop3A_456 = arith.index_cast %parallel_loop3A_454 : i32 to index
          %parallel_loop3A_457 = arith.index_cast %parallel_loop3A_211 : i32 to index
          %parallel_loop3A_458 = arith.index_cast %parallel_loop3A_455 : i32 to index
          %parallel_loop3A_459 = arith.index_cast %parallel_loop3A_229 : i32 to index
          %parallel_loop3A_460 = tpu.vector_load %arg14[%parallel_loop3A_456, %parallel_loop3A_457, %parallel_loop3A_458, %parallel_loop3A_459] {strides = array<i32>} : memref<4x10x8x128xf32, #tpu.memory_space<vmem>>, vector<16xf32>,
          tpu.vector_store %arg14[%parallel_loop3A_456, %parallel_loop3A_457, %parallel_loop3A_458, %parallel_loop3A_459], %parallel_loop3A_453 {strides = array<i32>} : memref<4x10x8x128xf32, #tpu.memory_space<vmem>>, vector<16xf32>,
          %parallel_loop3A_461 = arith.constant 21 : i32
          %parallel_loop3A_462 = vector.broadcast %parallel_loop3A_461 : i32 to vector<16xi32>
          %parallel_loop3A_463 = arith.addi %parallel_loop3A_187, %parallel_loop3A_462 : vector<16xi32>
          %parallel_loop3A_464 = tpu.vector_load_idx %arg10[%parallel_loop3A_463] : memref<8712xf32, #tpu.memory_space<vmem>>[vector<16xi32>], vector<16xf32>,
          %parallel_loop3A_465 = arith.constant 2 : i32
          %parallel_loop3A_466 = arith.constant 5 : i32
          %parallel_loop3A_467 = arith.index_cast %parallel_loop3A_465 : i32 to index
          %parallel_loop3A_468 = arith.index_cast %parallel_loop3A_211 : i32 to index
          %parallel_loop3A_469 = arith.index_cast %parallel_loop3A_466 : i32 to index
          %parallel_loop3A_470 = arith.index_cast %parallel_loop3A_229 : i32 to index
          %parallel_loop3A_471 = tpu.vector_load %arg14[%parallel_loop3A_467, %parallel_loop3A_468, %parallel_loop3A_469, %parallel_loop3A_470] {strides = array<i32>} : memref<4x10x8x128xf32, #tpu.memory_space<vmem>>, vector<16xf32>,
          tpu.vector_store %arg14[%parallel_loop3A_467, %parallel_loop3A_468, %parallel_loop3A_469, %parallel_loop3A_470], %parallel_loop3A_464 {strides = array<i32>} : memref<4x10x8x128xf32, #tpu.memory_space<vmem>>, vector<16xf32>,
          %parallel_loop3A_472 = arith.constant 22 : i32
          %parallel_loop3A_473 = vector.broadcast %parallel_loop3A_472 : i32 to vector<16xi32>
          %parallel_loop3A_474 = arith.addi %parallel_loop3A_187, %parallel_loop3A_473 : vector<16xi32>
          %parallel_loop3A_475 = tpu.vector_load_idx %arg10[%parallel_loop3A_474] : memref<8712xf32, #tpu.memory_space<vmem>>[vector<16xi32>], vector<16xf32>,
          %parallel_loop3A_476 = arith.constant 2 : i32
          %parallel_loop3A_477 = arith.constant 6 : i32
          %parallel_loop3A_478 = arith.index_cast %parallel_loop3A_476 : i32 to index
          %parallel_loop3A_479 = arith.index_cast %parallel_loop3A_211 : i32 to index
          %parallel_loop3A_480 = arith.index_cast %parallel_loop3A_477 : i32 to index
          %parallel_loop3A_481 = arith.index_cast %parallel_loop3A_229 : i32 to index
          %parallel_loop3A_482 = tpu.vector_load %arg14[%parallel_loop3A_478, %parallel_loop3A_479, %parallel_loop3A_480, %parallel_loop3A_481] {strides = array<i32>} : memref<4x10x8x128xf32, #tpu.memory_space<vmem>>, vector<16xf32>,
          tpu.vector_store %arg14[%parallel_loop3A_478, %parallel_loop3A_479, %parallel_loop3A_480, %parallel_loop3A_481], %parallel_loop3A_475 {strides = array<i32>} : memref<4x10x8x128xf32, #tpu.memory_space<vmem>>, vector<16xf32>,
          %parallel_loop3A_483 = arith.constant 23 : i32
          %parallel_loop3A_484 = vector.broadcast %parallel_loop3A_483 : i32 to vector<16xi32>
          %parallel_loop3A_485 = arith.addi %parallel_loop3A_187, %parallel_loop3A_484 : vector<16xi32>
          %parallel_loop3A_486 = tpu.vector_load_idx %arg10[%parallel_loop3A_485] : memref<8712xf32, #tpu.memory_space<vmem>>[vector<16xi32>], vector<16xf32>,
          %parallel_loop3A_487 = arith.constant 2 : i32
          %parallel_loop3A_488 = arith.constant 7 : i32
          %parallel_loop3A_489 = arith.index_cast %parallel_loop3A_487 : i32 to index
          %parallel_loop3A_490 = arith.index_cast %parallel_loop3A_211 : i32 to index
          %parallel_loop3A_491 = arith.index_cast %parallel_loop3A_488 : i32 to index
          %parallel_loop3A_492 = arith.index_cast %parallel_loop3A_229 : i32 to index
          %parallel_loop3A_493 = tpu.vector_load %arg14[%parallel_loop3A_489, %parallel_loop3A_490, %parallel_loop3A_491, %parallel_loop3A_492] {strides = array<i32>} : memref<4x10x8x128xf32, #tpu.memory_space<vmem>>, vector<16xf32>,
          tpu.vector_store %arg14[%parallel_loop3A_489, %parallel_loop3A_490, %parallel_loop3A_491, %parallel_loop3A_492], %parallel_loop3A_486 {strides = array<i32>} : memref<4x10x8x128xf32, #tpu.memory_space<vmem>>, vector<16xf32>,
          %parallel_loop3A_494 = arith.constant 24 : i32
          %parallel_loop3A_495 = vector.broadcast %parallel_loop3A_494 : i32 to vector<16xi32>
          %parallel_loop3A_496 = arith.addi %parallel_loop3A_187, %parallel_loop3A_495 : vector<16xi32>
          %parallel_loop3A_497 = tpu.vector_load_idx %arg10[%parallel_loop3A_496] : memref<8712xf32, #tpu.memory_space<vmem>>[vector<16xi32>], vector<16xf32>,
          %parallel_loop3A_498 = arith.constant 3 : i32
          %parallel_loop3A_499 = arith.constant 0 : i32
          %parallel_loop3A_500 = arith.index_cast %parallel_loop3A_498 : i32 to index
          %parallel_loop3A_501 = arith.index_cast %parallel_loop3A_211 : i32 to index
          %parallel_loop3A_502 = arith.index_cast %parallel_loop3A_499 : i32 to index
          %parallel_loop3A_503 = arith.index_cast %parallel_loop3A_229 : i32 to index
          %parallel_loop3A_504 = tpu.vector_load %arg14[%parallel_loop3A_500, %parallel_loop3A_501, %parallel_loop3A_502, %parallel_loop3A_503] {strides = array<i32>} : memref<4x10x8x128xf32, #tpu.memory_space<vmem>>, vector<16xf32>,
          tpu.vector_store %arg14[%parallel_loop3A_500, %parallel_loop3A_501, %parallel_loop3A_502, %parallel_loop3A_503], %parallel_loop3A_497 {strides = array<i32>} : memref<4x10x8x128xf32, #tpu.memory_space<vmem>>, vector<16xf32>,
          %parallel_loop3A_505 = arith.constant 25 : i32
          %parallel_loop3A_506 = vector.broadcast %parallel_loop3A_505 : i32 to vector<16xi32>
          %parallel_loop3A_507 = arith.addi %parallel_loop3A_187, %parallel_loop3A_506 : vector<16xi32>
          %parallel_loop3A_508 = tpu.vector_load_idx %arg10[%parallel_loop3A_507] : memref<8712xf32, #tpu.memory_space<vmem>>[vector<16xi32>], vector<16xf32>,
          %parallel_loop3A_509 = arith.constant 3 : i32
          %parallel_loop3A_510 = arith.constant 1 : i32
          %parallel_loop3A_511 = arith.index_cast %parallel_loop3A_509 : i32 to index
          %parallel_loop3A_512 = arith.index_cast %parallel_loop3A_211 : i32 to index
          %parallel_loop3A_513 = arith.index_cast %parallel_loop3A_510 : i32 to index
          %parallel_loop3A_514 = arith.index_cast %parallel_loop3A_229 : i32 to index
          %parallel_loop3A_515 = tpu.vector_load %arg14[%parallel_loop3A_511, %parallel_loop3A_512, %parallel_loop3A_513, %parallel_loop3A_514] {strides = array<i32>} : memref<4x10x8x128xf32, #tpu.memory_space<vmem>>, vector<16xf32>,
          tpu.vector_store %arg14[%parallel_loop3A_511, %parallel_loop3A_512, %parallel_loop3A_513, %parallel_loop3A_514], %parallel_loop3A_508 {strides = array<i32>} : memref<4x10x8x128xf32, #tpu.memory_space<vmem>>, vector<16xf32>,
          %parallel_loop3A_516 = arith.constant 26 : i32
          %parallel_loop3A_517 = vector.broadcast %parallel_loop3A_516 : i32 to vector<16xi32>
          %parallel_loop3A_518 = arith.addi %parallel_loop3A_187, %parallel_loop3A_517 : vector<16xi32>
          %parallel_loop3A_519 = tpu.vector_load_idx %arg10[%parallel_loop3A_518] : memref<8712xf32, #tpu.memory_space<vmem>>[vector<16xi32>], vector<16xf32>,
          %parallel_loop3A_520 = arith.constant 3 : i32
          %parallel_loop3A_521 = arith.constant 2 : i32
          %parallel_loop3A_522 = arith.index_cast %parallel_loop3A_520 : i32 to index
          %parallel_loop3A_523 = arith.index_cast %parallel_loop3A_211 : i32 to index
          %parallel_loop3A_524 = arith.index_cast %parallel_loop3A_521 : i32 to index
          %parallel_loop3A_525 = arith.index_cast %parallel_loop3A_229 : i32 to index
          %parallel_loop3A_526 = tpu.vector_load %arg14[%parallel_loop3A_522, %parallel_loop3A_523, %parallel_loop3A_524, %parallel_loop3A_525] {strides = array<i32>} : memref<4x10x8x128xf32, #tpu.memory_space<vmem>>, vector<16xf32>,
          tpu.vector_store %arg14[%parallel_loop3A_522, %parallel_loop3A_523, %parallel_loop3A_524, %parallel_loop3A_525], %parallel_loop3A_519 {strides = array<i32>} : memref<4x10x8x128xf32, #tpu.memory_space<vmem>>, vector<16xf32>,
          %parallel_loop3A_527 = arith.constant 27 : i32
          %parallel_loop3A_528 = vector.broadcast %parallel_loop3A_527 : i32 to vector<16xi32>
          %parallel_loop3A_529 = arith.addi %parallel_loop3A_187, %parallel_loop3A_528 : vector<16xi32>
          %parallel_loop3A_530 = tpu.vector_load_idx %arg10[%parallel_loop3A_529] : memref<8712xf32, #tpu.memory_space<vmem>>[vector<16xi32>], vector<16xf32>,
          %parallel_loop3A_531 = arith.constant 3 : i32
          %parallel_loop3A_532 = arith.constant 3 : i32
          %parallel_loop3A_533 = arith.index_cast %parallel_loop3A_531 : i32 to index
          %parallel_loop3A_534 = arith.index_cast %parallel_loop3A_211 : i32 to index
          %parallel_loop3A_535 = arith.index_cast %parallel_loop3A_532 : i32 to index
          %parallel_loop3A_536 = arith.index_cast %parallel_loop3A_229 : i32 to index
          %parallel_loop3A_537 = tpu.vector_load %arg14[%parallel_loop3A_533, %parallel_loop3A_534, %parallel_loop3A_535, %parallel_loop3A_536] {strides = array<i32>} : memref<4x10x8x128xf32, #tpu.memory_space<vmem>>, vector<16xf32>,
          tpu.vector_store %arg14[%parallel_loop3A_533, %parallel_loop3A_534, %parallel_loop3A_535, %parallel_loop3A_536], %parallel_loop3A_530 {strides = array<i32>} : memref<4x10x8x128xf32, #tpu.memory_space<vmem>>, vector<16xf32>,
          %parallel_loop3A_538 = arith.constant 28 : i32
          %parallel_loop3A_539 = vector.broadcast %parallel_loop3A_538 : i32 to vector<16xi32>
          %parallel_loop3A_540 = arith.addi %parallel_loop3A_187, %parallel_loop3A_539 : vector<16xi32>
          %parallel_loop3A_541 = tpu.vector_load_idx %arg10[%parallel_loop3A_540] : memref<8712xf32, #tpu.memory_space<vmem>>[vector<16xi32>], vector<16xf32>,
          %parallel_loop3A_542 = arith.constant 3 : i32
          %parallel_loop3A_543 = arith.constant 4 : i32
          %parallel_loop3A_544 = arith.index_cast %parallel_loop3A_542 : i32 to index
          %parallel_loop3A_545 = arith.index_cast %parallel_loop3A_211 : i32 to index
          %parallel_loop3A_546 = arith.index_cast %parallel_loop3A_543 : i32 to index
          %parallel_loop3A_547 = arith.index_cast %parallel_loop3A_229 : i32 to index
          %parallel_loop3A_548 = tpu.vector_load %arg14[%parallel_loop3A_544, %parallel_loop3A_545, %parallel_loop3A_546, %parallel_loop3A_547] {strides = array<i32>} : memref<4x10x8x128xf32, #tpu.memory_space<vmem>>, vector<16xf32>,
          tpu.vector_store %arg14[%parallel_loop3A_544, %parallel_loop3A_545, %parallel_loop3A_546, %parallel_loop3A_547], %parallel_loop3A_541 {strides = array<i32>} : memref<4x10x8x128xf32, #tpu.memory_space<vmem>>, vector<16xf32>,
          %parallel_loop3A_549 = arith.constant 29 : i32
          %parallel_loop3A_550 = vector.broadcast %parallel_loop3A_549 : i32 to vector<16xi32>
          %parallel_loop3A_551 = arith.addi %parallel_loop3A_187, %parallel_loop3A_550 : vector<16xi32>
          %parallel_loop3A_552 = tpu.vector_load_idx %arg10[%parallel_loop3A_551] : memref<8712xf32, #tpu.memory_space<vmem>>[vector<16xi32>], vector<16xf32>,
          %parallel_loop3A_553 = arith.constant 3 : i32
          %parallel_loop3A_554 = arith.constant 5 : i32
          %parallel_loop3A_555 = arith.index_cast %parallel_loop3A_553 : i32 to index
          %parallel_loop3A_556 = arith.index_cast %parallel_loop3A_211 : i32 to index
          %parallel_loop3A_557 = arith.index_cast %parallel_loop3A_554 : i32 to index
          %parallel_loop3A_558 = arith.index_cast %parallel_loop3A_229 : i32 to index
          %parallel_loop3A_559 = tpu.vector_load %arg14[%parallel_loop3A_555, %parallel_loop3A_556, %parallel_loop3A_557, %parallel_loop3A_558] {strides = array<i32>} : memref<4x10x8x128xf32, #tpu.memory_space<vmem>>, vector<16xf32>,
          tpu.vector_store %arg14[%parallel_loop3A_555, %parallel_loop3A_556, %parallel_loop3A_557, %parallel_loop3A_558], %parallel_loop3A_552 {strides = array<i32>} : memref<4x10x8x128xf32, #tpu.memory_space<vmem>>, vector<16xf32>,
          %parallel_loop3A_560 = arith.constant 30 : i32
          %parallel_loop3A_561 = vector.broadcast %parallel_loop3A_560 : i32 to vector<16xi32>
          %parallel_loop3A_562 = arith.addi %parallel_loop3A_187, %parallel_loop3A_561 : vector<16xi32>
          %parallel_loop3A_563 = tpu.vector_load_idx %arg10[%parallel_loop3A_562] : memref<8712xf32, #tpu.memory_space<vmem>>[vector<16xi32>], vector<16xf32>,
          %parallel_loop3A_564 = arith.constant 3 : i32
          %parallel_loop3A_565 = arith.constant 6 : i32
          %parallel_loop3A_566 = arith.index_cast %parallel_loop3A_564 : i32 to index
          %parallel_loop3A_567 = arith.index_cast %parallel_loop3A_211 : i32 to index
          %parallel_loop3A_568 = arith.index_cast %parallel_loop3A_565 : i32 to index
          %parallel_loop3A_569 = arith.index_cast %parallel_loop3A_229 : i32 to index
          %parallel_loop3A_570 = tpu.vector_load %arg14[%parallel_loop3A_566, %parallel_loop3A_567, %parallel_loop3A_568, %parallel_loop3A_569] {strides = array<i32>} : memref<4x10x8x128xf32, #tpu.memory_space<vmem>>, vector<16xf32>,
          tpu.vector_store %arg14[%parallel_loop3A_566, %parallel_loop3A_567, %parallel_loop3A_568, %parallel_loop3A_569], %parallel_loop3A_563 {strides = array<i32>} : memref<4x10x8x128xf32, #tpu.memory_space<vmem>>, vector<16xf32>,
          %parallel_loop3A_571 = arith.constant 31 : i32
          %parallel_loop3A_572 = vector.broadcast %parallel_loop3A_571 : i32 to vector<16xi32>
          %parallel_loop3A_573 = arith.addi %parallel_loop3A_187, %parallel_loop3A_572 : vector<16xi32>
          %parallel_loop3A_574 = tpu.vector_load_idx %arg10[%parallel_loop3A_573] : memref<8712xf32, #tpu.memory_space<vmem>>[vector<16xi32>], vector<16xf32>,
          %parallel_loop3A_575 = arith.constant 3 : i32
          %parallel_loop3A_576 = arith.constant 7 : i32
          %parallel_loop3A_577 = arith.index_cast %parallel_loop3A_575 : i32 to index
          %parallel_loop3A_578 = arith.index_cast %parallel_loop3A_211 : i32 to index
          %parallel_loop3A_579 = arith.index_cast %parallel_loop3A_576 : i32 to index
          %parallel_loop3A_580 = arith.index_cast %parallel_loop3A_229 : i32 to index
          %parallel_loop3A_581 = tpu.vector_load %arg14[%parallel_loop3A_577, %parallel_loop3A_578, %parallel_loop3A_579, %parallel_loop3A_580] {strides = array<i32>} : memref<4x10x8x128xf32, #tpu.memory_space<vmem>>, vector<16xf32>,
          tpu.vector_store %arg14[%parallel_loop3A_577, %parallel_loop3A_578, %parallel_loop3A_579, %parallel_loop3A_580], %parallel_loop3A_574 {strides = array<i32>} : memref<4x10x8x128xf32, #tpu.memory_space<vmem>>, vector<16xf32>,
        } {sc.loop_unroll_factor = 8 : i64, sc.parallel_access}
        %mul3A_111 = arith.constant 10 : i32
        %mul3A_112 = arith.muli %add3A_88, %mul3A_111 : i32
        %dma_start3A_113 = arith.constant 0 : i32
        %dma_start3A_114 = arith.constant 0 : i32
        %dma_start3A_115 = arith.constant 0 : i32
        %dma_start3A_116 = tpu.memref_slice %arg6[%dma_start3A_113, %mul3A_112, %dma_start3A_114, %dma_start3A_115] : memref<4x12500x8x128xf32, #tpu.memory_space<hbm>> -> memref<4x10x8x128xf32, #tpu.memory_space<hbm>>
        %dma_start3A_117 = arith.constant 0 : i32
        %dma_start3A_118 = arith.constant 0 : i32
        %dma_start3A_119 = arith.constant 0 : i32
        %dma_start3A_120 = tpu.memref_slice %arg6[%dma_start3A_117, %mul3A_112, %dma_start3A_118, %dma_start3A_119] : memref<4x12500x8x128xf32, #tpu.memory_space<hbm>> -> memref<4x10x8x128xf32, #tpu.memory_space<hbm>>
        tpu.enqueue_dma source(%arg14 : memref<4x10x8x128xf32, #tpu.memory_space<vmem>>) target(%dma_start3A_120 : memref<4x10x8x128xf32, #tpu.memory_space<hbm>>) target_semaphore(%arg18 : memref<!tpu.dma_semaphore, #tpu.memory_space<semaphore_mem>>)
      } else {
      }
    }
    %scan3A_10 = arith.constant 20 : i32
    %sub3A = arith.constant 1249 : i32
    %sub3A_11 = arith.subi %sub3A, %add3A : i32
    %jit3A = arith.constant 64 : i32
    %div3A = arith.divsi %sub3A_11, %jit3A : i32
    %sign3A = arith.constant 0 : i32
    %sign3A_12 = arith.cmpi sgt, %sub3A_11, %sign3A : i32
    %sign3A_13 = arith.extui %sign3A_12 : i1 to i32
    %sign3A_14 = arith.constant 0 : i32
    %sign3A_15 = arith.cmpi slt, %sub3A_11, %sign3A_14 : i32
    %sign3A_16 = arith.extui %sign3A_15 : i1 to i32
    %sign3A_17 = arith.subi %sign3A_13, %sign3A_16 : i32
    %sign3A_18 = arith.constant 0 : i32
    %sign3A_19 = arith.cmpi sgt, %jit3A, %sign3A_18 : i32
    %sign3A_20 = arith.extui %sign3A_19 : i1 to i32
    %sign3A_21 = arith.constant 0 : i32
    %sign3A_22 = arith.cmpi slt, %jit3A, %sign3A_21 : i32
    %sign3A_23 = arith.extui %sign3A_22 : i1 to i32
    %sign3A_24 = arith.subi %sign3A_20, %sign3A_23 : i32
    %ne3A = arith.cmpi ne, %sign3A_17, %sign3A_24 : i32
    %rem3A = arith.remsi %sub3A_11, %jit3A : i32
    %ne3A_25 = arith.constant 0 : i32
    %ne3A_26 = arith.cmpi ne, %rem3A, %ne3A_25 : i32
    %and3A = arith.andi %ne3A, %ne3A_26 : i1
    %sub3A_27 = arith.constant 1 : i32
    %sub3A_28 = arith.subi %div3A, %sub3A_27 : i32
    %select_n3A = arith.select %and3A, %sub3A_28, %div3A : i32
    %mul3A_29 = arith.constant 64 : i32
    %mul3A_30 = arith.muli %select_n3A, %mul3A_29 : i32
    %add3A_31 = arith.addi %mul3A_30, %add3A : i32
    %lt3A = arith.constant 1250 : i32
    %lt3A_32 = arith.cmpi slt, %add3A, %lt3A : i32
    %convert_element_type3A = arith.extui %lt3A_32 : i1 to i32
    %cond3A = arith.constant 0 : i32
    %cond3A_33 = arith.cmpi ne, %convert_element_type3A, %cond3A : i32
    scf.if %cond3A_33 {
      %mul3A_74 = arith.constant 10 : i32
      %mul3A_75 = arith.muli %add3A_31, %mul3A_74 : i32
      %dma_wait3A = arith.constant 0 : i32
      %dma_wait3A_76 = arith.constant 0 : i32
      %dma_wait3A_77 = arith.constant 0 : i32
      %dma_wait3A_78 = tpu.memref_slice %arg6[%dma_wait3A, %mul3A_75, %dma_wait3A_76, %dma_wait3A_77] : memref<4x12500x8x128xf32, #tpu.memory_space<hbm>> -> memref<4x10x8x128xf32, #tpu.memory_space<hbm>>
      %dma_wait3A_79 = arith.constant 0 : i32
      %dma_wait3A_80 = arith.constant 0 : i32
      %dma_wait3A_81 = arith.constant 0 : i32
      %dma_wait3A_82 = tpu.memref_slice %arg6[%dma_wait3A_79, %mul3A_75, %dma_wait3A_80, %dma_wait3A_81] : memref<4x12500x8x128xf32, #tpu.memory_space<hbm>> -> memref<4x10x8x128xf32, #tpu.memory_space<hbm>>
      tpu.wait_dma2 semaphore(%arg17 : memref<!tpu.dma_semaphore, #tpu.memory_space<semaphore_mem>>) src(%arg13 : memref<4x10x8x128xf32, #tpu.memory_space<vmem>>) dst(%dma_wait3A_82 : memref<4x10x8x128xf32, #tpu.memory_space<hbm>>)
    } else {
    }
    %sub3A_34 = arith.constant 1249 : i32
    %sub3A_35 = arith.subi %sub3A_34, %add3A : i32
    %sub3A_36 = arith.constant 32 : i32
    %sub3A_37 = arith.subi %sub3A_35, %sub3A_36 : i32
    %jit3A_38 = arith.constant 64 : i32
    %div3A_39 = arith.divsi %sub3A_37, %jit3A_38 : i32
    %sign3A_40 = arith.constant 0 : i32
    %sign3A_41 = arith.cmpi sgt, %sub3A_37, %sign3A_40 : i32
    %sign3A_42 = arith.extui %sign3A_41 : i1 to i32
    %sign3A_43 = arith.constant 0 : i32
    %sign3A_44 = arith.cmpi slt, %sub3A_37, %sign3A_43 : i32
    %sign3A_45 = arith.extui %sign3A_44 : i1 to i32
    %sign3A_46 = arith.subi %sign3A_42, %sign3A_45 : i32
    %sign3A_47 = arith.constant 0 : i32
    %sign3A_48 = arith.cmpi sgt, %jit3A_38, %sign3A_47 : i32
    %sign3A_49 = arith.extui %sign3A_48 : i1 to i32
    %sign3A_50 = arith.constant 0 : i32
    %sign3A_51 = arith.cmpi slt, %jit3A_38, %sign3A_50 : i32
    %sign3A_52 = arith.extui %sign3A_51 : i1 to i32
    %sign3A_53 = arith.subi %sign3A_49, %sign3A_52 : i32
    %ne3A_54 = arith.cmpi ne, %sign3A_46, %sign3A_53 : i32
    %rem3A_55 = arith.remsi %sub3A_37, %jit3A_38 : i32
    %ne3A_56 = arith.constant 0 : i32
    %ne3A_57 = arith.cmpi ne, %rem3A_55, %ne3A_56 : i32
    %and3A_58 = arith.andi %ne3A_54, %ne3A_57 : i1
    %sub3A_59 = arith.constant 1 : i32
    %sub3A_60 = arith.subi %div3A_39, %sub3A_59 : i32
    %select_n3A_61 = arith.select %and3A_58, %sub3A_60, %div3A_39 : i32
    %mul3A_62 = arith.constant 64 : i32
    %mul3A_63 = arith.muli %select_n3A_61, %mul3A_62 : i32
    %add3A_64 = arith.addi %mul3A_63, %add3A : i32
    %add3A_65 = arith.constant 32 : i32
    %add3A_66 = arith.addi %add3A_64, %add3A_65 : i32
    %add3A_67 = arith.constant 32 : i32
    %add3A_68 = arith.addi %add3A, %add3A_67 : i32
    %lt3A_69 = arith.constant 1250 : i32
    %lt3A_70 = arith.cmpi slt, %add3A_68, %lt3A_69 : i32
    %convert_element_type3A_71 = arith.extui %lt3A_70 : i1 to i32
    %cond3A_72 = arith.constant 0 : i32
    %cond3A_73 = arith.cmpi ne, %convert_element_type3A_71, %cond3A_72 : i32
    scf.if %cond3A_73 {
      %mul3A_74 = arith.constant 10 : i32
      %mul3A_75 = arith.muli %add3A_66, %mul3A_74 : i32
      %dma_wait3A = arith.constant 0 : i32
      %dma_wait3A_76 = arith.constant 0 : i32
      %dma_wait3A_77 = arith.constant 0 : i32
      %dma_wait3A_78 = tpu.memref_slice %arg6[%dma_wait3A, %mul3A_75, %dma_wait3A_76, %dma_wait3A_77] : memref<4x12500x8x128xf32, #tpu.memory_space<hbm>> -> memref<4x10x8x128xf32, #tpu.memory_space<hbm>>
      %dma_wait3A_79 = arith.constant 0 : i32
      %dma_wait3A_80 = arith.constant 0 : i32
      %dma_wait3A_81 = arith.constant 0 : i32
      %dma_wait3A_82 = tpu.memref_slice %arg6[%dma_wait3A_79, %mul3A_75, %dma_wait3A_80, %dma_wait3A_81] : memref<4x12500x8x128xf32, #tpu.memory_space<hbm>> -> memref<4x10x8x128xf32, #tpu.memory_space<hbm>>
      tpu.wait_dma2 semaphore(%arg18 : memref<!tpu.dma_semaphore, #tpu.memory_space<semaphore_mem>>) src(%arg14 : memref<4x10x8x128xf32, #tpu.memory_space<vmem>>) dst(%dma_wait3A_82 : memref<4x10x8x128xf32, #tpu.memory_space<hbm>>)
    } else {
    }
    return
  }
}

</mosaic_0001>

<sc_bundles>
// kernel: kernel.3.cloned.1.call-start
scs
__scs_entry_jumppad:
0x0: {  	(pc) =	sbr.rel $0x88, $3  }
0x1: {  	(tag) =	ssettag $0x0;
	lr =	simm.s32 $0x1  }
0x2: {  	[smem:$0x3F9D] =	sst lr;
	_ =	strace $0xD0000000  }
0x3: {  	_ = 	snop  }
0x4: {  	_ = 	snop  }
0x5: {  	_ = 	snop  }
0x6: {  	_ = 	snop  }
0x7: {  	_ = 	snop  }
__scs_overlays_trampoline_lowered:
0x8: {  	[smem:$0x3FAC] =	sst s0  }
0x9: {  	[smem:$0x3FAD] =	sst s1  }
0xa: {  	[smem:$0x3FAE] =	sst s2  }
0xb: {  	[smem:$0x3FAF] =	sst s3  }
0xc: {  	[smem:$0x3FB0] =	sst s4  }
0xd: {  	[smem:$0x3FB1] =	sst s5  }
0xe: {  	[smem:$0x3FB2] =	sst s6  }
0xf: {  	[smem:$0x3FB3] =	sst s7  }
0x10: {  	[smem:$0x3FB4] =	sst s8  }
0x11: {  	[smem:$0x3FB5] =	sst s9;
	s0 =	simm.s32 @!p0 $0x0  }
0x12: {  	s1 =	sld [smem:$0x3F9B];
	s0 =	simm.s32 @p0 $0x1  }
0x13: {  	[smem:$0x3FB6] =	sst s0;
	s0 =	simm.s32 @!p1 $0x0  }
0x14: {  	s2 =	sld [smem:$0x3F9A];
	s0 =	simm.s32 @p1 $0x1  }
0x15: {  	[smem:$0x3FB7] =	sst s0;
	s0 =	simm.s32 @!p2 $0x0  }
0x16: {  	s3 =	sld [smem:$0x3FDB];
	s0 =	simm.s32 @p2 $0x1  }
0x17: {  	s4 =	simm.s32 $0x1BF5;
	[smem:$0x3FB9] =	sst s0  }
0x18: {  	s0 =	sld [smem:$0x3F9C];
	_ =	swait.ge [sflag:s4], $0x0  }
0x19: {  	s7 =	sld [smem:$0x3F9D]  }
0x1a: {  	s8 =	sadd.s32 $0xFFFFE003, lr  }
0x1b: {  	s9 =	sadd.s32 $0xFFFFFEF7, lr;
	s5 =	simm.s32 $0xFFFFFFFF;
	p2 =	slt.u32 s8, $0xFFFFF086  }
0x1c: {  	p1 =	slt.u32 s9, $0xF7A;
	s5 =	simm.s32 @!p2 $0x0  }
0x1d: {  	s5 =	simm.s32 @p1 $0x1;
	p0 =	seq.s32 s7, s2  }
0x1e: {  	s7 =	smul.u32 @!p0 $0xF7A, s2;
	p2 =	seq.s32 @!p0 s5, $0x0  }
0x1f: {  	s9 =	smul.u32 $0xF7A, s1;
	s8 =	simm.s32 @!p0 $0x1BF5;
	p2 =	por !p2, p0  }
0x20: {  	[sflag:s8] =	ssyncset.s32 @!p0 $0xFFFFF086;
	s6 =	sadd.s32 @!p0 s3, s7;
	s7 =	simm.s32 @!p0 $0x108  }
0x21: {  	s3 =	sadd.s32 s3, s9;
	s6 =	sadd.s32 @!p0 $0x88, s6;
	s7 =	simm.s32 @p2 $0x1082  }
0x22: {  	[simem:s7], [sflag:s8] =	dma.local @!p0 [hbm:s6], $0xF7A  }
0x23: {  	s9 =	sor.u32 $0xD0000000, s2;
	s6 =	simm.s32 $0x108;
	_ =	swait.ge @!p0 [sflag:s8], $0x0  }
0x24: {  	s3 =	sadd.s32 $0x88, s3;
	s6 =	simm.s32 @!p1 $0x1082;
	[sflag:s4] =	ssyncset.s32 $0xFFFFF086  }
0x25: {  	[simem:s6], [sflag:s4] =	dma.local [hbm:s3], $0xF7A  }
0x26: {  	[smem:$0x3F9D] =	sst s1;
	(tag) =	ssettag s2;
	_ =	strace s9  }
0x27: {  	s1 =	sld [smem:$0x3FAD]  }
0x28: {  	s2 =	sld [smem:$0x3FAE]  }
0x29: {  	s4 =	sld [smem:$0x3FB0]  }
0x2a: {  	p0 =	seq.s32 s5, $0x0;
	s5 =	sld [smem:$0x3FB1]  }
0x2b: {  	s6 =	sld [smem:$0x3FB2]  }
0x2c: {  	s7 =	sld [smem:$0x3FB3]  }
0x2d: {  	s3 =	simm.s32 $0x108;
	s8 =	sld [smem:$0x3FB4]  }
0x2e: {  	s3 =	simm.s32 @!p0 $0x1082;
	s9 =	sld [smem:$0x3FB5]  }
0x2f: {  	lr =	sadd.s32 s0, s3;
	s0 =	sld [smem:$0x3FAC]  }
0x30: {  	s3 =	sld [smem:$0x3FAF]  }
0x31: {  	[smem:$0x3FB8] =	sst s10  }
0x32: {  	s10 =	sld [smem:$0x3FB6];
	_ =	sdelay $0x3  }
0x33: {  	p0 =	seq.s32 s10, $0x1;
	s10 =	sld [smem:$0x3FB8];
	_ =	sdelay $0x3  }
0x34: {  	[smem:$0x3FB8] =	sst s10  }
0x35: {  	s10 =	sld [smem:$0x3FB7];
	_ =	sdelay $0x3  }
0x36: {  	p1 =	seq.s32 s10, $0x1;
	s10 =	sld [smem:$0x3FB8];
	_ =	sdelay $0x3  }
0x37: {  	[smem:$0x3FB8] =	sst s10  }
0x38: {  	s10 =	sld [smem:$0x3FB9]  }
0x39: {  	_ = 	snop;
	(pc) =	sbr.ind lr, $3  }
0x3a: {  	_ = 	snop  }
0x3b: {  	_ = 	snop  }
0x3c: {  	p2 =	seq.s32 s10, $0x1;
	s10 =	sld [smem:$0x3FB8]  }
0x3d: {  	_ =	shalt  }
0x3e: {  	_ =	shalt  }
0x3f: {  	_ =	shalt  }
0x40: {  	_ =	shalt  }
0x41: {  	_ =	shalt  }
0x42: {  	_ =	shalt  }
0x43: {  	_ =	shalt  }
0x44: {  	_ =	shalt  }
0x45: {  	_ =	shalt  }
0x46: {  	_ =	shalt  }
0x47: {  	_ =	shalt  }
0x48: {  	_ =	shalt  }
0x49: {  	_ =	shalt  }
0x4a: {  	_ =	shalt  }
0x4b: {  	_ =	shalt  }
0x4c: {  	_ =	shalt  }
0x4d: {  	_ =	shalt  }
0x4e: {  	_ =	shalt  }
0x4f: {  	_ =	shalt  }
0x50: {  	_ =	shalt  }
0x51: {  	_ =	shalt  }
0x52: {  	_ =	shalt  }
0x53: {  	_ =	shalt  }
0x54: {  	_ =	shalt  }
0x55: {  	_ =	shalt  }
0x56: {  	_ =	shalt  }
0x57: {  	_ =	shalt  }
0x58: {  	_ =	shalt  }
0x59: {  	_ =	shalt  }
0x5a: {  	_ =	shalt  }
0x5b: {  	_ =	shalt  }
0x5c: {  	_ =	shalt  }
0x5d: {  	_ =	shalt  }
0x5e: {  	_ =	shalt  }
0x5f: {  	_ =	shalt  }
0x60: {  	_ =	shalt  }
0x61: {  	_ =	shalt  }
0x62: {  	_ =	shalt  }
0x63: {  	_ =	shalt  }
0x64: {  	_ =	shalt  }
0x65: {  	_ =	shalt  }
0x66: {  	_ =	shalt  }
0x67: {  	_ =	shalt  }
0x68: {  	_ =	shalt  }
0x69: {  	_ =	shalt  }
0x6a: {  	_ =	shalt  }
0x6b: {  	_ =	shalt  }
0x6c: {  	_ =	shalt  }
0x6d: {  	_ =	shalt  }
0x6e: {  	_ =	shalt  }
0x6f: {  	_ =	shalt  }
0x70: {  	_ =	shalt  }
0x71: {  	_ =	shalt  }
0x72: {  	_ =	shalt  }
0x73: {  	_ =	shalt  }
0x74: {  	_ =	shalt  }
0x75: {  	_ =	shalt  }
0x76: {  	_ =	shalt  }
0x77: {  	_ =	shalt  }
0x78: {  	_ =	shalt  }
0x79: {  	_ =	shalt  }
0x7a: {  	_ =	shalt  }
0x7b: {  	_ =	shalt  }
0x7c: {  	_ =	shalt  }
0x7d: {  	_ =	shalt  }
0x7e: {  	_ =	shalt  }
0x7f: {  	_ =	shalt  }
0x80: {  	_ =	shalt  }
0x81: {  	_ =	shalt  }
0x82: {  	_ =	shalt  }
0x83: {  	_ =	shalt  }
0x84: {  	_ =	shalt  }
0x85: {  	_ =	shalt  }
0x86: {  	_ =	shalt  }
0x87: {  	_ =	shalt  }
.Lfunc_end0:
.L_simem_size_0:
called_computation_lowered:
.L_overlay_start_0:
0x88: {  	s2 =	sld [smem:$0x3FD9]  }
0x89: {  	s3 =	sld [smem:$0x3FFE];
	_ =	sdelay $0x1  }
0x8a: {  	s1 =	srdreg.scid  }
0x8b: {  	s0 =	sand.u32 $0x1, s1  }
0x8c: {  	s17 =	sshll.u32 s0, $0xA;
	s2 =	sadd.s32 s3, s2  }
0x8d: {  	s2 =	sadd.s32 s2, s17  }
0x8e: {  	[smem:$0x3FC4] =	sst s2  }
0x8f: {  	_ = 	snop  }
0x90: {  	s2 =	sld [smem:$0x3FD0];
	(tm) =	ssettm $0x1  }
0x91: {  	s18 =	sld [smem:$0x3FFB];
	_ =	sdelay $0x3  }
0x92: {  	_ =	strace s18  }
0x93: {  	s3 =	sld [smem:$0x3FFC];
	_ =	sdelay $0x3  }
0x94: {  	_ =	strace s3  }
0x95: {  	s3 =	sld [smem:$0x3FFD];
	_ =	sdelay $0x3  }
0x96: {  	_ =	strace s3  }
0x97: {  	_ =	strace $0x8FFFFFFF  }
0x98: {  	s19 =	sld [smem:$0x3FDB];
	_ =	sdelay $0x1  }
0x99: {  	s4 =	simm.s32 $_scs_section_size  }
0x9a: {  	s5 =	simm.s32 $_size__tile_overlayer_lowered;
	s6 =	simm.s32 $_tile_overlayer_lowered  }
0x9b: {  	s22 =	simm.s32 $0x1BFF;
	s21 =	sshll.u32 s6, $0x1;
	s3 =	sadd.s32 s4, s19  }
0x9c: {  	s7 =	simm.s32 $0x0;
	s20 =	sshll.u32 s5, $0x1;
	s5 =	sadd.s32 s21, s3  }
0x9d: {  	[timem:s7], [sflag:s22] =	dma.local [hbm:s5], s20  }
0x9e: {  	_ =	swait.ge [sflag:s22], s20  }
0x9f: {  	s4 =	ssub.s32 $0x0, s20;
	[sflag:s22] =	ssyncset.done $0x0  }
0xa0: {  	[sflag:s22] =	ssyncadd.s32 s4;
	_ =	sdelay $0x1  }
0xa1: {  	s23 =	simm.s32 $0x1B8B  }
0xa2: {  	_ =	swait.ge [sflag:s23], $0x1  }
0xa3: {  	[sflag:s23] =	ssyncset.done $0x0  }
0xa4: {  	s25 =	simm.s32 $0x1B8E;
	s24 =	sld [smem:$0x3FFE];
	[sflag:s23] =	ssyncadd.s32 $0xFFFFFFFF  }
0xa5: {  	s26 =	simm.s32 $execute0_lowered;
	[smem:$0x3FD2] =	sst s25  }
0xa6: {  	s5 =	sshll.u32 s26, $0x1;
	_ =	strace $0x80000046;
	[dreg:$0x1] =	wrdreg $0xFFFFFFFF  }
0xa7: {  	s28 =	simm.s32 $_size_execute0_lowered;
	s3 =	sadd.s32 s3, s5;
	[dreg:$0x0] =	wrdreg $0x0  }
0xa8: {  	s5 =	sshll.u32 s28, $0x1;
	[dreg:$0x2] =	wrdreg s3  }
0xa9: {  	[dreg:$0x3] =	wrdreg s5  }
0xaa: {  	[dreg:$0x4] =	wrdreg $0xC0  }
0xab: {  	_ =	task [dreg:s7], $0x5FFFF  }
0xac: {  	[dreg:$0x1] =	wrdreg $0xFFFFFFFF  }
0xad: {  	[dreg:$0x0] =	wrdreg $0x60  }
0xae: {  	[dreg:$0x2] =	wrdreg s24  }
0xaf: {  	[dreg:$0x3] =	wrdreg s2  }
0xb0: {  	[dreg:$0x4] =	wrdreg $0x9  }
0xb1: {  	_ =	task.clear_ibuf [dreg:s7], $0x5FFFF;
	_ =	strace $0x90000046  }
0xb2: {  	s29 =	simm.s32 $0x9;
	_ =	strace $0x80000048  }
0xb3: {  	_ =	swait.ge [sflag:s29], $0x1  }
0xb4: {  	[sflag:s29] =	ssyncadd.s32 $0xFFFFFFFF  }
0xb5: {  	_ =	strace $0x90000048  }
0xb6: {  	_ =	sfence  }
0xb7: {  	s30 =	sld [smem:$0x0];
	_ =	sdelay $0x2  }
0xb8: {  	s31 =	sshll.u32 s1, $0xD;
	s1 =	sshrl.u32 s1, $0x2  }
0xb9: {  	s3 =	sand.u32 $0x4000, s31;
	s1 =	sadd.s32 s1, s30  }
0xba: {  	s0 =	sor.u32 s3, s0;
	s1 =	sshll.u32 s1, $0x11  }
0xbb: {  	s0 =	sor.u32 s1, s0  }
0xbc: {  	s0 =	sadd.s32 $0x8F2B, s0  }
0xbd: {  	[sflag:s0] =	ssyncadd.remote.s32 $0x1  }
0xbe: {  	_ =	sfence.sel $0xFFFF  }
0xbf: {  	[dreg:$0x0] =	wrdreg $0xFFFFFFFF;
	(pc) =	sbr.abs _section_cstart, $3  }
0xc0: {  	[dreg:$0x1] =	wrdreg $0xFFFFFFFF  }
0xc1: {  	_ =	task.clear_ibuf [dreg:s7], $0x2FFFF;
	_ =	strace $0x9FFFFFFF  }
0xc2: {  	(tm) =	ssettm $0x7FFFFFFF  }
0xc3: {  	_ =	shalt  }
tec
execute0_lowered:
.L_overlay_start_1:
0x0: {  	(tag) =	ssettag $0x1  }
0x1: {  	s0 =	rddreg [dreg:$0x0]  }
0x2: {  	s1 =	rddreg [dreg:$0x1]  }
0x3: {  	s2 =	simm.s32 $0x0;
	s25 =	srdreg.scid;
	s3 =	stileid.u32  }
0x4: {  	s11 =	simm.s32 $0x5;
	s13 =	simm.s32 $0x480;
	s15 =	simm.s32 $0x1  }
0x5: {  	s16 =	simm.s32 $0x2800;
	s17 =	simm.s32 $0xC35000;
	s18 =	simm.s32 $0x4F00  }
0x6: {  	[smem:$0x7FF] =	sst s2;
	s2 =	sand.u32 $0x1, s25;
	s5 =	sshll.u32 s3, $0x1  }
0x7: {  	s4 =	sadd.s32 $0xA00, s0;
	s26 =	sadd.s32 $0x800, s0;
	s5 =	sor.u32 s2, s5  }
0x8: {  	s29 =	sadd.s32 $0x600, s0;
	_ =	strace $0x80000047;
	s7 =	smul.u32 $0x280, s5  }
.Ltmp0:
0x9: {  	s6 =	ssub.s32 $0x2, s2;
	[dreg:$0x3] =	wrdreg s26;
	(pc) =	sbr.rel .LBB2_1-.Ltmp0, $4  }
0xa: {  	s0 =	sadd.s32 $0x400, s0;
	[dreg:$0x4] =	wrdreg s29;
	s28 =	sshrl.u32 s6, $0x1  }
0xb: {  	[dreg:$0x5] =	wrdreg s0;
	s30 =	ssub.s32 s6, s28;
	s31 =	sadd.s32 s4, s7  }
0xc: {  	s19 =	simm.s32 $0x2;
	s0 =	smax.u32 s30, $0x1;
	[dreg:$0x6] =	wrdreg s31  }
0xd: {  	s20 =	simm.s32 $0xEF00;
	v0 =	vlaneseq.u32;
	s23 =	simm.s32 $0x0;
	[dreg:$0x7] =	wrdreg s0  }
.LBB2_11:
0xe: {  	s0 =	simm.s32 $0x3  }
0xf: {  	_ =	swait.ge [sflag:s0], $0xA000  }
0x10: {  	[sflag:s0] =	ssyncset.done $0x0  }
0x11: {  	s2 =	simm.s32 $0x4;
	[sflag:s0] =	ssyncadd.s32 $0xFFFF6000  }
0x12: {  	_ =	swait.ge [sflag:s2], $0xA000  }
0x13: {  	s23 =	sadd.s32 $0x1, s23;
	s31 =	rddreg [dreg:$0x7]  }
0x14: {  	p0 =	sne.s32 s23, s31  }
.Ltmp1:
0x15: {  	_ = 	snop;
	(pc) =	sbr.rel @!p0 .LBB2_12-.Ltmp1, $3  }
0x16: {  	_ =	sdelay $0x1  }
0x17: {  	[sflag:s2] =	ssyncset.done $0x0  }
0x18: {  	[sflag:s2] =	ssyncadd.s32 $0xFFFF6000  }
.LBB2_1:
0x19: {  	s3 =	simm.s32 $0x0  }
0x1a: {  	s0 =	rddreg [dreg:$0x3];
	s9 =	smulhi.u32 $0xAAAAAAAB, s3  }
0x1b: {  	[tilespmem:s3], [sflag:$0x5] =	stream.linear.gather [hbm4b:s0+s3], $0x300, $0x38;
	[tilespmem:$0x18F00] =	vst v63  }
0x1c: {  	s8 =	simm.s32 $0x300;
	_ =	swait.ge [sflag:s11], $0x300;
	s0 =	sshrl.u32 s9, $0x3  }
0x1d: {  	s7 =	simm.s32 $0x400;
	[sflag:s11] =	ssyncset.done $0x0;
	s10 =	smul.u32 $0xC, s0  }
0x1e: {  	s2 =	rddreg [dreg:$0x4];
	[sflag:s11] =	ssyncadd.s32 $0xFFFFFD00;
	s24 =	smul.u32 $0x180, s0  }
0x1f: {  	[tilespmem:s8], [sflag:$0x5] =	stream.linear.gather [hbm4b:s2+s3], $0x100, $0x38;
	[tilespmem:$0x18F00] =	vst v63  }
0x20: {  	_ =	swait.ge [sflag:s11], $0x100;
	s2 =	ssub.s32 $0xFFFFFFFC, s10;
	s10 =	simm.s32 $0x0  }
0x21: {  	[sflag:s11] =	ssyncset.done $0x0;
	s6 =	rddreg [dreg:$0x5];
	s12 =	sadd.s32 $0x5, s2  }
0x22: {  	s2 =	sadd.s32 $0x7, s2;
	s22 =	smul.u32 $0xAAAB, s10;
	[sflag:s11] =	ssyncadd.s32 $0xFFFFFF00  }
0x23: {  	s14 =	sand.u32 $0x8000, s12;
	s8 =	sand.u32 $0x8000, s2;
	s9 =	sshra.s32 s12, $0x1F  }
0x24: {  	[tilespmem:s7], [sflag:$0x5] =	stream.linear.gather [hbm4b:s6+s3], $0x80, $0x38;
	[tilespmem:$0x18F00] =	vst v63  }
0x25: {  	s7 =	sshrl.u32 s14, $0xF;
	s8 =	sshrl.u32 s8, $0xF;
	s14 =	simm.s32 $0x4  }
0x26: {  	_ =	swait.ge [sflag:s11], $0x80;
	s6 =	sadd.s32 s7, s12;
	s21 =	sadd.s32 s8, s2  }
0x27: {  	s2 =	sshra.s32 s2, $0x1F;
	s8 =	sshrl.u32 s22, $0xE;
	s7 =	sshll.u32 s21, $0x10  }
0x28: {  	[sflag:s11] =	ssyncset.done $0x0;
	s6 =	sshll.u32 s6, $0x10;
	s7 =	sshra.s32 s7, $0x11  }
0x29: {  	[sflag:s11] =	ssyncadd.s32 $0xFFFFFF80;
	s6 =	sshra.s32 s6, $0x11;
	s7 =	sadd.s32 s7, s2  }
0x2a: {  	s6 =	sadd.s32 s6, s9;
	s2 =	sand.u32 $0x3FFE0, s8;
	s25 =	sshll.u32 s7, $0x7  }
0x2b: {  	s21 =	smulhi.u32 $0xAAAAAAAB, s14;
	v2 =	vld [tilespmem:s2+$0x0];
	s26 =	sshll.u32 s6, $0x7;
	s8 =	sshra.s32 s25, $0x2  }
0x2c: {  	s9 =	ssub.s32 $0x0, s24;
	s7 =	sshll.u32 s7, $0x6;
	s10 =	sshra.s32 s26, $0x2;
	v1 =	vld [tilespmem:s8+$0x300]  }
0x2d: {  	s0 =	smul.u32 $0xFFFFFD00, s0;
	s6 =	sshll.u32 s6, $0x6;
	s7 =	ssub.s32 s9, s7;
	v3 =	vld [tilespmem:s10+$0x300]  }
0x2e: {  	s12 =	ssub.s32 s9, s6;
	s6 =	sshrl.u32 s21, $0x3;
	v4 =	vld [tilespmem:s7+$0x460]  }
0x2f: {  	s0 =	sshra.s32 s0, $0x2;
	s3 =	simm.s32 $0x63;
	v7 =	vld [tilespmem:$0x400];
	s24 =	smul.u32 $0xFFFFFD00, s6  }
0x30: {  	s0 =	sadd.s32 $0x300, s0;
	v6 =	vadd.s32 s3, v0;
	v5 =	vld [tilespmem:s12+$0x420]  }
0x31: {  	v9 =	vld [tilespmem:s0+$0x0];
	s9 =	simm.s32 $0x21;
	s24 =	sshra.s32 s24, $0x2;
	v1 =	vadd.f32 v1, v2  }
0x32: {  	v10 =	vld [tilespmem:s0+$0x20];
	v8 =	vadd.s32 s9, v0;
	s24 =	sadd.s32 $0x340, s24  }
0x33: {  	s22 =	smul.u32 $0xC, s6;
	v14 =	vld [tilespmem:s24+$0x0];
	v3 =	vadd.f32 v3, v2;
	v4 =	vadd.f32 v4, v1  }
0x34: {  	s21 =	simm.s32 $0x0;
	v15 =	vld [tilespmem:s24+$0x20]  }
0x35: {  	s28 =	simm.s32 $0x10;
	s9 =	ssub.s32 $0x0, s22;
	v3 =	vadd.f32 v5, v3;
	v1 =	vld [tilespmem:$0x400];
	v5 =	vadd.s32 s21, v0;
	[tilespmem:v6+s13+$0x0] =	vst.idx.msk $0xffff, v4  }
0x36: {  	s25 =	simm.s32 $0x42;
	s21 =	sadd.s32 $0x5, s9;
	s9 =	sadd.s32 $0x7, s9;
	v6 =	vadd.f32 v9, v2;
	v4 =	vld [tilespmem:s2+$0x10]  }
0x37: {  	s3 =	sand.u32 $0x8000, s21;
	s26 =	sshra.s32 s21, $0x1F;
	s29 =	sand.u32 $0x8000, s9;
	[tilespmem:v8+s13+$0x0] =	vst.idx.msk $0xffff, v3;
	v3 =	vld [tilespmem:s8+$0x310]  }
0x38: {  	v8 =	vadd.s32 s25, v0;
	s22 =	sshrl.u32 s3, $0xF;
	s3 =	sshrl.u32 s29, $0xF;
	s25 =	simm.s32 $0x4;
	v12 =	vld [tilespmem:s2+$0x10];
	v6 =	vadd.f32 v7, v6  }
0x39: {  	v2 =	vadd.f32 v10, v2;
	v11 =	vld [tilespmem:s7+$0x470];
	s7 =	sadd.s32 s22, s21;
	s8 =	sadd.s32 s3, s9;
	s22 =	smul.u32 $0xAAAB, s25  }
0x3a: {  	v10 =	vld [tilespmem:s10+$0x310];
	s9 =	sshra.s32 s9, $0x1F;
	s7 =	sshll.u32 s7, $0x10;
	s8 =	sshll.u32 s8, $0x10;
	[tilespmem:v5+s13+$0x0] =	vst.idx.msk $0xffff, v6  }
0x3b: {  	v2 =	vadd.f32 v2, v7;
	s7 =	sshra.s32 s7, $0x11;
	s8 =	sshra.s32 s8, $0x11;
	s10 =	sshrl.u32 s22, $0xE;
	v7 =	vld [tilespmem:s2+$0x10]  }
0x3c: {  	s7 =	sadd.s32 s7, s26;
	s8 =	sadd.s32 s8, s9;
	s26 =	sand.u32 $0x3FFE0, s10;
	v13 =	vld [tilespmem:s0+$0x10]  }
0x3d: {  	s30 =	simm.s32 $0x80;
	s6 =	smul.u32 $0x180, s6;
	[tilespmem:v8+s13+$0x0] =	vst.idx.msk $0xffff, v2;
	s9 =	sshll.u32 s8, $0x7;
	v8 =	vld [tilespmem:s26+$0x0]  }
0x3e: {  	s14 =	simm.s32 $0x73;
	s3 =	sshll.u32 s7, $0x7;
	v5 =	vld [tilespmem:s2+$0x10];
	s2 =	sshra.s32 s9, $0x2  }
0x3f: {  	v17 =	vadd.s32 s14, v0;
	s6 =	ssub.s32 $0x80, s6;
	s8 =	sshll.u32 s8, $0x6;
	v4 =	vadd.f32 v3, v4;
	s31 =	sshra.s32 s3, $0x2;
	v19 =	vld [tilespmem:s2+$0x300]  }
0x40: {  	s21 =	simm.s32 $0xE7;
	s7 =	sshll.u32 s7, $0x6;
	s14 =	ssub.s32 s6, s8;
	v9 =	vld [tilespmem:s31+$0x300]  }
0x41: {  	s29 =	simm.s32 $0x340;
	v16 =	vadd.s32 s21, v0;
	s10 =	simm.s32 $0x31;
	v2 =	vadd.s32 s28, v0;
	s6 =	ssub.s32 s6, s7;
	v20 =	vadd.f32 v11, v4;
	v11 =	vld [tilespmem:s14+$0x460]  }
0x42: {  	s21 =	simm.s32 $0xC6;
	s22 =	simm.s32 $0x52;
	v3 =	vadd.s32 s10, v0;
	v6 =	vadd.f32 v10, v12;
	s3 =	simm.s32 $0x84;
	v7 =	vadd.f32 v13, v7;
	v13 =	vld [tilespmem:s6+$0x420]  }
0x43: {  	s28 =	simm.s32 $0xF7;
	s9 =	simm.s32 $0x94;
	v10 =	vld [tilespmem:s0+$0x30];
	v12 =	vadd.s32 s3, v0;
	v4 =	vadd.s32 s22, v0;
	s22 =	simm.s32 $0xA5;
	v18 =	vadd.f32 v14, v8  }
0x44: {  	s8 =	simm.s32 $0xB5;
	s10 =	simm.s32 $0xD6;
	s0 =	simm.s32 $0x8;
	v15 =	vadd.f32 v15, v8;
	[tilespmem:v17+s13+$0x0] =	vst.idx.msk $0xffff, v20;
	v17 =	vadd.s32 s22, v0;
	v14 =	vld [tilespmem:s12+$0x430];
	v19 =	vadd.f32 v19, v8  }
.LBB2_2:
0x45: {  	s7 =	smulhi.u32 $0xAAAAAAAB, s0;
	v18 =	vadd.f32 v1, v18;
	v8 =	vadd.f32 v9, v8;
	v9 =	vadd.s32 s21, v0;
	v20 =	vld [tilespmem:$0x410];
	s12 =	smov.u32 s6  }
0x46: {  	v21 =	vadd.s32 s9, v0;
	v15 =	vadd.f32 v15, v1;
	v11 =	vadd.f32 v11, v19;
	v19 =	vld [tilespmem:$0x410]  }
0x47: {  	v22 =	vadd.s32 s10, v0;
	s6 =	sshrl.u32 s7, $0x3;
	v8 =	vadd.f32 v13, v8;
	v13 =	vadd.s32 s8, v0  }
0x48: {  	s7 =	smul.u32 $0xC, s6;
	v1 =	vld [tilespmem:$0x400];
	[tilespmem:v16+s13+$0x0] =	vst.idx.msk $0xffff, v11;
	v5 =	vadd.f32 v10, v5  }
0x49: {  	s8 =	smul.u32 $0xFFFFFD00, s6;
	[tilespmem:v17+s13+$0x0] =	vst.idx.msk $0xffff, v8;
	v8 =	vld [tilespmem:s26+$0x10];
	v6 =	vadd.f32 v14, v6  }
0x4a: {  	s29 =	sadd.s32 $0x40, s29;
	s6 =	smul.u32 $0x180, s6;
	s7 =	ssub.s32 s25, s7;
	[tilespmem:v12+s13+$0x0] =	vst.idx.msk $0xffff, v18;
	v10 =	vld [tilespmem:s2+$0x310];
	v7 =	vadd.f32 v20, v7  }
0x4b: {  	s2 =	sshra.s32 s8, $0x2;
	s8 =	sadd.s32 $0x5, s7;
	s9 =	sadd.s32 $0x7, s7;
	v11 =	vld [tilespmem:s26+$0x10];
	[tilespmem:v9+s13+$0x0] =	vst.idx.msk $0xffff, v15;
	v5 =	vadd.f32 v19, v5  }
0x4c: {  	s10 =	sand.u32 $0x8000, s8;
	s21 =	sshra.s32 s8, $0x1F;
	s22 =	sand.u32 $0x8000, s9;
	v9 =	vld [tilespmem:s14+$0x470];
	[tilespmem:v3+s13+$0x0] =	vst.idx.msk $0xffff, v6;
	v3 =	vmov v13  }
0x4d: {  	s7 =	sadd.s32 s2, s29;
	s2 =	sshrl.u32 s10, $0xF;
	s10 =	sshrl.u32 s22, $0xF;
	v6 =	vld [tilespmem:s31+$0x310];
	[tilespmem:v2+s13+$0x0] =	vst.idx.msk $0xffff, v7;
	v2 =	vmov v21  }
0x4e: {  	s25 =	sadd.s32 $0x4, s25;
	v7 =	vadd.s32 s28, v0;
	v12 =	vld [tilespmem:s7+$0x0];
	s2 =	sadd.s32 s2, s8;
	s8 =	sadd.s32 s10, s9;
	[tilespmem:v4+s13+$0x0] =	vst.idx.msk $0xffff, v5;
	v4 =	vmov v22  }
0x4f: {  	s10 =	smul.u32 $0xAAAB, s25;
	s2 =	sshll.u32 s2, $0x10;
	v14 =	vld [tilespmem:s7+$0x20];
	s8 =	sshll.u32 s8, $0x10;
	v5 =	vadd.f32 v10, v8  }
0x50: {  	s9 =	sshra.s32 s9, $0x1F;
	s2 =	sshra.s32 s2, $0x11;
	s8 =	sshra.s32 s8, $0x11;
	v10 =	vld [tilespmem:s26+$0x10]  }
0x51: {  	s10 =	sshrl.u32 s10, $0xE;
	s14 =	sadd.s32 s2, s21;
	s8 =	sadd.s32 s8, s9;
	v13 =	vld [tilespmem:s24+$0x10];
	v9 =	vadd.f32 v9, v5  }
0x52: {  	s30 =	sadd.s32 $0x80, s30;
	s2 =	sshll.u32 s8, $0x7;
	v6 =	vadd.f32 v6, v11;
	v5 =	vld [tilespmem:s26+$0x10];
	s26 =	sand.u32 $0x3FFE0, s10  }
0x53: {  	s6 =	ssub.s32 s30, s6;
	s9 =	sshll.u32 s14, $0x7;
	v8 =	vld [tilespmem:s26+$0x0];
	s2 =	sshra.s32 s2, $0x2;
	[tilespmem:v7+s13+$0x0] =	vst.idx.msk $0xffff, v9  }
0x54: {  	p0 =	slt.u32 s25, $0x104;
	s8 =	sshll.u32 s8, $0x6;
	s31 =	sshra.s32 s9, $0x2;
	v19 =	vld [tilespmem:s2+$0x300]  }
.Ltmp2:
0x55: {  	s9 =	sshll.u32 s14, $0x6;
	s14 =	ssub.s32 s6, s8;
	v9 =	vld [tilespmem:s31+$0x300];
	(pc) =	sbr.rel @p0 .LBB2_2-.Ltmp2, $4  }
0x56: {  	s28 =	sadd.s32 $0x84, s28;
	s6 =	ssub.s32 s6, s9;
	v11 =	vld [tilespmem:s14+$0x460];
	v7 =	vadd.f32 v13, v10  }
0x57: {  	s22 =	sadd.s32 $0xFFFFFFAE, s28;
	s3 =	sadd.s32 $0xFFFFFFF0, s28;
	s10 =	sadd.s32 $0xFFFFFF8D, s28;
	v13 =	vld [tilespmem:s6+$0x420]  }
0x58: {  	v16 =	vadd.s32 s3, v0;
	s21 =	sadd.s32 $0xFFFFFFCF, s28;
	s8 =	sadd.s32 $0xFFFFFFBE, s28;
	s9 =	sadd.s32 $0xFFFFFF9D, s28;
	v18 =	vadd.f32 v12, v8;
	v15 =	vadd.f32 v14, v8;
	v10 =	vld [tilespmem:s24+$0x30]  }
0x59: {  	s0 =	sadd.s32 $0x4, s0;
	v17 =	vadd.s32 s22, v0;
	v12 =	vadd.s32 s10, v0;
	s10 =	sadd.s32 $0xFFFFFFDF, s28;
	s24 =	smov.u32 s7;
	v19 =	vadd.f32 v19, v8;
	v14 =	vld [tilespmem:s12+$0x430]  }
0x5a: {  	_ =	sdelay $0x1  }
0x5b: {  	v53 =	vadd.f32 v1, v18  }
0x5c: {  	v49 =	vld [tilespmem:$0x410];
	v48 =	vadd.f32 v11, v19  }
0x5d: {  	v8 =	vadd.f32 v9, v8;
	v50 =	vld [tilespmem:$0x410];
	[tilespmem:v12+s13+$0x0] =	vst.idx.msk $0xffff, v53  }
0x5e: {  	[tilespmem:v16+s13+$0x0] =	vst.idx.msk $0xffff, v48;
	v56 =	vld [tilespmem:s26+$0x10]  }
0x5f: {  	v51 =	vadd.s32 s21, v0;
	v8 =	vadd.f32 v13, v8;
	v9 =	vld [tilespmem:s26+$0x10]  }
0x60: {  	v52 =	vld [tilespmem:s2+$0x310]  }
0x61: {  	[tilespmem:v17+s13+$0x0] =	vst.idx.msk $0xffff, v8;
	v54 =	vld [tilespmem:s14+$0x470]  }
0x62: {  	v1 =	vadd.f32 v15, v1;
	v17 =	vld [tilespmem:s26+$0x10]  }
0x63: {  	v55 =	vld [tilespmem:s31+$0x310]  }
0x64: {  	[tilespmem:v51+s13+$0x0] =	vst.idx.msk $0xffff, v1;
	v1 =	vld [tilespmem:s24+$0x10]  }
0x65: {  	v20 =	vld [tilespmem:s6+$0x430]  }
0x66: {  	v13 =	vld [tilespmem:s26+$0x10]  }
0x67: {  	v57 =	vld [tilespmem:s24+$0x30]  }
0x68: {  	v58 =	vadd.s32 s28, v0;
	v5 =	vadd.f32 v10, v5;
	v59 =	vld [tilespmem:$0x410];
	v6 =	vadd.f32 v14, v6  }
0x69: {  	v21 =	vadd.s32 s8, v0;
	v7 =	vadd.f32 v49, v7;
	v60 =	vld [tilespmem:$0x410];
	v8 =	vadd.f32 v52, v9  }
0x6a: {  	v61 =	vadd.s32 s9, v0;
	v5 =	vadd.f32 v50, v5;
	[tilespmem:v3+s13+$0x0] =	vst.idx.msk $0xffff, v6;
	v3 =	vadd.f32 v55, v17  }
0x6b: {  	v62 =	vadd.s32 s10, v0;
	[tilespmem:v2+s13+$0x0] =	vst.idx.msk $0xffff, v7;
	v1 =	vadd.f32 v1, v56;
	v2 =	vadd.f32 v54, v8  }
0x6c: {  	[tilespmem:v4+s13+$0x0] =	vst.idx.msk $0xffff, v5;
	v63 =	vadd.f32 v57, v13;
	v3 =	vadd.f32 v20, v3  }
0x6d: {  	v1 =	vadd.f32 v59, v1;
	[tilespmem:v58+s13+$0x0] =	vst.idx.msk $0xffff, v2  }
.Ltmp3:
0x6e: {  	v2 =	vadd.f32 v60, v63;
	[tilespmem:v21+s13+$0x0] =	vst.idx.msk $0xffff, v3;
	(pc) =	sbr.rel .LBB2_4-.Ltmp3, $4  }
0x6f: {  	[tilespmem:v61+s13+$0x0] =	vst.idx.msk $0xffff, v1  }
0x70: {  	[tilespmem:v62+s13+$0x0] =	vst.idx.msk $0xffff, v2  }
0x71: {  	s31 =	simm.s32 $0x2700;
	s24 =	simm.s32 $0x0;
	s0 =	rddreg [dreg:$0x6]  }
0x72: {  	[tilespmem:s31], [sflag:$0x1] =	stream.linear.gather [hbm4b:s0+s24], $0x1400, $0x38;
	[tilespmem:$0x18F00] =	vst v63  }
.LBB2_10:
0x73: {  	s24 =	sadd.s32 $0x1, s24  }
0x74: {  	p0 =	sne.s32 s24, $0x14  }
.Ltmp4:
0x75: {  	_ = 	snop;
	(pc) =	sbr.rel @!p0 .LBB2_11-.Ltmp4, $1  }
0x76: {  	_ =	sdelay $0x3  }
.LBB2_4:
0x77: {  	s0 =	sshll.u32 s24, $0x6  }
0x78: {  	s26 =	sor.u32 s5, s0  }
0x79: {  	s25 =	sor.u32 $0x20, s26  }
0x7a: {  	_ =	swait.ge [sflag:s15], $0x1400;
	p1 =	sgt.u32 s25, $0x4E1  }
0x7b: {  	[sflag:s15] =	ssyncset.done $0x0;
	s0 =	smul.u32 @!p1 $0x280, s25  }
0x7c: {  	p0 =	seq.s32 s24, $0x0;
	[sflag:s15] =	ssyncadd.s32 $0xFFFFEC00  }
0x7d: {  	s2 =	simm.s32 @!p1 $0x0;
	s3 =	simm.s32 @!p1 $0x3B00;
	s0 =	sadd.s32 @!p1 s4, s0  }
0x7e: {  	[tilespmem:s3], [sflag:$0x2] =	stream.linear.gather @!p1 [hbm4b:s0+s2], $0x1400, $0x38;
	[tilespmem:$0x18F00] =	vst v63  }
0x7f: {  	s0 =	simm.s32 @!p0 $0x3  }
0x80: {  	_ =	swait.ge @!p0 [sflag:s0], $0xA000  }
0x81: {  	[sflag:s0] =	ssyncset.done @!p0 $0x0  }
0x82: {  	s28 =	simm.s32 $0x0;
	[sflag:s0] =	ssyncadd.s32 @!p0 $0xFFFF6000  }
.LBB2_5:
0x83: {  	s0 =	sshll.u32 s28, $0x6  }
0x84: {  	s30 =	sand.u32 $0x3FFFFFC0, s0  }
0x85: {  	v1 =	vld [tilespmem:s30+$0x2700]  }
0x86: {  	v2 =	vld [tilespmem:s30+$0x2780]  }
0x87: {  	v3 =	vld [tilespmem:s30+$0x2800];
	_ =	sdelay $0x3  }
0x88: {  	v1 =	vmul.u32 $0x18C, v1;
	v2 =	vmul.u32 $0x42, v2  }
0x89: {  	v3 =	vmul.u32 $0x21, v3  }
0x8a: {  	v1 =	vadd.s32 v1, v2  }
0x8b: {  	v1 =	vadd.s32 v3, v1;
	_ =	sdelay $0x4  }
0x8c: {  	v2 =	vld.idx.msk [tilespmem:v1+s13+$0x0], $0xffff  }
0x8d: {  	v3 =	vadd.s32 $0x1, v1;
	_ =	sdelay $0x1  }
0x8e: {  	s29 =	sshll.u32 s28, $0x7  }
0x8f: {  	s29 =	sand.u32 $0x3FFFFF80, s29  }
0x90: {  	[tilespmem:s29+$0x4F00] =	vst v2  }
0x91: {  	v2 =	vld.idx.msk [tilespmem:v3+s13+$0x0], $0xffff  }
0x92: {  	v3 =	vadd.s32 $0x2, v1;
	_ =	sdelay $0x3  }
0x93: {  	[tilespmem:s29+$0x4F80] =	vst v2  }
0x94: {  	v2 =	vld.idx.msk [tilespmem:v3+s13+$0x0], $0xffff  }
0x95: {  	v3 =	vadd.s32 $0x3, v1;
	_ =	sdelay $0x3  }
0x96: {  	[tilespmem:s29+$0x5000] =	vst v2  }
0x97: {  	v2 =	vld.idx.msk [tilespmem:v3+s13+$0x0], $0xffff  }
0x98: {  	v3 =	vadd.s32 $0x4, v1;
	_ =	sdelay $0x3  }
0x99: {  	[tilespmem:s29+$0x5080] =	vst v2  }
0x9a: {  	v2 =	vld.idx.msk [tilespmem:v3+s13+$0x0], $0xffff  }
0x9b: {  	v3 =	vadd.s32 $0x5, v1;
	_ =	sdelay $0x3  }
0x9c: {  	[tilespmem:s29+$0x5100] =	vst v2  }
0x9d: {  	v2 =	vld.idx.msk [tilespmem:v3+s13+$0x0], $0xffff  }
0x9e: {  	v3 =	vadd.s32 $0x6, v1;
	_ =	sdelay $0x3  }
0x9f: {  	[tilespmem:s29+$0x5180] =	vst v2  }
0xa0: {  	v2 =	vld.idx.msk [tilespmem:v3+s13+$0x0], $0xffff  }
0xa1: {  	v3 =	vadd.s32 $0x7, v1;
	_ =	sdelay $0x3  }
0xa2: {  	[tilespmem:s29+$0x5200] =	vst v2  }
0xa3: {  	v2 =	vld.idx.msk [tilespmem:v3+s13+$0x0], $0xffff  }
0xa4: {  	v3 =	vadd.s32 $0x8, v1;
	_ =	sdelay $0x3  }
0xa5: {  	[tilespmem:s29+$0x5280] =	vst v2  }
0xa6: {  	v2 =	vld.idx.msk [tilespmem:v3+s13+$0x0], $0xffff  }
0xa7: {  	v3 =	vadd.s32 $0x9, v1;
	_ =	sdelay $0x3  }
0xa8: {  	[tilespmem:s29+$0x7700] =	vst v2  }
0xa9: {  	v2 =	vld.idx.msk [tilespmem:v3+s13+$0x0], $0xffff  }
0xaa: {  	v3 =	vadd.s32 $0xA, v1;
	_ =	sdelay $0x3  }
0xab: {  	[tilespmem:s29+$0x7780] =	vst v2  }
0xac: {  	v2 =	vld.idx.msk [tilespmem:v3+s13+$0x0], $0xffff  }
0xad: {  	v3 =	vadd.s32 $0xB, v1;
	_ =	sdelay $0x3  }
0xae: {  	[tilespmem:s29+$0x7800] =	vst v2  }
0xaf: {  	v2 =	vld.idx.msk [tilespmem:v3+s13+$0x0], $0xffff  }
0xb0: {  	v3 =	vadd.s32 $0xC, v1;
	_ =	sdelay $0x3  }
0xb1: {  	[tilespmem:s29+$0x7880] =	vst v2  }
0xb2: {  	v2 =	vld.idx.msk [tilespmem:v3+s13+$0x0], $0xffff  }
0xb3: {  	v3 =	vadd.s32 $0xD, v1;
	_ =	sdelay $0x3  }
0xb4: {  	[tilespmem:s29+$0x7900] =	vst v2  }
0xb5: {  	v2 =	vld.idx.msk [tilespmem:v3+s13+$0x0], $0xffff  }
0xb6: {  	v3 =	vadd.s32 $0xE, v1;
	_ =	sdelay $0x3  }
0xb7: {  	[tilespmem:s29+$0x7980] =	vst v2  }
0xb8: {  	v2 =	vld.idx.msk [tilespmem:v3+s13+$0x0], $0xffff  }
0xb9: {  	v3 =	vadd.s32 $0xF, v1;
	_ =	sdelay $0x3  }
0xba: {  	[tilespmem:s29+$0x7A00] =	vst v2  }
0xbb: {  	v2 =	vld.idx.msk [tilespmem:v3+s13+$0x0], $0xffff  }
0xbc: {  	v3 =	vadd.s32 $0x10, v1;
	_ =	sdelay $0x3  }
0xbd: {  	[tilespmem:s29+$0x7A80] =	vst v2  }
0xbe: {  	v2 =	vld.idx.msk [tilespmem:v3+s13+$0x0], $0xffff;
	_ =	sdelay $0x4  }
0xbf: {  	[tilespmem:s29+$0x9F00] =	vst v2  }
0xc0: {  	v2 =	vld [tilespmem:s30+$0x2710]  }
0xc1: {  	v3 =	vld [tilespmem:s30+$0x2790]  }
0xc2: {  	v4 =	vld [tilespmem:s30+$0x2810];
	_ =	sdelay $0x3  }
0xc3: {  	v2 =	vmul.u32 $0x18C, v2;
	v3 =	vmul.u32 $0x42, v3  }
0xc4: {  	v4 =	vmul.u32 $0x21, v4  }
0xc5: {  	v2 =	vadd.s32 v2, v3  }
0xc6: {  	v2 =	vadd.s32 v4, v2;
	_ =	sdelay $0x4  }
0xc7: {  	v3 =	vld.idx.msk [tilespmem:v2+s13+$0x0], $0xffff  }
0xc8: {  	v4 =	vadd.s32 $0x1, v2;
	_ =	sdelay $0x3  }
0xc9: {  	[tilespmem:s29+$0x4F10] =	vst v3  }
0xca: {  	v3 =	vld.idx.msk [tilespmem:v4+s13+$0x0], $0xffff  }
0xcb: {  	v46 =	vadd.s32 $0x2, v2;
	_ =	sdelay $0x3  }
0xcc: {  	[tilespmem:s29+$0x4F90] =	vst v3  }
0xcd: {  	v3 =	vld.idx.msk [tilespmem:v46+s13+$0x0], $0xffff  }
0xce: {  	v47 =	vadd.s32 $0x3, v2;
	_ =	sdelay $0x3  }
0xcf: {  	[tilespmem:s29+$0x5010] =	vst v3  }
0xd0: {  	v3 =	vld.idx.msk [tilespmem:v47+s13+$0x0], $0xffff  }
0xd1: {  	v48 =	vadd.s32 $0x4, v2;
	_ =	sdelay $0x3  }
0xd2: {  	[tilespmem:s29+$0x5090] =	vst v3  }
0xd3: {  	v3 =	vld.idx.msk [tilespmem:v48+s13+$0x0], $0xffff  }
0xd4: {  	v49 =	vadd.s32 $0x5, v2;
	_ =	sdelay $0x3  }
0xd5: {  	[tilespmem:s29+$0x5110] =	vst v3  }
0xd6: {  	v3 =	vld.idx.msk [tilespmem:v49+s13+$0x0], $0xffff  }
0xd7: {  	v50 =	vadd.s32 $0x6, v2;
	_ =	sdelay $0x3  }
0xd8: {  	[tilespmem:s29+$0x5190] =	vst v3  }
0xd9: {  	v3 =	vld.idx.msk [tilespmem:v50+s13+$0x0], $0xffff  }
0xda: {  	v51 =	vadd.s32 $0x7, v2;
	_ =	sdelay $0x3  }
0xdb: {  	[tilespmem:s29+$0x5210] =	vst v3  }
0xdc: {  	v3 =	vld.idx.msk [tilespmem:v51+s13+$0x0], $0xffff  }
0xdd: {  	v52 =	vadd.s32 $0x8, v2;
	_ =	sdelay $0x3  }
0xde: {  	[tilespmem:s29+$0x5290] =	vst v3  }
0xdf: {  	v3 =	vld.idx.msk [tilespmem:v52+s13+$0x0], $0xffff  }
0xe0: {  	v53 =	vadd.s32 $0x9, v2;
	_ =	sdelay $0x3  }
0xe1: {  	[tilespmem:s29+$0x7710] =	vst v3  }
0xe2: {  	v3 =	vld.idx.msk [tilespmem:v53+s13+$0x0], $0xffff  }
0xe3: {  	v54 =	vadd.s32 $0xA, v2;
	_ =	sdelay $0x3  }
0xe4: {  	[tilespmem:s29+$0x7790] =	vst v3  }
0xe5: {  	v3 =	vld.idx.msk [tilespmem:v54+s13+$0x0], $0xffff  }
0xe6: {  	v55 =	vadd.s32 $0xB, v2;
	_ =	sdelay $0x3  }
0xe7: {  	[tilespmem:s29+$0x7810] =	vst v3  }
0xe8: {  	v3 =	vld.idx.msk [tilespmem:v55+s13+$0x0], $0xffff  }
0xe9: {  	v56 =	vadd.s32 $0xC, v2;
	_ =	sdelay $0x3  }
0xea: {  	[tilespmem:s29+$0x7890] =	vst v3  }
0xeb: {  	v3 =	vld.idx.msk [tilespmem:v56+s13+$0x0], $0xffff  }
0xec: {  	v57 =	vadd.s32 $0xD, v2;
	_ =	sdelay $0x3  }
0xed: {  	[tilespmem:s29+$0x7910] =	vst v3  }
0xee: {  	v3 =	vld.idx.msk [tilespmem:v57+s13+$0x0], $0xffff  }
0xef: {  	v58 =	vadd.s32 $0xE, v2;
	_ =	sdelay $0x3  }
0xf0: {  	[tilespmem:s29+$0x7990] =	vst v3  }
0xf1: {  	v3 =	vld.idx.msk [tilespmem:v58+s13+$0x0], $0xffff  }
0xf2: {  	v59 =	vadd.s32 $0xF, v2;
	_ =	sdelay $0x3  }
0xf3: {  	[tilespmem:s29+$0x7A10] =	vst v3  }
0xf4: {  	v3 =	vld.idx.msk [tilespmem:v59+s13+$0x0], $0xffff;
	_ =	sdelay $0x4  }
0xf5: {  	[tilespmem:s29+$0x7A90] =	vst v3;
	v3 =	vadd.s32 $0x11, v1  }
0xf6: {  	v60 =	vadd.s32 $0x10, v2;
	_ =	sdelay $0x3  }
0xf7: {  	v3 =	vld.idx.msk [tilespmem:v3+s13+$0x0], $0xffff  }
0xf8: {  	v61 =	vadd.s32 $0x12, v1;
	v4 =	vld.idx.msk [tilespmem:v60+s13+$0x0], $0xffff  }
0xf9: {  	v5 =	vadd.s32 $0x11, v2;
	_ =	sdelay $0x2  }
0xfa: {  	[tilespmem:s29+$0x9F80] =	vst v3  }
0xfb: {  	[tilespmem:s29+$0x9F10] =	vst v4;
	v3 =	vld.idx.msk [tilespmem:v61+s13+$0x0], $0xffff  }
0xfc: {  	v62 =	vadd.s32 $0x13, v1;
	v5 =	vld.idx.msk [tilespmem:v5+s13+$0x0], $0xffff  }
0xfd: {  	v6 =	vadd.s32 $0x12, v2;
	_ =	sdelay $0x2  }
0xfe: {  	[tilespmem:s29+$0xA000] =	vst v3  }
0xff: {  	[tilespmem:s29+$0x9F90] =	vst v5;
	v3 =	vld.idx.msk [tilespmem:v62+s13+$0x0], $0xffff  }
0x100: {  	v9 =	vadd.s32 $0x14, v1;
	v5 =	vld.idx.msk [tilespmem:v6+s13+$0x0], $0xffff  }
0x101: {  	v63 =	vadd.s32 $0x13, v2;
	_ =	sdelay $0x2  }
0x102: {  	[tilespmem:s29+$0xA080] =	vst v3  }
0x103: {  	[tilespmem:s29+$0xA010] =	vst v5;
	v3 =	vld.idx.msk [tilespmem:v9+s13+$0x0], $0xffff  }
0x104: {  	v11 =	vadd.s32 $0x15, v1;
	v5 =	vld.idx.msk [tilespmem:v63+s13+$0x0], $0xffff  }
0x105: {  	v10 =	vadd.s32 $0x14, v2;
	_ =	sdelay $0x2  }
0x106: {  	[tilespmem:s29+$0xA100] =	vst v3  }
0x107: {  	[tilespmem:s29+$0xA090] =	vst v5;
	v3 =	vld.idx.msk [tilespmem:v11+s13+$0x0], $0xffff  }
0x108: {  	v13 =	vadd.s32 $0x16, v1;
	v5 =	vld.idx.msk [tilespmem:v10+s13+$0x0], $0xffff  }
0x109: {  	v12 =	vadd.s32 $0x15, v2;
	_ =	sdelay $0x2  }
0x10a: {  	[tilespmem:s29+$0xA180] =	vst v3  }
0x10b: {  	[tilespmem:s29+$0xA110] =	vst v5;
	v3 =	vld.idx.msk [tilespmem:v13+s13+$0x0], $0xffff  }
0x10c: {  	v15 =	vadd.s32 $0x17, v1;
	v5 =	vld.idx.msk [tilespmem:v12+s13+$0x0], $0xffff  }
0x10d: {  	v14 =	vadd.s32 $0x16, v2;
	_ =	sdelay $0x2  }
0x10e: {  	[tilespmem:s29+$0xA200] =	vst v3  }
0x10f: {  	[tilespmem:s29+$0xA190] =	vst v5;
	v3 =	vld.idx.msk [tilespmem:v15+s13+$0x0], $0xffff  }
0x110: {  	v17 =	vadd.s32 $0x18, v1;
	v5 =	vld.idx.msk [tilespmem:v14+s13+$0x0], $0xffff  }
0x111: {  	v16 =	vadd.s32 $0x17, v2;
	_ =	sdelay $0x2  }
0x112: {  	[tilespmem:s29+$0xA280] =	vst v3  }
0x113: {  	[tilespmem:s29+$0xA210] =	vst v5;
	v3 =	vld.idx.msk [tilespmem:v17+s13+$0x0], $0xffff  }
0x114: {  	v19 =	vadd.s32 $0x19, v1;
	v5 =	vld.idx.msk [tilespmem:v16+s13+$0x0], $0xffff  }
0x115: {  	v18 =	vadd.s32 $0x18, v2;
	_ =	sdelay $0x2  }
0x116: {  	[tilespmem:s29+$0xC700] =	vst v3  }
0x117: {  	[tilespmem:s29+$0xA290] =	vst v5;
	v3 =	vld.idx.msk [tilespmem:v19+s13+$0x0], $0xffff  }
0x118: {  	v21 =	vadd.s32 $0x1A, v1;
	v5 =	vld.idx.msk [tilespmem:v18+s13+$0x0], $0xffff  }
0x119: {  	v20 =	vadd.s32 $0x19, v2;
	_ =	sdelay $0x2  }
0x11a: {  	[tilespmem:s29+$0xC780] =	vst v3  }
0x11b: {  	[tilespmem:s29+$0xC710] =	vst v5;
	v3 =	vld.idx.msk [tilespmem:v21+s13+$0x0], $0xffff  }
0x11c: {  	v23 =	vadd.s32 $0x1B, v1;
	v5 =	vld.idx.msk [tilespmem:v20+s13+$0x0], $0xffff  }
0x11d: {  	v31 =	vld [tilespmem:s30+$0x27A0];
	v22 =	vadd.s32 $0x1A, v2  }
0x11e: {  	v7 =	vld [tilespmem:s30+$0x2820]  }
0x11f: {  	v8 =	vld [tilespmem:s30+$0x2730]  }
0x120: {  	v32 =	vld [tilespmem:s30+$0x2860];
	[tilespmem:s29+$0xC800] =	vst v3  }
0x121: {  	[tilespmem:s29+$0xC790] =	vst v5;
	v3 =	vld.idx.msk [tilespmem:v23+s13+$0x0], $0xffff  }
0x122: {  	v25 =	vadd.s32 $0x1C, v1;
	v5 =	vld.idx.msk [tilespmem:v22+s13+$0x0], $0xffff  }
0x123: {  	v24 =	vadd.s32 $0x1B, v2;
	v11 =	vld [tilespmem:s30+$0x2740]  }
0x124: {  	v12 =	vld [tilespmem:s30+$0x27C0]  }
0x125: {  	v13 =	vld [tilespmem:s30+$0x2840]  }
0x126: {  	v38 =	vld [tilespmem:s30+$0x27F0];
	[tilespmem:s29+$0xC880] =	vst v3  }
0x127: {  	[tilespmem:s29+$0xC810] =	vst v5;
	v3 =	vld.idx.msk [tilespmem:v25+s13+$0x0], $0xffff  }
0x128: {  	v27 =	vadd.s32 $0x1D, v1;
	v5 =	vld.idx.msk [tilespmem:v24+s13+$0x0], $0xffff  }
0x129: {  	v26 =	vadd.s32 $0x1C, v2;
	v9 =	vld [tilespmem:s30+$0x27B0];
	v36 =	vmul.u32 $0x18C, v11;
	v37 =	vmul.u32 $0x42, v12  }
0x12a: {  	v10 =	vld [tilespmem:s30+$0x2830];
	v13 =	vmul.u32 $0x21, v13  }
0x12b: {  	v28 =	vadd.s32 $0x1D, v2;
	v14 =	vld [tilespmem:s30+$0x2750];
	v39 =	vadd.s32 v36, v37  }
0x12c: {  	v30 =	vadd.s32 $0x1E, v2;
	v40 =	vadd.s32 $0x1F, v2;
	v15 =	vld [tilespmem:s30+$0x27D0];
	v2 =	vadd.s32 v13, v39;
	[tilespmem:s29+$0xC900] =	vst v3  }
0x12d: {  	[tilespmem:s29+$0xC890] =	vst v5;
	v3 =	vld.idx.msk [tilespmem:v27+s13+$0x0], $0xffff  }
0x12e: {  	v5 =	vld.idx.msk [tilespmem:v26+s13+$0x0], $0xffff  }
0x12f: {  	v16 =	vld [tilespmem:s30+$0x2850]  }
0x130: {  	v17 =	vld [tilespmem:s30+$0x2760]  }
0x131: {  	v54 =	vld.idx.msk [tilespmem:v2+s13+$0x0], $0xffff  }
0x132: {  	v29 =	vadd.s32 $0x1E, v1;
	[tilespmem:s29+$0xC980] =	vst v3;
	v3 =	vld [tilespmem:s30+$0x2720]  }
0x133: {  	v18 =	vld [tilespmem:s30+$0x27E0];
	[tilespmem:s29+$0xC910] =	vst v5  }
0x134: {  	v55 =	vadd.s32 $0x1, v2;
	v5 =	vld.idx.msk [tilespmem:v28+s13+$0x0], $0xffff  }
0x135: {  	v7 =	vmul.u32 $0x21, v7;
	v20 =	vld [tilespmem:s30+$0x2870]  }
0x136: {  	v34 =	vld [tilespmem:s30+$0x2770];
	v6 =	vmul.u32 $0x42, v31;
	v14 =	vmul.u32 $0x18C, v14;
	v15 =	vmul.u32 $0x42, v15  }
0x137: {  	v33 =	vmul.u32 $0x42, v9;
	v35 =	vmul.u32 $0x21, v10;
	v4 =	vld.idx.msk [tilespmem:v29+s13+$0x0], $0xffff;
	v3 =	vmul.u32 $0x18C, v3  }
0x138: {  	v12 =	vmul.u32 $0x42, v38;
	v41 =	vadd.s32 v14, v15;
	v42 =	vmul.u32 $0x21, v16;
	[tilespmem:s29+$0x4F40] =	vst v54  }
0x139: {  	v43 =	vmul.u32 $0x18C, v17;
	v19 =	vadd.s32 $0x1F, v1;
	v13 =	vld.idx.msk [tilespmem:v55+s13+$0x0], $0xffff;
	[tilespmem:s29+$0xC990] =	vst v5;
	v1 =	vadd.s32 v3, v6  }
0x13a: {  	v44 =	vmul.u32 $0x42, v18;
	v47 =	vmul.u32 $0x21, v20;
	v5 =	vld.idx.msk [tilespmem:v30+s13+$0x0], $0xffff;
	v1 =	vadd.s32 v7, v1  }
0x13b: {  	v20 =	vadd.s32 $0x2, v2;
	v3 =	vmul.u32 $0x18C, v8;
	v6 =	vmul.u32 $0x21, v32  }
0x13c: {  	v46 =	vadd.s32 v43, v44;
	[tilespmem:s29+$0xCA00] =	vst v4;
	v4 =	vadd.s32 v42, v41;
	v8 =	vmul.u32 $0x18C, v34  }
0x13d: {  	v3 =	vadd.s32 v3, v33;
	v6 =	vadd.s32 v6, v46  }
0x13e: {  	[tilespmem:s29+$0x4FC0] =	vst v13;
	v49 =	vadd.s32 v8, v12;
	v3 =	vadd.s32 v35, v3  }
0x13f: {  	[tilespmem:s29+$0xCA10] =	vst v5;
	v5 =	vadd.s32 v47, v49;
	v50 =	vld.idx.msk [tilespmem:v1+s13+$0x0], $0xffff  }
0x140: {  	v15 =	vld.idx.msk [tilespmem:v20+s13+$0x0], $0xffff;
	v51 =	vadd.s32 $0x1, v1  }
0x141: {  	v56 =	vld.idx.msk [tilespmem:v4+s13+$0x0], $0xffff  }
0x142: {  	v57 =	vadd.s32 $0x1, v4;
	v58 =	vld.idx.msk [tilespmem:v6+s13+$0x0], $0xffff  }
0x143: {  	v59 =	vadd.s32 $0x1, v6;
	v52 =	vld.idx.msk [tilespmem:v3+s13+$0x0], $0xffff  }
0x144: {  	v53 =	vadd.s32 $0x1, v3;
	v60 =	vld.idx.msk [tilespmem:v5+s13+$0x0], $0xffff;
	[tilespmem:s29+$0x4F20] =	vst v50  }
0x145: {  	[tilespmem:s29+$0x5040] =	vst v15;
	v61 =	vadd.s32 $0x1, v5;
	v7 =	vld.idx.msk [tilespmem:v51+s13+$0x0], $0xffff  }
0x146: {  	v45 =	vld.idx.msk [tilespmem:v19+s13+$0x0], $0xffff;
	v62 =	vadd.s32 $0x2, v1;
	[tilespmem:s29+$0x4F50] =	vst v56  }
0x147: {  	v9 =	vld.idx.msk [tilespmem:v57+s13+$0x0], $0xffff;
	[tilespmem:s29+$0x4F60] =	vst v58  }
0x148: {  	v21 =	vadd.s32 $0x2, v4;
	[tilespmem:s29+$0x4F30] =	vst v52;
	v8 =	vld.idx.msk [tilespmem:v59+s13+$0x0], $0xffff  }
0x149: {  	v22 =	vadd.s32 $0x2, v6;
	[tilespmem:s29+$0x4F70] =	vst v60;
	v11 =	vld.idx.msk [tilespmem:v53+s13+$0x0], $0xffff  }
0x14a: {  	v63 =	vadd.s32 $0x2, v3;
	v10 =	vld.idx.msk [tilespmem:v61+s13+$0x0], $0xffff;
	[tilespmem:s29+$0x4FA0] =	vst v7  }
0x14b: {  	v23 =	vadd.s32 $0x2, v5;
	[tilespmem:s29+$0xCA80] =	vst v45;
	v12 =	vld.idx.msk [tilespmem:v62+s13+$0x0], $0xffff  }
0x14c: {  	v48 =	vld.idx.msk [tilespmem:v40+s13+$0x0], $0xffff;
	v24 =	vadd.s32 $0x3, v1;
	[tilespmem:s29+$0x4FD0] =	vst v9  }
0x14d: {  	v26 =	vadd.s32 $0x3, v2;
	v16 =	vld.idx.msk [tilespmem:v21+s13+$0x0], $0xffff;
	[tilespmem:s29+$0x4FE0] =	vst v8  }
0x14e: {  	v27 =	vadd.s32 $0x3, v4;
	[tilespmem:s29+$0x4FB0] =	vst v11;
	v7 =	vld.idx.msk [tilespmem:v22+s13+$0x0], $0xffff  }
0x14f: {  	v28 =	vadd.s32 $0x3, v6;
	[tilespmem:s29+$0x4FF0] =	vst v10;
	v14 =	vld.idx.msk [tilespmem:v63+s13+$0x0], $0xffff  }
0x150: {  	v25 =	vadd.s32 $0x3, v3;
	v11 =	vld.idx.msk [tilespmem:v23+s13+$0x0], $0xffff;
	[tilespmem:s29+$0x5020] =	vst v12  }
0x151: {  	v29 =	vadd.s32 $0x3, v5;
	[tilespmem:s29+$0xCA90] =	vst v48;
	v13 =	vld.idx.msk [tilespmem:v24+s13+$0x0], $0xffff  }
0x152: {  	v30 =	vadd.s32 $0x4, v1;
	v8 =	vld.idx.msk [tilespmem:v26+s13+$0x0], $0xffff;
	[tilespmem:s29+$0x5050] =	vst v16  }
0x153: {  	v32 =	vadd.s32 $0x4, v2;
	v10 =	vld.idx.msk [tilespmem:v27+s13+$0x0], $0xffff;
	[tilespmem:s29+$0x5060] =	vst v7  }
0x154: {  	v33 =	vadd.s32 $0x4, v4;
	[tilespmem:s29+$0x5030] =	vst v14;
	v12 =	vld.idx.msk [tilespmem:v28+s13+$0x0], $0xffff  }
0x155: {  	v34 =	vadd.s32 $0x4, v6;
	[tilespmem:s29+$0x5070] =	vst v11;
	v9 =	vld.idx.msk [tilespmem:v25+s13+$0x0], $0xffff  }
0x156: {  	v31 =	vadd.s32 $0x4, v3;
	v14 =	vld.idx.msk [tilespmem:v29+s13+$0x0], $0xffff;
	[tilespmem:s29+$0x50A0] =	vst v13  }
0x157: {  	v35 =	vadd.s32 $0x4, v5;
	[tilespmem:s29+$0x50C0] =	vst v8;
	v15 =	vld.idx.msk [tilespmem:v30+s13+$0x0], $0xffff  }
0x158: {  	v36 =	vadd.s32 $0x5, v1;
	v7 =	vld.idx.msk [tilespmem:v32+s13+$0x0], $0xffff;
	[tilespmem:s29+$0x50D0] =	vst v10  }
0x159: {  	v38 =	vadd.s32 $0x5, v2;
	v11 =	vld.idx.msk [tilespmem:v33+s13+$0x0], $0xffff;
	[tilespmem:s29+$0x50E0] =	vst v12  }
0x15a: {  	v39 =	vadd.s32 $0x5, v4;
	[tilespmem:s29+$0x50B0] =	vst v9;
	v13 =	vld.idx.msk [tilespmem:v34+s13+$0x0], $0xffff  }
0x15b: {  	v40 =	vadd.s32 $0x5, v6;
	[tilespmem:s29+$0x50F0] =	vst v14;
	v16 =	vld.idx.msk [tilespmem:v31+s13+$0x0], $0xffff  }
0x15c: {  	v37 =	vadd.s32 $0x5, v3;
	v9 =	vld.idx.msk [tilespmem:v35+s13+$0x0], $0xffff;
	[tilespmem:s29+$0x5120] =	vst v15  }
0x15d: {  	v41 =	vadd.s32 $0x5, v5;
	[tilespmem:s29+$0x5140] =	vst v7;
	v8 =	vld.idx.msk [tilespmem:v36+s13+$0x0], $0xffff  }
0x15e: {  	v42 =	vadd.s32 $0x6, v1;
	v12 =	vld.idx.msk [tilespmem:v38+s13+$0x0], $0xffff;
	[tilespmem:s29+$0x5150] =	vst v11  }
0x15f: {  	v44 =	vadd.s32 $0x6, v2;
	v14 =	vld.idx.msk [tilespmem:v39+s13+$0x0], $0xffff;
	[tilespmem:s29+$0x5160] =	vst v13  }
0x160: {  	v45 =	vadd.s32 $0x6, v4;
	[tilespmem:s29+$0x5130] =	vst v16;
	v15 =	vld.idx.msk [tilespmem:v40+s13+$0x0], $0xffff  }
0x161: {  	v46 =	vadd.s32 $0x6, v6;
	[tilespmem:s29+$0x5170] =	vst v9;
	v10 =	vld.idx.msk [tilespmem:v37+s13+$0x0], $0xffff  }
0x162: {  	v43 =	vadd.s32 $0x6, v3;
	v16 =	vld.idx.msk [tilespmem:v41+s13+$0x0], $0xffff;
	[tilespmem:s29+$0x51A0] =	vst v8  }
0x163: {  	v47 =	vadd.s32 $0x6, v5;
	[tilespmem:s29+$0x51C0] =	vst v12;
	v7 =	vld.idx.msk [tilespmem:v42+s13+$0x0], $0xffff  }
0x164: {  	v48 =	vadd.s32 $0x7, v1;
	v13 =	vld.idx.msk [tilespmem:v44+s13+$0x0], $0xffff;
	[tilespmem:s29+$0x51D0] =	vst v14  }
0x165: {  	v50 =	vadd.s32 $0x7, v2;
	v9 =	vld.idx.msk [tilespmem:v45+s13+$0x0], $0xffff;
	[tilespmem:s29+$0x51E0] =	vst v15  }
0x166: {  	v51 =	vadd.s32 $0x7, v4;
	[tilespmem:s29+$0x51B0] =	vst v10;
	v8 =	vld.idx.msk [tilespmem:v46+s13+$0x0], $0xffff  }
0x167: {  	v52 =	vadd.s32 $0x7, v6;
	[tilespmem:s29+$0x51F0] =	vst v16;
	v11 =	vld.idx.msk [tilespmem:v43+s13+$0x0], $0xffff  }
0x168: {  	v49 =	vadd.s32 $0x7, v3;
	v10 =	vld.idx.msk [tilespmem:v47+s13+$0x0], $0xffff;
	[tilespmem:s29+$0x5220] =	vst v7  }
0x169: {  	v53 =	vadd.s32 $0x7, v5;
	[tilespmem:s29+$0x5240] =	vst v13;
	v12 =	vld.idx.msk [tilespmem:v48+s13+$0x0], $0xffff  }
0x16a: {  	v54 =	vadd.s32 $0x8, v1;
	v15 =	vld.idx.msk [tilespmem:v50+s13+$0x0], $0xffff;
	[tilespmem:s29+$0x5250] =	vst v9  }
0x16b: {  	v56 =	vadd.s32 $0x8, v2;
	v16 =	vld.idx.msk [tilespmem:v51+s13+$0x0], $0xffff;
	[tilespmem:s29+$0x5260] =	vst v8  }
0x16c: {  	v57 =	vadd.s32 $0x8, v4;
	[tilespmem:s29+$0x5230] =	vst v11;
	v7 =	vld.idx.msk [tilespmem:v52+s13+$0x0], $0xffff  }
0x16d: {  	v58 =	vadd.s32 $0x8, v6;
	[tilespmem:s29+$0x5270] =	vst v10;
	v14 =	vld.idx.msk [tilespmem:v49+s13+$0x0], $0xffff  }
0x16e: {  	v55 =	vadd.s32 $0x8, v3;
	v11 =	vld.idx.msk [tilespmem:v53+s13+$0x0], $0xffff;
	[tilespmem:s29+$0x52A0] =	vst v12  }
0x16f: {  	v59 =	vadd.s32 $0x8, v5;
	[tilespmem:s29+$0x52C0] =	vst v15;
	v13 =	vld.idx.msk [tilespmem:v54+s13+$0x0], $0xffff  }
0x170: {  	v60 =	vadd.s32 $0x9, v1;
	v8 =	vld.idx.msk [tilespmem:v56+s13+$0x0], $0xffff;
	[tilespmem:s29+$0x52D0] =	vst v16  }
0x171: {  	v62 =	vadd.s32 $0x9, v2;
	v10 =	vld.idx.msk [tilespmem:v57+s13+$0x0], $0xffff;
	[tilespmem:s29+$0x52E0] =	vst v7  }
0x172: {  	v63 =	vadd.s32 $0x9, v4;
	[tilespmem:s29+$0x52B0] =	vst v14;
	v12 =	vld.idx.msk [tilespmem:v58+s13+$0x0], $0xffff  }
0x173: {  	v20 =	vadd.s32 $0x9, v6;
	[tilespmem:s29+$0x52F0] =	vst v11;
	v9 =	vld.idx.msk [tilespmem:v55+s13+$0x0], $0xffff  }
0x174: {  	v61 =	vadd.s32 $0x9, v3;
	v14 =	vld.idx.msk [tilespmem:v59+s13+$0x0], $0xffff;
	[tilespmem:s29+$0x7720] =	vst v13  }
0x175: {  	v21 =	vadd.s32 $0x9, v5;
	[tilespmem:s29+$0x7740] =	vst v8;
	v15 =	vld.idx.msk [tilespmem:v60+s13+$0x0], $0xffff  }
0x176: {  	v22 =	vadd.s32 $0xA, v1;
	v7 =	vld.idx.msk [tilespmem:v62+s13+$0x0], $0xffff;
	[tilespmem:s29+$0x7750] =	vst v10  }
0x177: {  	v24 =	vadd.s32 $0xA, v2;
	v11 =	vld.idx.msk [tilespmem:v63+s13+$0x0], $0xffff;
	[tilespmem:s29+$0x7760] =	vst v12  }
0x178: {  	v25 =	vadd.s32 $0xA, v4;
	[tilespmem:s29+$0x7730] =	vst v9;
	v13 =	vld.idx.msk [tilespmem:v20+s13+$0x0], $0xffff  }
0x179: {  	v26 =	vadd.s32 $0xA, v6;
	[tilespmem:s29+$0x7770] =	vst v14;
	v16 =	vld.idx.msk [tilespmem:v61+s13+$0x0], $0xffff  }
0x17a: {  	v23 =	vadd.s32 $0xA, v3;
	v9 =	vld.idx.msk [tilespmem:v21+s13+$0x0], $0xffff;
	[tilespmem:s29+$0x77A0] =	vst v15  }
0x17b: {  	v27 =	vadd.s32 $0xA, v5;
	[tilespmem:s29+$0x77C0] =	vst v7;
	v8 =	vld.idx.msk [tilespmem:v22+s13+$0x0], $0xffff  }
0x17c: {  	v28 =	vadd.s32 $0xB, v1;
	v12 =	vld.idx.msk [tilespmem:v24+s13+$0x0], $0xffff;
	[tilespmem:s29+$0x77D0] =	vst v11  }
0x17d: {  	v30 =	vadd.s32 $0xB, v2;
	v14 =	vld.idx.msk [tilespmem:v25+s13+$0x0], $0xffff;
	[tilespmem:s29+$0x77E0] =	vst v13  }
0x17e: {  	v31 =	vadd.s32 $0xB, v4;
	[tilespmem:s29+$0x77B0] =	vst v16;
	v15 =	vld.idx.msk [tilespmem:v26+s13+$0x0], $0xffff  }
0x17f: {  	v32 =	vadd.s32 $0xB, v6;
	[tilespmem:s29+$0x77F0] =	vst v9;
	v10 =	vld.idx.msk [tilespmem:v23+s13+$0x0], $0xffff  }
0x180: {  	v29 =	vadd.s32 $0xB, v3;
	v16 =	vld.idx.msk [tilespmem:v27+s13+$0x0], $0xffff;
	[tilespmem:s29+$0x7820] =	vst v8  }
0x181: {  	v33 =	vadd.s32 $0xB, v5;
	[tilespmem:s29+$0x7840] =	vst v12;
	v7 =	vld.idx.msk [tilespmem:v28+s13+$0x0], $0xffff  }
0x182: {  	v34 =	vadd.s32 $0xC, v1;
	v13 =	vld.idx.msk [tilespmem:v30+s13+$0x0], $0xffff;
	[tilespmem:s29+$0x7850] =	vst v14  }
0x183: {  	v36 =	vadd.s32 $0xC, v2;
	v9 =	vld.idx.msk [tilespmem:v31+s13+$0x0], $0xffff;
	[tilespmem:s29+$0x7860] =	vst v15  }
0x184: {  	v37 =	vadd.s32 $0xC, v4;
	[tilespmem:s29+$0x7830] =	vst v10;
	v8 =	vld.idx.msk [tilespmem:v32+s13+$0x0], $0xffff  }
0x185: {  	v38 =	vadd.s32 $0xC, v6;
	[tilespmem:s29+$0x7870] =	vst v16;
	v11 =	vld.idx.msk [tilespmem:v29+s13+$0x0], $0xffff  }
0x186: {  	v35 =	vadd.s32 $0xC, v3;
	v10 =	vld.idx.msk [tilespmem:v33+s13+$0x0], $0xffff;
	[tilespmem:s29+$0x78A0] =	vst v7  }
0x187: {  	v39 =	vadd.s32 $0xC, v5;
	[tilespmem:s29+$0x78C0] =	vst v13;
	v12 =	vld.idx.msk [tilespmem:v34+s13+$0x0], $0xffff  }
0x188: {  	v40 =	vadd.s32 $0xD, v1;
	v15 =	vld.idx.msk [tilespmem:v36+s13+$0x0], $0xffff;
	[tilespmem:s29+$0x78D0] =	vst v9  }
0x189: {  	v42 =	vadd.s32 $0xD, v2;
	v16 =	vld.idx.msk [tilespmem:v37+s13+$0x0], $0xffff;
	[tilespmem:s29+$0x78E0] =	vst v8  }
0x18a: {  	v43 =	vadd.s32 $0xD, v4;
	[tilespmem:s29+$0x78B0] =	vst v11;
	v7 =	vld.idx.msk [tilespmem:v38+s13+$0x0], $0xffff  }
0x18b: {  	v44 =	vadd.s32 $0xD, v6;
	[tilespmem:s29+$0x78F0] =	vst v10;
	v14 =	vld.idx.msk [tilespmem:v35+s13+$0x0], $0xffff  }
0x18c: {  	v41 =	vadd.s32 $0xD, v3;
	v11 =	vld.idx.msk [tilespmem:v39+s13+$0x0], $0xffff;
	[tilespmem:s29+$0x7920] =	vst v12  }
0x18d: {  	v45 =	vadd.s32 $0xD, v5;
	[tilespmem:s29+$0x7940] =	vst v15;
	v13 =	vld.idx.msk [tilespmem:v40+s13+$0x0], $0xffff  }
0x18e: {  	v46 =	vadd.s32 $0xE, v1;
	v8 =	vld.idx.msk [tilespmem:v42+s13+$0x0], $0xffff;
	[tilespmem:s29+$0x7950] =	vst v16  }
0x18f: {  	v48 =	vadd.s32 $0xE, v2;
	v10 =	vld.idx.msk [tilespmem:v43+s13+$0x0], $0xffff;
	[tilespmem:s29+$0x7960] =	vst v7  }
0x190: {  	v49 =	vadd.s32 $0xE, v4;
	[tilespmem:s29+$0x7930] =	vst v14;
	v12 =	vld.idx.msk [tilespmem:v44+s13+$0x0], $0xffff  }
0x191: {  	v50 =	vadd.s32 $0xE, v6;
	[tilespmem:s29+$0x7970] =	vst v11;
	v9 =	vld.idx.msk [tilespmem:v41+s13+$0x0], $0xffff  }
0x192: {  	v47 =	vadd.s32 $0xE, v3;
	v14 =	vld.idx.msk [tilespmem:v45+s13+$0x0], $0xffff;
	[tilespmem:s29+$0x79A0] =	vst v13  }
0x193: {  	v51 =	vadd.s32 $0xE, v5;
	[tilespmem:s29+$0x79C0] =	vst v8;
	v15 =	vld.idx.msk [tilespmem:v46+s13+$0x0], $0xffff  }
0x194: {  	v52 =	vadd.s32 $0xF, v1;
	v7 =	vld.idx.msk [tilespmem:v48+s13+$0x0], $0xffff;
	[tilespmem:s29+$0x79D0] =	vst v10  }
0x195: {  	v54 =	vadd.s32 $0xF, v2;
	v11 =	vld.idx.msk [tilespmem:v49+s13+$0x0], $0xffff;
	[tilespmem:s29+$0x79E0] =	vst v12  }
0x196: {  	v55 =	vadd.s32 $0xF, v4;
	[tilespmem:s29+$0x79B0] =	vst v9;
	v13 =	vld.idx.msk [tilespmem:v50+s13+$0x0], $0xffff  }
0x197: {  	v56 =	vadd.s32 $0xF, v6;
	[tilespmem:s29+$0x79F0] =	vst v14;
	v16 =	vld.idx.msk [tilespmem:v47+s13+$0x0], $0xffff  }
0x198: {  	v53 =	vadd.s32 $0xF, v3;
	v9 =	vld.idx.msk [tilespmem:v51+s13+$0x0], $0xffff;
	[tilespmem:s29+$0x7A20] =	vst v15  }
0x199: {  	v57 =	vadd.s32 $0xF, v5;
	[tilespmem:s29+$0x7A40] =	vst v7;
	v8 =	vld.idx.msk [tilespmem:v52+s13+$0x0], $0xffff  }
0x19a: {  	v58 =	vadd.s32 $0x10, v1;
	v12 =	vld.idx.msk [tilespmem:v54+s13+$0x0], $0xffff;
	[tilespmem:s29+$0x7A50] =	vst v11  }
0x19b: {  	v60 =	vadd.s32 $0x10, v2;
	v14 =	vld.idx.msk [tilespmem:v55+s13+$0x0], $0xffff;
	[tilespmem:s29+$0x7A60] =	vst v13  }
0x19c: {  	v61 =	vadd.s32 $0x10, v4;
	[tilespmem:s29+$0x7A30] =	vst v16;
	v15 =	vld.idx.msk [tilespmem:v56+s13+$0x0], $0xffff  }
0x19d: {  	v62 =	vadd.s32 $0x10, v6;
	[tilespmem:s29+$0x7A70] =	vst v9;
	v10 =	vld.idx.msk [tilespmem:v53+s13+$0x0], $0xffff  }
0x19e: {  	v59 =	vadd.s32 $0x10, v3;
	v16 =	vld.idx.msk [tilespmem:v57+s13+$0x0], $0xffff;
	[tilespmem:s29+$0x7AA0] =	vst v8  }
0x19f: {  	v63 =	vadd.s32 $0x10, v5;
	[tilespmem:s29+$0x7AC0] =	vst v12;
	v7 =	vld.idx.msk [tilespmem:v58+s13+$0x0], $0xffff  }
0x1a0: {  	v20 =	vadd.s32 $0x11, v1;
	v13 =	vld.idx.msk [tilespmem:v60+s13+$0x0], $0xffff;
	[tilespmem:s29+$0x7AD0] =	vst v14  }
0x1a1: {  	v22 =	vadd.s32 $0x11, v2;
	v9 =	vld.idx.msk [tilespmem:v61+s13+$0x0], $0xffff;
	[tilespmem:s29+$0x7AE0] =	vst v15  }
0x1a2: {  	v23 =	vadd.s32 $0x11, v4;
	[tilespmem:s29+$0x7AB0] =	vst v10;
	v8 =	vld.idx.msk [tilespmem:v62+s13+$0x0], $0xffff  }
0x1a3: {  	v24 =	vadd.s32 $0x11, v6;
	[tilespmem:s29+$0x7AF0] =	vst v16;
	v11 =	vld.idx.msk [tilespmem:v59+s13+$0x0], $0xffff  }
0x1a4: {  	v21 =	vadd.s32 $0x11, v3;
	v10 =	vld.idx.msk [tilespmem:v63+s13+$0x0], $0xffff;
	[tilespmem:s29+$0x9F20] =	vst v7  }
0x1a5: {  	v25 =	vadd.s32 $0x11, v5;
	[tilespmem:s29+$0x9F40] =	vst v13;
	v12 =	vld.idx.msk [tilespmem:v20+s13+$0x0], $0xffff  }
0x1a6: {  	v26 =	vadd.s32 $0x12, v1;
	v15 =	vld.idx.msk [tilespmem:v22+s13+$0x0], $0xffff;
	[tilespmem:s29+$0x9F50] =	vst v9  }
0x1a7: {  	v28 =	vadd.s32 $0x12, v2;
	v16 =	vld.idx.msk [tilespmem:v23+s13+$0x0], $0xffff;
	[tilespmem:s29+$0x9F60] =	vst v8  }
0x1a8: {  	v29 =	vadd.s32 $0x12, v4;
	[tilespmem:s29+$0x9F30] =	vst v11;
	v7 =	vld.idx.msk [tilespmem:v24+s13+$0x0], $0xffff  }
0x1a9: {  	v30 =	vadd.s32 $0x12, v6;
	[tilespmem:s29+$0x9F70] =	vst v10;
	v14 =	vld.idx.msk [tilespmem:v21+s13+$0x0], $0xffff  }
0x1aa: {  	v27 =	vadd.s32 $0x12, v3;
	v11 =	vld.idx.msk [tilespmem:v25+s13+$0x0], $0xffff;
	[tilespmem:s29+$0x9FA0] =	vst v12  }
0x1ab: {  	v31 =	vadd.s32 $0x12, v5;
	[tilespmem:s29+$0x9FC0] =	vst v15;
	v13 =	vld.idx.msk [tilespmem:v26+s13+$0x0], $0xffff  }
0x1ac: {  	v32 =	vadd.s32 $0x13, v1;
	v8 =	vld.idx.msk [tilespmem:v28+s13+$0x0], $0xffff;
	[tilespmem:s29+$0x9FD0] =	vst v16  }
0x1ad: {  	v34 =	vadd.s32 $0x13, v2;
	v10 =	vld.idx.msk [tilespmem:v29+s13+$0x0], $0xffff;
	[tilespmem:s29+$0x9FE0] =	vst v7  }
0x1ae: {  	v35 =	vadd.s32 $0x13, v4;
	[tilespmem:s29+$0x9FB0] =	vst v14;
	v12 =	vld.idx.msk [tilespmem:v30+s13+$0x0], $0xffff  }
0x1af: {  	v36 =	vadd.s32 $0x13, v6;
	[tilespmem:s29+$0x9FF0] =	vst v11;
	v9 =	vld.idx.msk [tilespmem:v27+s13+$0x0], $0xffff  }
0x1b0: {  	v33 =	vadd.s32 $0x13, v3;
	v14 =	vld.idx.msk [tilespmem:v31+s13+$0x0], $0xffff;
	[tilespmem:s29+$0xA020] =	vst v13  }
0x1b1: {  	v37 =	vadd.s32 $0x13, v5;
	[tilespmem:s29+$0xA040] =	vst v8;
	v15 =	vld.idx.msk [tilespmem:v32+s13+$0x0], $0xffff  }
0x1b2: {  	v38 =	vadd.s32 $0x14, v1;
	v7 =	vld.idx.msk [tilespmem:v34+s13+$0x0], $0xffff;
	[tilespmem:s29+$0xA050] =	vst v10  }
0x1b3: {  	v40 =	vadd.s32 $0x14, v2;
	v11 =	vld.idx.msk [tilespmem:v35+s13+$0x0], $0xffff;
	[tilespmem:s29+$0xA060] =	vst v12  }
0x1b4: {  	v41 =	vadd.s32 $0x14, v4;
	[tilespmem:s29+$0xA030] =	vst v9;
	v13 =	vld.idx.msk [tilespmem:v36+s13+$0x0], $0xffff  }
0x1b5: {  	v42 =	vadd.s32 $0x14, v6;
	[tilespmem:s29+$0xA070] =	vst v14;
	v16 =	vld.idx.msk [tilespmem:v33+s13+$0x0], $0xffff  }
0x1b6: {  	v39 =	vadd.s32 $0x14, v3;
	v9 =	vld.idx.msk [tilespmem:v37+s13+$0x0], $0xffff;
	[tilespmem:s29+$0xA0A0] =	vst v15  }
0x1b7: {  	v43 =	vadd.s32 $0x14, v5;
	[tilespmem:s29+$0xA0C0] =	vst v7;
	v8 =	vld.idx.msk [tilespmem:v38+s13+$0x0], $0xffff  }
0x1b8: {  	v44 =	vadd.s32 $0x15, v1;
	v12 =	vld.idx.msk [tilespmem:v40+s13+$0x0], $0xffff;
	[tilespmem:s29+$0xA0D0] =	vst v11  }
0x1b9: {  	v46 =	vadd.s32 $0x15, v2;
	v14 =	vld.idx.msk [tilespmem:v41+s13+$0x0], $0xffff;
	[tilespmem:s29+$0xA0E0] =	vst v13  }
0x1ba: {  	v47 =	vadd.s32 $0x15, v4;
	[tilespmem:s29+$0xA0B0] =	vst v16;
	v15 =	vld.idx.msk [tilespmem:v42+s13+$0x0], $0xffff  }
0x1bb: {  	v48 =	vadd.s32 $0x15, v6;
	[tilespmem:s29+$0xA0F0] =	vst v9;
	v10 =	vld.idx.msk [tilespmem:v39+s13+$0x0], $0xffff  }
0x1bc: {  	v45 =	vadd.s32 $0x15, v3;
	v16 =	vld.idx.msk [tilespmem:v43+s13+$0x0], $0xffff;
	[tilespmem:s29+$0xA120] =	vst v8  }
0x1bd: {  	v49 =	vadd.s32 $0x15, v5;
	[tilespmem:s29+$0xA140] =	vst v12;
	v7 =	vld.idx.msk [tilespmem:v44+s13+$0x0], $0xffff  }
0x1be: {  	v50 =	vadd.s32 $0x16, v1;
	v13 =	vld.idx.msk [tilespmem:v46+s13+$0x0], $0xffff;
	[tilespmem:s29+$0xA150] =	vst v14  }
0x1bf: {  	v52 =	vadd.s32 $0x16, v2;
	v9 =	vld.idx.msk [tilespmem:v47+s13+$0x0], $0xffff;
	[tilespmem:s29+$0xA160] =	vst v15  }
0x1c0: {  	v53 =	vadd.s32 $0x16, v4;
	[tilespmem:s29+$0xA130] =	vst v10;
	v8 =	vld.idx.msk [tilespmem:v48+s13+$0x0], $0xffff  }
0x1c1: {  	v54 =	vadd.s32 $0x16, v6;
	[tilespmem:s29+$0xA170] =	vst v16;
	v11 =	vld.idx.msk [tilespmem:v45+s13+$0x0], $0xffff  }
0x1c2: {  	v51 =	vadd.s32 $0x16, v3;
	v10 =	vld.idx.msk [tilespmem:v49+s13+$0x0], $0xffff;
	[tilespmem:s29+$0xA1A0] =	vst v7  }
0x1c3: {  	v55 =	vadd.s32 $0x16, v5;
	[tilespmem:s29+$0xA1C0] =	vst v13;
	v12 =	vld.idx.msk [tilespmem:v50+s13+$0x0], $0xffff  }
0x1c4: {  	v56 =	vadd.s32 $0x17, v1;
	v15 =	vld.idx.msk [tilespmem:v52+s13+$0x0], $0xffff;
	[tilespmem:s29+$0xA1D0] =	vst v9  }
0x1c5: {  	v58 =	vadd.s32 $0x17, v2;
	v16 =	vld.idx.msk [tilespmem:v53+s13+$0x0], $0xffff;
	[tilespmem:s29+$0xA1E0] =	vst v8  }
0x1c6: {  	v59 =	vadd.s32 $0x17, v4;
	[tilespmem:s29+$0xA1B0] =	vst v11;
	v7 =	vld.idx.msk [tilespmem:v54+s13+$0x0], $0xffff  }
0x1c7: {  	v60 =	vadd.s32 $0x17, v6;
	[tilespmem:s29+$0xA1F0] =	vst v10;
	v14 =	vld.idx.msk [tilespmem:v51+s13+$0x0], $0xffff  }
0x1c8: {  	v57 =	vadd.s32 $0x17, v3;
	v11 =	vld.idx.msk [tilespmem:v55+s13+$0x0], $0xffff;
	[tilespmem:s29+$0xA220] =	vst v12  }
0x1c9: {  	v61 =	vadd.s32 $0x17, v5;
	[tilespmem:s29+$0xA240] =	vst v15;
	v13 =	vld.idx.msk [tilespmem:v56+s13+$0x0], $0xffff  }
0x1ca: {  	v62 =	vadd.s32 $0x18, v1;
	v8 =	vld.idx.msk [tilespmem:v58+s13+$0x0], $0xffff;
	[tilespmem:s29+$0xA250] =	vst v16  }
0x1cb: {  	v20 =	vadd.s32 $0x18, v2;
	v10 =	vld.idx.msk [tilespmem:v59+s13+$0x0], $0xffff;
	[tilespmem:s29+$0xA260] =	vst v7  }
0x1cc: {  	v21 =	vadd.s32 $0x18, v4;
	[tilespmem:s29+$0xA230] =	vst v14;
	v12 =	vld.idx.msk [tilespmem:v60+s13+$0x0], $0xffff  }
0x1cd: {  	v22 =	vadd.s32 $0x18, v6;
	[tilespmem:s29+$0xA270] =	vst v11;
	v9 =	vld.idx.msk [tilespmem:v57+s13+$0x0], $0xffff  }
0x1ce: {  	v63 =	vadd.s32 $0x18, v3;
	v14 =	vld.idx.msk [tilespmem:v61+s13+$0x0], $0xffff;
	[tilespmem:s29+$0xA2A0] =	vst v13  }
0x1cf: {  	v23 =	vadd.s32 $0x18, v5;
	[tilespmem:s29+$0xA2C0] =	vst v8;
	v15 =	vld.idx.msk [tilespmem:v62+s13+$0x0], $0xffff  }
0x1d0: {  	v24 =	vadd.s32 $0x19, v1;
	v7 =	vld.idx.msk [tilespmem:v20+s13+$0x0], $0xffff;
	[tilespmem:s29+$0xA2D0] =	vst v10  }
0x1d1: {  	v26 =	vadd.s32 $0x19, v2;
	v11 =	vld.idx.msk [tilespmem:v21+s13+$0x0], $0xffff;
	[tilespmem:s29+$0xA2E0] =	vst v12  }
0x1d2: {  	v27 =	vadd.s32 $0x19, v4;
	[tilespmem:s29+$0xA2B0] =	vst v9;
	v13 =	vld.idx.msk [tilespmem:v22+s13+$0x0], $0xffff  }
0x1d3: {  	v28 =	vadd.s32 $0x19, v6;
	[tilespmem:s29+$0xA2F0] =	vst v14;
	v16 =	vld.idx.msk [tilespmem:v63+s13+$0x0], $0xffff  }
0x1d4: {  	v25 =	vadd.s32 $0x19, v3;
	v9 =	vld.idx.msk [tilespmem:v23+s13+$0x0], $0xffff;
	[tilespmem:s29+$0xC720] =	vst v15  }
0x1d5: {  	v29 =	vadd.s32 $0x19, v5;
	[tilespmem:s29+$0xC740] =	vst v7;
	v8 =	vld.idx.msk [tilespmem:v24+s13+$0x0], $0xffff  }
0x1d6: {  	v30 =	vadd.s32 $0x1A, v1;
	v12 =	vld.idx.msk [tilespmem:v26+s13+$0x0], $0xffff;
	[tilespmem:s29+$0xC750] =	vst v11  }
0x1d7: {  	v32 =	vadd.s32 $0x1A, v2;
	v14 =	vld.idx.msk [tilespmem:v27+s13+$0x0], $0xffff;
	[tilespmem:s29+$0xC760] =	vst v13  }
0x1d8: {  	v33 =	vadd.s32 $0x1A, v4;
	[tilespmem:s29+$0xC730] =	vst v16;
	v15 =	vld.idx.msk [tilespmem:v28+s13+$0x0], $0xffff  }
0x1d9: {  	v34 =	vadd.s32 $0x1A, v6;
	[tilespmem:s29+$0xC770] =	vst v9;
	v10 =	vld.idx.msk [tilespmem:v25+s13+$0x0], $0xffff  }
0x1da: {  	v31 =	vadd.s32 $0x1A, v3;
	v16 =	vld.idx.msk [tilespmem:v29+s13+$0x0], $0xffff;
	[tilespmem:s29+$0xC7A0] =	vst v8  }
0x1db: {  	v35 =	vadd.s32 $0x1A, v5;
	[tilespmem:s29+$0xC7C0] =	vst v12;
	v7 =	vld.idx.msk [tilespmem:v30+s13+$0x0], $0xffff  }
0x1dc: {  	v36 =	vadd.s32 $0x1B, v1;
	v13 =	vld.idx.msk [tilespmem:v32+s13+$0x0], $0xffff;
	[tilespmem:s29+$0xC7D0] =	vst v14  }
0x1dd: {  	v38 =	vadd.s32 $0x1B, v2;
	v9 =	vld.idx.msk [tilespmem:v33+s13+$0x0], $0xffff;
	[tilespmem:s29+$0xC7E0] =	vst v15  }
0x1de: {  	v39 =	vadd.s32 $0x1B, v4;
	[tilespmem:s29+$0xC7B0] =	vst v10;
	v8 =	vld.idx.msk [tilespmem:v34+s13+$0x0], $0xffff  }
0x1df: {  	v40 =	vadd.s32 $0x1B, v6;
	[tilespmem:s29+$0xC7F0] =	vst v16;
	v11 =	vld.idx.msk [tilespmem:v31+s13+$0x0], $0xffff  }
0x1e0: {  	v37 =	vadd.s32 $0x1B, v3;
	v10 =	vld.idx.msk [tilespmem:v35+s13+$0x0], $0xffff;
	[tilespmem:s29+$0xC820] =	vst v7  }
0x1e1: {  	v41 =	vadd.s32 $0x1B, v5;
	[tilespmem:s29+$0xC840] =	vst v13;
	v12 =	vld.idx.msk [tilespmem:v36+s13+$0x0], $0xffff  }
0x1e2: {  	v42 =	vadd.s32 $0x1C, v1;
	v15 =	vld.idx.msk [tilespmem:v38+s13+$0x0], $0xffff;
	[tilespmem:s29+$0xC850] =	vst v9  }
0x1e3: {  	v44 =	vadd.s32 $0x1C, v2;
	v16 =	vld.idx.msk [tilespmem:v39+s13+$0x0], $0xffff;
	[tilespmem:s29+$0xC860] =	vst v8  }
0x1e4: {  	v45 =	vadd.s32 $0x1C, v4;
	[tilespmem:s29+$0xC830] =	vst v11;
	v7 =	vld.idx.msk [tilespmem:v40+s13+$0x0], $0xffff  }
0x1e5: {  	v46 =	vadd.s32 $0x1C, v6;
	[tilespmem:s29+$0xC870] =	vst v10;
	v14 =	vld.idx.msk [tilespmem:v37+s13+$0x0], $0xffff  }
0x1e6: {  	v43 =	vadd.s32 $0x1C, v3;
	v11 =	vld.idx.msk [tilespmem:v41+s13+$0x0], $0xffff;
	[tilespmem:s29+$0xC8A0] =	vst v12  }
0x1e7: {  	v47 =	vadd.s32 $0x1C, v5;
	[tilespmem:s29+$0xC8C0] =	vst v15;
	v13 =	vld.idx.msk [tilespmem:v42+s13+$0x0], $0xffff  }
0x1e8: {  	v48 =	vadd.s32 $0x1D, v1;
	v8 =	vld.idx.msk [tilespmem:v44+s13+$0x0], $0xffff;
	[tilespmem:s29+$0xC8D0] =	vst v16  }
0x1e9: {  	v50 =	vadd.s32 $0x1D, v2;
	v10 =	vld.idx.msk [tilespmem:v45+s13+$0x0], $0xffff;
	[tilespmem:s29+$0xC8E0] =	vst v7  }
0x1ea: {  	v51 =	vadd.s32 $0x1D, v4;
	[tilespmem:s29+$0xC8B0] =	vst v14;
	v12 =	vld.idx.msk [tilespmem:v46+s13+$0x0], $0xffff  }
0x1eb: {  	v52 =	vadd.s32 $0x1D, v6;
	[tilespmem:s29+$0xC8F0] =	vst v11;
	v9 =	vld.idx.msk [tilespmem:v43+s13+$0x0], $0xffff  }
0x1ec: {  	v49 =	vadd.s32 $0x1D, v3;
	v14 =	vld.idx.msk [tilespmem:v47+s13+$0x0], $0xffff;
	[tilespmem:s29+$0xC920] =	vst v13  }
0x1ed: {  	v53 =	vadd.s32 $0x1D, v5;
	[tilespmem:s29+$0xC940] =	vst v8;
	v15 =	vld.idx.msk [tilespmem:v48+s13+$0x0], $0xffff  }
0x1ee: {  	v54 =	vadd.s32 $0x1E, v1;
	v7 =	vld.idx.msk [tilespmem:v50+s13+$0x0], $0xffff;
	[tilespmem:s29+$0xC950] =	vst v10  }
0x1ef: {  	v56 =	vadd.s32 $0x1E, v2;
	v11 =	vld.idx.msk [tilespmem:v51+s13+$0x0], $0xffff;
	[tilespmem:s29+$0xC960] =	vst v12  }
0x1f0: {  	v57 =	vadd.s32 $0x1E, v4;
	[tilespmem:s29+$0xC930] =	vst v9;
	v13 =	vld.idx.msk [tilespmem:v52+s13+$0x0], $0xffff  }
0x1f1: {  	v58 =	vadd.s32 $0x1E, v6;
	[tilespmem:s29+$0xC970] =	vst v14;
	v16 =	vld.idx.msk [tilespmem:v49+s13+$0x0], $0xffff  }
0x1f2: {  	v55 =	vadd.s32 $0x1E, v3;
	v9 =	vld.idx.msk [tilespmem:v53+s13+$0x0], $0xffff;
	[tilespmem:s29+$0xC9A0] =	vst v15  }
0x1f3: {  	v59 =	vadd.s32 $0x1E, v5;
	[tilespmem:s29+$0xC9C0] =	vst v7;
	v8 =	vld.idx.msk [tilespmem:v54+s13+$0x0], $0xffff  }
0x1f4: {  	v1 =	vadd.s32 $0x1F, v1;
	v61 =	vld.idx.msk [tilespmem:v56+s13+$0x0], $0xffff;
	[tilespmem:s29+$0xC9D0] =	vst v11  }
0x1f5: {  	v2 =	vadd.s32 $0x1F, v2;
	v11 =	vld.idx.msk [tilespmem:v57+s13+$0x0], $0xffff;
	[tilespmem:s29+$0xC9E0] =	vst v13  }
0x1f6: {  	v4 =	vadd.s32 $0x1F, v4;
	[tilespmem:s29+$0xC9B0] =	vst v16;
	v62 =	vld.idx.msk [tilespmem:v58+s13+$0x0], $0xffff  }
0x1f7: {  	v6 =	vadd.s32 $0x1F, v6;
	[tilespmem:s29+$0xC9F0] =	vst v9;
	v60 =	vld.idx.msk [tilespmem:v55+s13+$0x0], $0xffff  }
0x1f8: {  	v3 =	vadd.s32 $0x1F, v3;
	v63 =	vld.idx.msk [tilespmem:v59+s13+$0x0], $0xffff;
	[tilespmem:s29+$0xCA20] =	vst v8  }
0x1f9: {  	v5 =	vadd.s32 $0x1F, v5;
	[tilespmem:s29+$0xCA40] =	vst v61;
	v1 =	vld.idx.msk [tilespmem:v1+s13+$0x0], $0xffff  }
0x1fa: {  	v2 =	vld.idx.msk [tilespmem:v2+s13+$0x0], $0xffff;
	[tilespmem:s29+$0xCA50] =	vst v11  }
0x1fb: {  	v4 =	vld.idx.msk [tilespmem:v4+s13+$0x0], $0xffff;
	[tilespmem:s29+$0xCA60] =	vst v62  }
0x1fc: {  	[tilespmem:s29+$0xCA30] =	vst v60;
	v6 =	vld.idx.msk [tilespmem:v6+s13+$0x0], $0xffff  }
0x1fd: {  	[tilespmem:s29+$0xCA70] =	vst v63;
	v3 =	vld.idx.msk [tilespmem:v3+s13+$0x0], $0xffff  }
0x1fe: {  	p2 =	slt.u32 s28, $0x48;
	[tilespmem:s29+$0xCAA0] =	vst v1;
	v1 =	vld.idx.msk [tilespmem:v5+s13+$0x0], $0xffff  }
.Ltmp5:
0x1ff: {  	[tilespmem:s29+$0xCAC0] =	vst v2;
	(pc) =	sbr.rel @p2 .LBB2_5-.Ltmp5, $4  }
0x200: {  	[tilespmem:s29+$0xCAD0] =	vst v4  }
0x201: {  	[tilespmem:s29+$0xCAE0] =	vst v6  }
0x202: {  	s31 =	sadd.s32 $0x8, s28;
	[tilespmem:s29+$0xCAB0] =	vst v3  }
0x203: {  	s28 =	smov.u32 s31;
	[tilespmem:s29+$0xCAF0] =	vst v1  }
.Ltmp6:
0x204: {  	(pc) =	sbr.rel @p1 .LBB2_10-.Ltmp6, $3  }
0x205: {  	s0 =	smul.u32 $0x500, s26;
	_ =	sdelay $0x1  }
0x206: {  	s0 =	sadd.s32 s1, s0  }
0x207: {  	[hbm4b:s0+s16] =	stream.strided.scatter [tilespmem:s18], [sflag:$0x3], $0xA000, s17, s16, $0x38;
	[tilespmem:$0x18F00] =	vst v63  }
0x208: {  	p1 =	sgt.u32 s26, $0x4A1  }
0x209: {  	s0 =	smul.u32 @!p1 $0x1400, s26;
	_ =	sdelay $0x1  }
0x20a: {  	_ =	swait.ge [sflag:s19], $0x1400;
	s0 =	sshrl.u32 @!p1 s0, $0x3  }
0x20b: {  	[sflag:s19] =	ssyncset.done $0x0;
	s2 =	simm.s32 @!p1 $0x0;
	s0 =	sadd.s32 @!p1 s4, s0  }
0x20c: {  	s3 =	simm.s32 @!p1 $0x2700;
	[sflag:s19] =	ssyncadd.s32 $0xFFFFEC00;
	s0 =	sadd.s32 @!p1 $0xA000, s0  }
0x20d: {  	[tilespmem:s3], [sflag:$0x1] =	stream.linear.gather @!p1 [hbm4b:s0+s2], $0x1400, $0x38;
	[tilespmem:$0x18F00] =	vst v63  }
0x20e: {  	s0 =	simm.s32 @!p0 $0x4  }
0x20f: {  	_ =	swait.ge @!p0 [sflag:s0], $0xA000  }
0x210: {  	[sflag:s0] =	ssyncset.done @!p0 $0x0  }
0x211: {  	s26 =	simm.s32 $0x0;
	[sflag:s0] =	ssyncadd.s32 @!p0 $0xFFFF6000  }
.LBB2_8:
0x212: {  	s0 =	sshll.u32 s26, $0x6  }
0x213: {  	s29 =	sand.u32 $0x3FFFFFC0, s0  }
0x214: {  	v1 =	vld [tilespmem:s29+$0x3B00]  }
0x215: {  	v2 =	vld [tilespmem:s29+$0x3B80]  }
0x216: {  	v3 =	vld [tilespmem:s29+$0x3C00];
	_ =	sdelay $0x3  }
0x217: {  	v1 =	vmul.u32 $0x18C, v1;
	v2 =	vmul.u32 $0x42, v2  }
0x218: {  	v3 =	vmul.u32 $0x21, v3  }
0x219: {  	v1 =	vadd.s32 v1, v2  }
0x21a: {  	v1 =	vadd.s32 v3, v1;
	_ =	sdelay $0x4  }
0x21b: {  	v2 =	vld.idx.msk [tilespmem:v1+s13+$0x0], $0xffff  }
0x21c: {  	v3 =	vadd.s32 $0x1, v1;
	_ =	sdelay $0x1  }
0x21d: {  	s30 =	sshll.u32 s26, $0x7  }
0x21e: {  	s28 =	sand.u32 $0x3FFFFF80, s30  }
0x21f: {  	[tilespmem:s28+$0xEF00] =	vst v2  }
0x220: {  	v2 =	vld.idx.msk [tilespmem:v3+s13+$0x0], $0xffff  }
0x221: {  	v3 =	vadd.s32 $0x2, v1;
	_ =	sdelay $0x3  }
0x222: {  	[tilespmem:s28+$0xEF80] =	vst v2  }
0x223: {  	v2 =	vld.idx.msk [tilespmem:v3+s13+$0x0], $0xffff  }
0x224: {  	v3 =	vadd.s32 $0x3, v1;
	_ =	sdelay $0x3  }
0x225: {  	[tilespmem:s28+$0xF000] =	vst v2  }
0x226: {  	v2 =	vld.idx.msk [tilespmem:v3+s13+$0x0], $0xffff  }
0x227: {  	v3 =	vadd.s32 $0x4, v1;
	_ =	sdelay $0x3  }
0x228: {  	[tilespmem:s28+$0xF080] =	vst v2  }
0x229: {  	v2 =	vld.idx.msk [tilespmem:v3+s13+$0x0], $0xffff  }
0x22a: {  	v3 =	vadd.s32 $0x5, v1;
	_ =	sdelay $0x3  }
0x22b: {  	[tilespmem:s28+$0xF100] =	vst v2  }
0x22c: {  	v2 =	vld.idx.msk [tilespmem:v3+s13+$0x0], $0xffff  }
0x22d: {  	v3 =	vadd.s32 $0x6, v1;
	_ =	sdelay $0x3  }
0x22e: {  	[tilespmem:s28+$0xF180] =	vst v2  }
0x22f: {  	v2 =	vld.idx.msk [tilespmem:v3+s13+$0x0], $0xffff  }
0x230: {  	v3 =	vadd.s32 $0x7, v1;
	_ =	sdelay $0x3  }
0x231: {  	[tilespmem:s28+$0xF200] =	vst v2  }
0x232: {  	v2 =	vld.idx.msk [tilespmem:v3+s13+$0x0], $0xffff  }
0x233: {  	v3 =	vadd.s32 $0x8, v1;
	_ =	sdelay $0x3  }
0x234: {  	[tilespmem:s28+$0xF280] =	vst v2  }
0x235: {  	v2 =	vld.idx.msk [tilespmem:v3+s13+$0x0], $0xffff  }
0x236: {  	v3 =	vadd.s32 $0x9, v1;
	_ =	sdelay $0x3  }
0x237: {  	[tilespmem:s28+$0x11700] =	vst v2  }
0x238: {  	v2 =	vld.idx.msk [tilespmem:v3+s13+$0x0], $0xffff  }
0x239: {  	v3 =	vadd.s32 $0xA, v1;
	_ =	sdelay $0x3  }
0x23a: {  	[tilespmem:s28+$0x11780] =	vst v2  }
0x23b: {  	v2 =	vld.idx.msk [tilespmem:v3+s13+$0x0], $0xffff  }
0x23c: {  	v3 =	vadd.s32 $0xB, v1;
	_ =	sdelay $0x3  }
0x23d: {  	[tilespmem:s28+$0x11800] =	vst v2  }
0x23e: {  	v2 =	vld.idx.msk [tilespmem:v3+s13+$0x0], $0xffff  }
0x23f: {  	v3 =	vadd.s32 $0xC, v1;
	_ =	sdelay $0x3  }
0x240: {  	[tilespmem:s28+$0x11880] =	vst v2  }
0x241: {  	v2 =	vld.idx.msk [tilespmem:v3+s13+$0x0], $0xffff  }
0x242: {  	v3 =	vadd.s32 $0xD, v1;
	_ =	sdelay $0x3  }
0x243: {  	[tilespmem:s28+$0x11900] =	vst v2  }
0x244: {  	v2 =	vld.idx.msk [tilespmem:v3+s13+$0x0], $0xffff  }
0x245: {  	v3 =	vadd.s32 $0xE, v1;
	_ =	sdelay $0x3  }
0x246: {  	[tilespmem:s28+$0x11980] =	vst v2  }
0x247: {  	v2 =	vld.idx.msk [tilespmem:v3+s13+$0x0], $0xffff  }
0x248: {  	v3 =	vadd.s32 $0xF, v1;
	_ =	sdelay $0x3  }
0x249: {  	[tilespmem:s28+$0x11A00] =	vst v2  }
0x24a: {  	v2 =	vld.idx.msk [tilespmem:v3+s13+$0x0], $0xffff  }
0x24b: {  	v3 =	vadd.s32 $0x10, v1;
	_ =	sdelay $0x3  }
0x24c: {  	[tilespmem:s28+$0x11A80] =	vst v2  }
0x24d: {  	v2 =	vld.idx.msk [tilespmem:v3+s13+$0x0], $0xffff;
	_ =	sdelay $0x4  }
0x24e: {  	[tilespmem:s28+$0x13F00] =	vst v2  }
0x24f: {  	v2 =	vld [tilespmem:s29+$0x3B10]  }
0x250: {  	v3 =	vld [tilespmem:s29+$0x3B90]  }
0x251: {  	v4 =	vld [tilespmem:s29+$0x3C10];
	_ =	sdelay $0x3  }
0x252: {  	v2 =	vmul.u32 $0x18C, v2;
	v3 =	vmul.u32 $0x42, v3  }
0x253: {  	v4 =	vmul.u32 $0x21, v4  }
0x254: {  	v2 =	vadd.s32 v2, v3  }
0x255: {  	v2 =	vadd.s32 v4, v2;
	_ =	sdelay $0x4  }
0x256: {  	v3 =	vld.idx.msk [tilespmem:v2+s13+$0x0], $0xffff  }
0x257: {  	v4 =	vadd.s32 $0x1, v2;
	_ =	sdelay $0x3  }
0x258: {  	[tilespmem:s28+$0xEF10] =	vst v3  }
0x259: {  	v3 =	vld.idx.msk [tilespmem:v4+s13+$0x0], $0xffff  }
0x25a: {  	v46 =	vadd.s32 $0x2, v2;
	_ =	sdelay $0x3  }
0x25b: {  	[tilespmem:s28+$0xEF90] =	vst v3  }
0x25c: {  	v3 =	vld.idx.msk [tilespmem:v46+s13+$0x0], $0xffff  }
0x25d: {  	v47 =	vadd.s32 $0x3, v2;
	_ =	sdelay $0x3  }
0x25e: {  	[tilespmem:s28+$0xF010] =	vst v3  }
0x25f: {  	v3 =	vld.idx.msk [tilespmem:v47+s13+$0x0], $0xffff  }
0x260: {  	v48 =	vadd.s32 $0x4, v2;
	_ =	sdelay $0x3  }
0x261: {  	[tilespmem:s28+$0xF090] =	vst v3  }
0x262: {  	v3 =	vld.idx.msk [tilespmem:v48+s13+$0x0], $0xffff  }
0x263: {  	v49 =	vadd.s32 $0x5, v2;
	_ =	sdelay $0x3  }
0x264: {  	[tilespmem:s28+$0xF110] =	vst v3  }
0x265: {  	v3 =	vld.idx.msk [tilespmem:v49+s13+$0x0], $0xffff  }
0x266: {  	v50 =	vadd.s32 $0x6, v2;
	_ =	sdelay $0x3  }
0x267: {  	[tilespmem:s28+$0xF190] =	vst v3  }
0x268: {  	v3 =	vld.idx.msk [tilespmem:v50+s13+$0x0], $0xffff  }
0x269: {  	v51 =	vadd.s32 $0x7, v2;
	_ =	sdelay $0x3  }
0x26a: {  	[tilespmem:s28+$0xF210] =	vst v3  }
0x26b: {  	v3 =	vld.idx.msk [tilespmem:v51+s13+$0x0], $0xffff  }
0x26c: {  	v52 =	vadd.s32 $0x8, v2;
	_ =	sdelay $0x3  }
0x26d: {  	[tilespmem:s28+$0xF290] =	vst v3  }
0x26e: {  	v3 =	vld.idx.msk [tilespmem:v52+s13+$0x0], $0xffff  }
0x26f: {  	v53 =	vadd.s32 $0x9, v2;
	_ =	sdelay $0x3  }
0x270: {  	[tilespmem:s28+$0x11710] =	vst v3  }
0x271: {  	v3 =	vld.idx.msk [tilespmem:v53+s13+$0x0], $0xffff  }
0x272: {  	v54 =	vadd.s32 $0xA, v2;
	_ =	sdelay $0x3  }
0x273: {  	[tilespmem:s28+$0x11790] =	vst v3  }
0x274: {  	v3 =	vld.idx.msk [tilespmem:v54+s13+$0x0], $0xffff  }
0x275: {  	v55 =	vadd.s32 $0xB, v2;
	_ =	sdelay $0x3  }
0x276: {  	[tilespmem:s28+$0x11810] =	vst v3  }
0x277: {  	v3 =	vld.idx.msk [tilespmem:v55+s13+$0x0], $0xffff  }
0x278: {  	v56 =	vadd.s32 $0xC, v2;
	_ =	sdelay $0x3  }
0x279: {  	[tilespmem:s28+$0x11890] =	vst v3  }
0x27a: {  	v3 =	vld.idx.msk [tilespmem:v56+s13+$0x0], $0xffff  }
0x27b: {  	v57 =	vadd.s32 $0xD, v2;
	_ =	sdelay $0x3  }
0x27c: {  	[tilespmem:s28+$0x11910] =	vst v3  }
0x27d: {  	v3 =	vld.idx.msk [tilespmem:v57+s13+$0x0], $0xffff  }
0x27e: {  	v58 =	vadd.s32 $0xE, v2;
	_ =	sdelay $0x3  }
0x27f: {  	[tilespmem:s28+$0x11990] =	vst v3  }
0x280: {  	v3 =	vld.idx.msk [tilespmem:v58+s13+$0x0], $0xffff  }
0x281: {  	v59 =	vadd.s32 $0xF, v2;
	_ =	sdelay $0x3  }
0x282: {  	[tilespmem:s28+$0x11A10] =	vst v3  }
0x283: {  	v3 =	vld.idx.msk [tilespmem:v59+s13+$0x0], $0xffff;
	_ =	sdelay $0x4  }
0x284: {  	[tilespmem:s28+$0x11A90] =	vst v3;
	v3 =	vadd.s32 $0x11, v1  }
0x285: {  	v60 =	vadd.s32 $0x10, v2;
	_ =	sdelay $0x3  }
0x286: {  	v3 =	vld.idx.msk [tilespmem:v3+s13+$0x0], $0xffff  }
0x287: {  	v61 =	vadd.s32 $0x12, v1;
	v4 =	vld.idx.msk [tilespmem:v60+s13+$0x0], $0xffff  }
0x288: {  	v5 =	vadd.s32 $0x11, v2;
	_ =	sdelay $0x2  }
0x289: {  	[tilespmem:s28+$0x13F80] =	vst v3  }
0x28a: {  	[tilespmem:s28+$0x13F10] =	vst v4;
	v3 =	vld.idx.msk [tilespmem:v61+s13+$0x0], $0xffff  }
0x28b: {  	v62 =	vadd.s32 $0x13, v1;
	v5 =	vld.idx.msk [tilespmem:v5+s13+$0x0], $0xffff  }
0x28c: {  	v6 =	vadd.s32 $0x12, v2;
	_ =	sdelay $0x2  }
0x28d: {  	[tilespmem:s28+$0x14000] =	vst v3  }
0x28e: {  	[tilespmem:s28+$0x13F90] =	vst v5;
	v3 =	vld.idx.msk [tilespmem:v62+s13+$0x0], $0xffff  }
0x28f: {  	v9 =	vadd.s32 $0x14, v1;
	v5 =	vld.idx.msk [tilespmem:v6+s13+$0x0], $0xffff  }
0x290: {  	v63 =	vadd.s32 $0x13, v2;
	_ =	sdelay $0x2  }
0x291: {  	[tilespmem:s28+$0x14080] =	vst v3  }
0x292: {  	[tilespmem:s28+$0x14010] =	vst v5;
	v3 =	vld.idx.msk [tilespmem:v9+s13+$0x0], $0xffff  }
0x293: {  	v11 =	vadd.s32 $0x15, v1;
	v5 =	vld.idx.msk [tilespmem:v63+s13+$0x0], $0xffff  }
0x294: {  	v10 =	vadd.s32 $0x14, v2;
	_ =	sdelay $0x2  }
0x295: {  	[tilespmem:s28+$0x14100] =	vst v3  }
0x296: {  	[tilespmem:s28+$0x14090] =	vst v5;
	v3 =	vld.idx.msk [tilespmem:v11+s13+$0x0], $0xffff  }
0x297: {  	v13 =	vadd.s32 $0x16, v1;
	v5 =	vld.idx.msk [tilespmem:v10+s13+$0x0], $0xffff  }
0x298: {  	v12 =	vadd.s32 $0x15, v2;
	_ =	sdelay $0x2  }
0x299: {  	[tilespmem:s28+$0x14180] =	vst v3  }
0x29a: {  	[tilespmem:s28+$0x14110] =	vst v5;
	v3 =	vld.idx.msk [tilespmem:v13+s13+$0x0], $0xffff  }
0x29b: {  	v15 =	vadd.s32 $0x17, v1;
	v5 =	vld.idx.msk [tilespmem:v12+s13+$0x0], $0xffff  }
0x29c: {  	v14 =	vadd.s32 $0x16, v2;
	_ =	sdelay $0x2  }
0x29d: {  	[tilespmem:s28+$0x14200] =	vst v3  }
0x29e: {  	[tilespmem:s28+$0x14190] =	vst v5;
	v3 =	vld.idx.msk [tilespmem:v15+s13+$0x0], $0xffff  }
0x29f: {  	v17 =	vadd.s32 $0x18, v1;
	v5 =	vld.idx.msk [tilespmem:v14+s13+$0x0], $0xffff  }
0x2a0: {  	v16 =	vadd.s32 $0x17, v2;
	_ =	sdelay $0x2  }
0x2a1: {  	[tilespmem:s28+$0x14280] =	vst v3  }
0x2a2: {  	[tilespmem:s28+$0x14210] =	vst v5;
	v3 =	vld.idx.msk [tilespmem:v17+s13+$0x0], $0xffff  }
0x2a3: {  	v19 =	vadd.s32 $0x19, v1;
	v5 =	vld.idx.msk [tilespmem:v16+s13+$0x0], $0xffff  }
0x2a4: {  	v18 =	vadd.s32 $0x18, v2;
	_ =	sdelay $0x2  }
0x2a5: {  	[tilespmem:s28+$0x16700] =	vst v3  }
0x2a6: {  	[tilespmem:s28+$0x14290] =	vst v5;
	v3 =	vld.idx.msk [tilespmem:v19+s13+$0x0], $0xffff  }
0x2a7: {  	v21 =	vadd.s32 $0x1A, v1;
	v5 =	vld.idx.msk [tilespmem:v18+s13+$0x0], $0xffff  }
0x2a8: {  	v20 =	vadd.s32 $0x19, v2;
	_ =	sdelay $0x2  }
0x2a9: {  	[tilespmem:s28+$0x16780] =	vst v3  }
0x2aa: {  	[tilespmem:s28+$0x16710] =	vst v5;
	v3 =	vld.idx.msk [tilespmem:v21+s13+$0x0], $0xffff  }
0x2ab: {  	v23 =	vadd.s32 $0x1B, v1;
	v5 =	vld.idx.msk [tilespmem:v20+s13+$0x0], $0xffff  }
0x2ac: {  	v31 =	vld [tilespmem:s29+$0x3BA0];
	v22 =	vadd.s32 $0x1A, v2  }
0x2ad: {  	v7 =	vld [tilespmem:s29+$0x3C20]  }
0x2ae: {  	v8 =	vld [tilespmem:s29+$0x3B30]  }
0x2af: {  	v32 =	vld [tilespmem:s29+$0x3C60];
	[tilespmem:s28+$0x16800] =	vst v3  }
0x2b0: {  	[tilespmem:s28+$0x16790] =	vst v5;
	v3 =	vld.idx.msk [tilespmem:v23+s13+$0x0], $0xffff  }
0x2b1: {  	v25 =	vadd.s32 $0x1C, v1;
	v5 =	vld.idx.msk [tilespmem:v22+s13+$0x0], $0xffff  }
0x2b2: {  	v24 =	vadd.s32 $0x1B, v2;
	v11 =	vld [tilespmem:s29+$0x3B40]  }
0x2b3: {  	v12 =	vld [tilespmem:s29+$0x3BC0]  }
0x2b4: {  	v13 =	vld [tilespmem:s29+$0x3C40]  }
0x2b5: {  	v38 =	vld [tilespmem:s29+$0x3BF0];
	[tilespmem:s28+$0x16880] =	vst v3  }
0x2b6: {  	[tilespmem:s28+$0x16810] =	vst v5;
	v3 =	vld.idx.msk [tilespmem:v25+s13+$0x0], $0xffff  }
0x2b7: {  	v27 =	vadd.s32 $0x1D, v1;
	v5 =	vld.idx.msk [tilespmem:v24+s13+$0x0], $0xffff  }
0x2b8: {  	v26 =	vadd.s32 $0x1C, v2;
	v9 =	vld [tilespmem:s29+$0x3BB0];
	v36 =	vmul.u32 $0x18C, v11;
	v37 =	vmul.u32 $0x42, v12  }
0x2b9: {  	v10 =	vld [tilespmem:s29+$0x3C30];
	v13 =	vmul.u32 $0x21, v13  }
0x2ba: {  	v28 =	vadd.s32 $0x1D, v2;
	v14 =	vld [tilespmem:s29+$0x3B50];
	v39 =	vadd.s32 v36, v37  }
0x2bb: {  	v30 =	vadd.s32 $0x1E, v2;
	v40 =	vadd.s32 $0x1F, v2;
	v15 =	vld [tilespmem:s29+$0x3BD0];
	v2 =	vadd.s32 v13, v39;
	[tilespmem:s28+$0x16900] =	vst v3  }
0x2bc: {  	[tilespmem:s28+$0x16890] =	vst v5;
	v3 =	vld.idx.msk [tilespmem:v27+s13+$0x0], $0xffff  }
0x2bd: {  	v5 =	vld.idx.msk [tilespmem:v26+s13+$0x0], $0xffff  }
0x2be: {  	v16 =	vld [tilespmem:s29+$0x3C50]  }
0x2bf: {  	v17 =	vld [tilespmem:s29+$0x3B60]  }
0x2c0: {  	v54 =	vld.idx.msk [tilespmem:v2+s13+$0x0], $0xffff  }
0x2c1: {  	v29 =	vadd.s32 $0x1E, v1;
	[tilespmem:s28+$0x16980] =	vst v3;
	v3 =	vld [tilespmem:s29+$0x3B20]  }
0x2c2: {  	v18 =	vld [tilespmem:s29+$0x3BE0];
	[tilespmem:s28+$0x16910] =	vst v5  }
0x2c3: {  	v55 =	vadd.s32 $0x1, v2;
	v5 =	vld.idx.msk [tilespmem:v28+s13+$0x0], $0xffff  }
0x2c4: {  	v7 =	vmul.u32 $0x21, v7;
	v20 =	vld [tilespmem:s29+$0x3C70]  }
0x2c5: {  	v34 =	vld [tilespmem:s29+$0x3B70];
	v6 =	vmul.u32 $0x42, v31;
	v14 =	vmul.u32 $0x18C, v14;
	v15 =	vmul.u32 $0x42, v15  }
0x2c6: {  	v33 =	vmul.u32 $0x42, v9;
	v35 =	vmul.u32 $0x21, v10;
	v4 =	vld.idx.msk [tilespmem:v29+s13+$0x0], $0xffff;
	v3 =	vmul.u32 $0x18C, v3  }
0x2c7: {  	v12 =	vmul.u32 $0x42, v38;
	v41 =	vadd.s32 v14, v15;
	v42 =	vmul.u32 $0x21, v16;
	[tilespmem:s28+$0xEF40] =	vst v54  }
0x2c8: {  	v43 =	vmul.u32 $0x18C, v17;
	v19 =	vadd.s32 $0x1F, v1;
	v13 =	vld.idx.msk [tilespmem:v55+s13+$0x0], $0xffff;
	[tilespmem:s28+$0x16990] =	vst v5;
	v1 =	vadd.s32 v3, v6  }
0x2c9: {  	v44 =	vmul.u32 $0x42, v18;
	v47 =	vmul.u32 $0x21, v20;
	v5 =	vld.idx.msk [tilespmem:v30+s13+$0x0], $0xffff;
	v1 =	vadd.s32 v7, v1  }
0x2ca: {  	v20 =	vadd.s32 $0x2, v2;
	v3 =	vmul.u32 $0x18C, v8;
	v6 =	vmul.u32 $0x21, v32  }
0x2cb: {  	v46 =	vadd.s32 v43, v44;
	[tilespmem:s28+$0x16A00] =	vst v4;
	v4 =	vadd.s32 v42, v41;
	v8 =	vmul.u32 $0x18C, v34  }
0x2cc: {  	v3 =	vadd.s32 v3, v33;
	v6 =	vadd.s32 v6, v46  }
0x2cd: {  	[tilespmem:s28+$0xEFC0] =	vst v13;
	v49 =	vadd.s32 v8, v12;
	v3 =	vadd.s32 v35, v3  }
0x2ce: {  	[tilespmem:s28+$0x16A10] =	vst v5;
	v5 =	vadd.s32 v47, v49;
	v50 =	vld.idx.msk [tilespmem:v1+s13+$0x0], $0xffff  }
0x2cf: {  	v15 =	vld.idx.msk [tilespmem:v20+s13+$0x0], $0xffff;
	v51 =	vadd.s32 $0x1, v1  }
0x2d0: {  	v56 =	vld.idx.msk [tilespmem:v4+s13+$0x0], $0xffff  }
0x2d1: {  	v57 =	vadd.s32 $0x1, v4;
	v58 =	vld.idx.msk [tilespmem:v6+s13+$0x0], $0xffff  }
0x2d2: {  	v59 =	vadd.s32 $0x1, v6;
	v52 =	vld.idx.msk [tilespmem:v3+s13+$0x0], $0xffff  }
0x2d3: {  	v53 =	vadd.s32 $0x1, v3;
	v60 =	vld.idx.msk [tilespmem:v5+s13+$0x0], $0xffff;
	[tilespmem:s28+$0xEF20] =	vst v50  }
0x2d4: {  	[tilespmem:s28+$0xF040] =	vst v15;
	v61 =	vadd.s32 $0x1, v5;
	v7 =	vld.idx.msk [tilespmem:v51+s13+$0x0], $0xffff  }
0x2d5: {  	v45 =	vld.idx.msk [tilespmem:v19+s13+$0x0], $0xffff;
	v62 =	vadd.s32 $0x2, v1;
	[tilespmem:s28+$0xEF50] =	vst v56  }
0x2d6: {  	v9 =	vld.idx.msk [tilespmem:v57+s13+$0x0], $0xffff;
	[tilespmem:s28+$0xEF60] =	vst v58  }
0x2d7: {  	v21 =	vadd.s32 $0x2, v4;
	[tilespmem:s28+$0xEF30] =	vst v52;
	v8 =	vld.idx.msk [tilespmem:v59+s13+$0x0], $0xffff  }
0x2d8: {  	v22 =	vadd.s32 $0x2, v6;
	[tilespmem:s28+$0xEF70] =	vst v60;
	v11 =	vld.idx.msk [tilespmem:v53+s13+$0x0], $0xffff  }
0x2d9: {  	v63 =	vadd.s32 $0x2, v3;
	v10 =	vld.idx.msk [tilespmem:v61+s13+$0x0], $0xffff;
	[tilespmem:s28+$0xEFA0] =	vst v7  }
0x2da: {  	v23 =	vadd.s32 $0x2, v5;
	[tilespmem:s28+$0x16A80] =	vst v45;
	v12 =	vld.idx.msk [tilespmem:v62+s13+$0x0], $0xffff  }
0x2db: {  	v48 =	vld.idx.msk [tilespmem:v40+s13+$0x0], $0xffff;
	v24 =	vadd.s32 $0x3, v1;
	[tilespmem:s28+$0xEFD0] =	vst v9  }
0x2dc: {  	v26 =	vadd.s32 $0x3, v2;
	v16 =	vld.idx.msk [tilespmem:v21+s13+$0x0], $0xffff;
	[tilespmem:s28+$0xEFE0] =	vst v8  }
0x2dd: {  	v27 =	vadd.s32 $0x3, v4;
	[tilespmem:s28+$0xEFB0] =	vst v11;
	v7 =	vld.idx.msk [tilespmem:v22+s13+$0x0], $0xffff  }
0x2de: {  	v28 =	vadd.s32 $0x3, v6;
	[tilespmem:s28+$0xEFF0] =	vst v10;
	v14 =	vld.idx.msk [tilespmem:v63+s13+$0x0], $0xffff  }
0x2df: {  	v25 =	vadd.s32 $0x3, v3;
	v11 =	vld.idx.msk [tilespmem:v23+s13+$0x0], $0xffff;
	[tilespmem:s28+$0xF020] =	vst v12  }
0x2e0: {  	v29 =	vadd.s32 $0x3, v5;
	[tilespmem:s28+$0x16A90] =	vst v48;
	v13 =	vld.idx.msk [tilespmem:v24+s13+$0x0], $0xffff  }
0x2e1: {  	v30 =	vadd.s32 $0x4, v1;
	v8 =	vld.idx.msk [tilespmem:v26+s13+$0x0], $0xffff;
	[tilespmem:s28+$0xF050] =	vst v16  }
0x2e2: {  	v32 =	vadd.s32 $0x4, v2;
	v10 =	vld.idx.msk [tilespmem:v27+s13+$0x0], $0xffff;
	[tilespmem:s28+$0xF060] =	vst v7  }
0x2e3: {  	v33 =	vadd.s32 $0x4, v4;
	[tilespmem:s28+$0xF030] =	vst v14;
	v12 =	vld.idx.msk [tilespmem:v28+s13+$0x0], $0xffff  }
0x2e4: {  	v34 =	vadd.s32 $0x4, v6;
	[tilespmem:s28+$0xF070] =	vst v11;
	v9 =	vld.idx.msk [tilespmem:v25+s13+$0x0], $0xffff  }
0x2e5: {  	v31 =	vadd.s32 $0x4, v3;
	v14 =	vld.idx.msk [tilespmem:v29+s13+$0x0], $0xffff;
	[tilespmem:s28+$0xF0A0] =	vst v13  }
0x2e6: {  	v35 =	vadd.s32 $0x4, v5;
	[tilespmem:s28+$0xF0C0] =	vst v8;
	v15 =	vld.idx.msk [tilespmem:v30+s13+$0x0], $0xffff  }
0x2e7: {  	v36 =	vadd.s32 $0x5, v1;
	v7 =	vld.idx.msk [tilespmem:v32+s13+$0x0], $0xffff;
	[tilespmem:s28+$0xF0D0] =	vst v10  }
0x2e8: {  	v38 =	vadd.s32 $0x5, v2;
	v11 =	vld.idx.msk [tilespmem:v33+s13+$0x0], $0xffff;
	[tilespmem:s28+$0xF0E0] =	vst v12  }
0x2e9: {  	v39 =	vadd.s32 $0x5, v4;
	[tilespmem:s28+$0xF0B0] =	vst v9;
	v13 =	vld.idx.msk [tilespmem:v34+s13+$0x0], $0xffff  }
0x2ea: {  	v40 =	vadd.s32 $0x5, v6;
	[tilespmem:s28+$0xF0F0] =	vst v14;
	v16 =	vld.idx.msk [tilespmem:v31+s13+$0x0], $0xffff  }
0x2eb: {  	v37 =	vadd.s32 $0x5, v3;
	v9 =	vld.idx.msk [tilespmem:v35+s13+$0x0], $0xffff;
	[tilespmem:s28+$0xF120] =	vst v15  }
0x2ec: {  	v41 =	vadd.s32 $0x5, v5;
	[tilespmem:s28+$0xF140] =	vst v7;
	v8 =	vld.idx.msk [tilespmem:v36+s13+$0x0], $0xffff  }
0x2ed: {  	v42 =	vadd.s32 $0x6, v1;
	v12 =	vld.idx.msk [tilespmem:v38+s13+$0x0], $0xffff;
	[tilespmem:s28+$0xF150] =	vst v11  }
0x2ee: {  	v44 =	vadd.s32 $0x6, v2;
	v14 =	vld.idx.msk [tilespmem:v39+s13+$0x0], $0xffff;
	[tilespmem:s28+$0xF160] =	vst v13  }
0x2ef: {  	v45 =	vadd.s32 $0x6, v4;
	[tilespmem:s28+$0xF130] =	vst v16;
	v15 =	vld.idx.msk [tilespmem:v40+s13+$0x0], $0xffff  }
0x2f0: {  	v46 =	vadd.s32 $0x6, v6;
	[tilespmem:s28+$0xF170] =	vst v9;
	v10 =	vld.idx.msk [tilespmem:v37+s13+$0x0], $0xffff  }
0x2f1: {  	v43 =	vadd.s32 $0x6, v3;
	v16 =	vld.idx.msk [tilespmem:v41+s13+$0x0], $0xffff;
	[tilespmem:s28+$0xF1A0] =	vst v8  }
0x2f2: {  	v47 =	vadd.s32 $0x6, v5;
	[tilespmem:s28+$0xF1C0] =	vst v12;
	v7 =	vld.idx.msk [tilespmem:v42+s13+$0x0], $0xffff  }
0x2f3: {  	v48 =	vadd.s32 $0x7, v1;
	v13 =	vld.idx.msk [tilespmem:v44+s13+$0x0], $0xffff;
	[tilespmem:s28+$0xF1D0] =	vst v14  }
0x2f4: {  	v50 =	vadd.s32 $0x7, v2;
	v9 =	vld.idx.msk [tilespmem:v45+s13+$0x0], $0xffff;
	[tilespmem:s28+$0xF1E0] =	vst v15  }
0x2f5: {  	v51 =	vadd.s32 $0x7, v4;
	[tilespmem:s28+$0xF1B0] =	vst v10;
	v8 =	vld.idx.msk [tilespmem:v46+s13+$0x0], $0xffff  }
0x2f6: {  	v52 =	vadd.s32 $0x7, v6;
	[tilespmem:s28+$0xF1F0] =	vst v16;
	v11 =	vld.idx.msk [tilespmem:v43+s13+$0x0], $0xffff  }
0x2f7: {  	v49 =	vadd.s32 $0x7, v3;
	v10 =	vld.idx.msk [tilespmem:v47+s13+$0x0], $0xffff;
	[tilespmem:s28+$0xF220] =	vst v7  }
0x2f8: {  	v53 =	vadd.s32 $0x7, v5;
	[tilespmem:s28+$0xF240] =	vst v13;
	v12 =	vld.idx.msk [tilespmem:v48+s13+$0x0], $0xffff  }
0x2f9: {  	v54 =	vadd.s32 $0x8, v1;
	v15 =	vld.idx.msk [tilespmem:v50+s13+$0x0], $0xffff;
	[tilespmem:s28+$0xF250] =	vst v9  }
0x2fa: {  	v56 =	vadd.s32 $0x8, v2;
	v16 =	vld.idx.msk [tilespmem:v51+s13+$0x0], $0xffff;
	[tilespmem:s28+$0xF260] =	vst v8  }
0x2fb: {  	v57 =	vadd.s32 $0x8, v4;
	[tilespmem:s28+$0xF230] =	vst v11;
	v7 =	vld.idx.msk [tilespmem:v52+s13+$0x0], $0xffff  }
0x2fc: {  	v58 =	vadd.s32 $0x8, v6;
	[tilespmem:s28+$0xF270] =	vst v10;
	v14 =	vld.idx.msk [tilespmem:v49+s13+$0x0], $0xffff  }
0x2fd: {  	v55 =	vadd.s32 $0x8, v3;
	v11 =	vld.idx.msk [tilespmem:v53+s13+$0x0], $0xffff;
	[tilespmem:s28+$0xF2A0] =	vst v12  }
0x2fe: {  	v59 =	vadd.s32 $0x8, v5;
	[tilespmem:s28+$0xF2C0] =	vst v15;
	v13 =	vld.idx.msk [tilespmem:v54+s13+$0x0], $0xffff  }
0x2ff: {  	v60 =	vadd.s32 $0x9, v1;
	v8 =	vld.idx.msk [tilespmem:v56+s13+$0x0], $0xffff;
	[tilespmem:s28+$0xF2D0] =	vst v16  }
0x300: {  	v62 =	vadd.s32 $0x9, v2;
	v10 =	vld.idx.msk [tilespmem:v57+s13+$0x0], $0xffff;
	[tilespmem:s28+$0xF2E0] =	vst v7  }
0x301: {  	v63 =	vadd.s32 $0x9, v4;
	[tilespmem:s28+$0xF2B0] =	vst v14;
	v12 =	vld.idx.msk [tilespmem:v58+s13+$0x0], $0xffff  }
0x302: {  	v20 =	vadd.s32 $0x9, v6;
	[tilespmem:s28+$0xF2F0] =	vst v11;
	v9 =	vld.idx.msk [tilespmem:v55+s13+$0x0], $0xffff  }
0x303: {  	v61 =	vadd.s32 $0x9, v3;
	v14 =	vld.idx.msk [tilespmem:v59+s13+$0x0], $0xffff;
	[tilespmem:s28+$0x11720] =	vst v13  }
0x304: {  	v21 =	vadd.s32 $0x9, v5;
	[tilespmem:s28+$0x11740] =	vst v8;
	v15 =	vld.idx.msk [tilespmem:v60+s13+$0x0], $0xffff  }
0x305: {  	v22 =	vadd.s32 $0xA, v1;
	v7 =	vld.idx.msk [tilespmem:v62+s13+$0x0], $0xffff;
	[tilespmem:s28+$0x11750] =	vst v10  }
0x306: {  	v24 =	vadd.s32 $0xA, v2;
	v11 =	vld.idx.msk [tilespmem:v63+s13+$0x0], $0xffff;
	[tilespmem:s28+$0x11760] =	vst v12  }
0x307: {  	v25 =	vadd.s32 $0xA, v4;
	[tilespmem:s28+$0x11730] =	vst v9;
	v13 =	vld.idx.msk [tilespmem:v20+s13+$0x0], $0xffff  }
0x308: {  	v26 =	vadd.s32 $0xA, v6;
	[tilespmem:s28+$0x11770] =	vst v14;
	v16 =	vld.idx.msk [tilespmem:v61+s13+$0x0], $0xffff  }
0x309: {  	v23 =	vadd.s32 $0xA, v3;
	v9 =	vld.idx.msk [tilespmem:v21+s13+$0x0], $0xffff;
	[tilespmem:s28+$0x117A0] =	vst v15  }
0x30a: {  	v27 =	vadd.s32 $0xA, v5;
	[tilespmem:s28+$0x117C0] =	vst v7;
	v8 =	vld.idx.msk [tilespmem:v22+s13+$0x0], $0xffff  }
0x30b: {  	v28 =	vadd.s32 $0xB, v1;
	v12 =	vld.idx.msk [tilespmem:v24+s13+$0x0], $0xffff;
	[tilespmem:s28+$0x117D0] =	vst v11  }
0x30c: {  	v30 =	vadd.s32 $0xB, v2;
	v14 =	vld.idx.msk [tilespmem:v25+s13+$0x0], $0xffff;
	[tilespmem:s28+$0x117E0] =	vst v13  }
0x30d: {  	v31 =	vadd.s32 $0xB, v4;
	[tilespmem:s28+$0x117B0] =	vst v16;
	v15 =	vld.idx.msk [tilespmem:v26+s13+$0x0], $0xffff  }
0x30e: {  	v32 =	vadd.s32 $0xB, v6;
	[tilespmem:s28+$0x117F0] =	vst v9;
	v10 =	vld.idx.msk [tilespmem:v23+s13+$0x0], $0xffff  }
0x30f: {  	v29 =	vadd.s32 $0xB, v3;
	v16 =	vld.idx.msk [tilespmem:v27+s13+$0x0], $0xffff;
	[tilespmem:s28+$0x11820] =	vst v8  }
0x310: {  	v33 =	vadd.s32 $0xB, v5;
	[tilespmem:s28+$0x11840] =	vst v12;
	v7 =	vld.idx.msk [tilespmem:v28+s13+$0x0], $0xffff  }
0x311: {  	v34 =	vadd.s32 $0xC, v1;
	v13 =	vld.idx.msk [tilespmem:v30+s13+$0x0], $0xffff;
	[tilespmem:s28+$0x11850] =	vst v14  }
0x312: {  	v36 =	vadd.s32 $0xC, v2;
	v9 =	vld.idx.msk [tilespmem:v31+s13+$0x0], $0xffff;
	[tilespmem:s28+$0x11860] =	vst v15  }
0x313: {  	v37 =	vadd.s32 $0xC, v4;
	[tilespmem:s28+$0x11830] =	vst v10;
	v8 =	vld.idx.msk [tilespmem:v32+s13+$0x0], $0xffff  }
0x314: {  	v38 =	vadd.s32 $0xC, v6;
	[tilespmem:s28+$0x11870] =	vst v16;
	v11 =	vld.idx.msk [tilespmem:v29+s13+$0x0], $0xffff  }
0x315: {  	v35 =	vadd.s32 $0xC, v3;
	v10 =	vld.idx.msk [tilespmem:v33+s13+$0x0], $0xffff;
	[tilespmem:s28+$0x118A0] =	vst v7  }
0x316: {  	v39 =	vadd.s32 $0xC, v5;
	[tilespmem:s28+$0x118C0] =	vst v13;
	v12 =	vld.idx.msk [tilespmem:v34+s13+$0x0], $0xffff  }
0x317: {  	v40 =	vadd.s32 $0xD, v1;
	v15 =	vld.idx.msk [tilespmem:v36+s13+$0x0], $0xffff;
	[tilespmem:s28+$0x118D0] =	vst v9  }
0x318: {  	v42 =	vadd.s32 $0xD, v2;
	v16 =	vld.idx.msk [tilespmem:v37+s13+$0x0], $0xffff;
	[tilespmem:s28+$0x118E0] =	vst v8  }
0x319: {  	v43 =	vadd.s32 $0xD, v4;
	[tilespmem:s28+$0x118B0] =	vst v11;
	v7 =	vld.idx.msk [tilespmem:v38+s13+$0x0], $0xffff  }
0x31a: {  	v44 =	vadd.s32 $0xD, v6;
	[tilespmem:s28+$0x118F0] =	vst v10;
	v14 =	vld.idx.msk [tilespmem:v35+s13+$0x0], $0xffff  }
0x31b: {  	v41 =	vadd.s32 $0xD, v3;
	v11 =	vld.idx.msk [tilespmem:v39+s13+$0x0], $0xffff;
	[tilespmem:s28+$0x11920] =	vst v12  }
0x31c: {  	v45 =	vadd.s32 $0xD, v5;
	[tilespmem:s28+$0x11940] =	vst v15;
	v13 =	vld.idx.msk [tilespmem:v40+s13+$0x0], $0xffff  }
0x31d: {  	v46 =	vadd.s32 $0xE, v1;
	v8 =	vld.idx.msk [tilespmem:v42+s13+$0x0], $0xffff;
	[tilespmem:s28+$0x11950] =	vst v16  }
0x31e: {  	v48 =	vadd.s32 $0xE, v2;
	v10 =	vld.idx.msk [tilespmem:v43+s13+$0x0], $0xffff;
	[tilespmem:s28+$0x11960] =	vst v7  }
0x31f: {  	v49 =	vadd.s32 $0xE, v4;
	[tilespmem:s28+$0x11930] =	vst v14;
	v12 =	vld.idx.msk [tilespmem:v44+s13+$0x0], $0xffff  }
0x320: {  	v50 =	vadd.s32 $0xE, v6;
	[tilespmem:s28+$0x11970] =	vst v11;
	v9 =	vld.idx.msk [tilespmem:v41+s13+$0x0], $0xffff  }
0x321: {  	v47 =	vadd.s32 $0xE, v3;
	v14 =	vld.idx.msk [tilespmem:v45+s13+$0x0], $0xffff;
	[tilespmem:s28+$0x119A0] =	vst v13  }
0x322: {  	v51 =	vadd.s32 $0xE, v5;
	[tilespmem:s28+$0x119C0] =	vst v8;
	v15 =	vld.idx.msk [tilespmem:v46+s13+$0x0], $0xffff  }
0x323: {  	v52 =	vadd.s32 $0xF, v1;
	v7 =	vld.idx.msk [tilespmem:v48+s13+$0x0], $0xffff;
	[tilespmem:s28+$0x119D0] =	vst v10  }
0x324: {  	v54 =	vadd.s32 $0xF, v2;
	v11 =	vld.idx.msk [tilespmem:v49+s13+$0x0], $0xffff;
	[tilespmem:s28+$0x119E0] =	vst v12  }
0x325: {  	v55 =	vadd.s32 $0xF, v4;
	[tilespmem:s28+$0x119B0] =	vst v9;
	v13 =	vld.idx.msk [tilespmem:v50+s13+$0x0], $0xffff  }
0x326: {  	v56 =	vadd.s32 $0xF, v6;
	[tilespmem:s28+$0x119F0] =	vst v14;
	v16 =	vld.idx.msk [tilespmem:v47+s13+$0x0], $0xffff  }
0x327: {  	v53 =	vadd.s32 $0xF, v3;
	v9 =	vld.idx.msk [tilespmem:v51+s13+$0x0], $0xffff;
	[tilespmem:s28+$0x11A20] =	vst v15  }
0x328: {  	v57 =	vadd.s32 $0xF, v5;
	[tilespmem:s28+$0x11A40] =	vst v7;
	v8 =	vld.idx.msk [tilespmem:v52+s13+$0x0], $0xffff  }
0x329: {  	v58 =	vadd.s32 $0x10, v1;
	v12 =	vld.idx.msk [tilespmem:v54+s13+$0x0], $0xffff;
	[tilespmem:s28+$0x11A50] =	vst v11  }
0x32a: {  	v60 =	vadd.s32 $0x10, v2;
	v14 =	vld.idx.msk [tilespmem:v55+s13+$0x0], $0xffff;
	[tilespmem:s28+$0x11A60] =	vst v13  }
0x32b: {  	v61 =	vadd.s32 $0x10, v4;
	[tilespmem:s28+$0x11A30] =	vst v16;
	v15 =	vld.idx.msk [tilespmem:v56+s13+$0x0], $0xffff  }
0x32c: {  	v62 =	vadd.s32 $0x10, v6;
	[tilespmem:s28+$0x11A70] =	vst v9;
	v10 =	vld.idx.msk [tilespmem:v53+s13+$0x0], $0xffff  }
0x32d: {  	v59 =	vadd.s32 $0x10, v3;
	v16 =	vld.idx.msk [tilespmem:v57+s13+$0x0], $0xffff;
	[tilespmem:s28+$0x11AA0] =	vst v8  }
0x32e: {  	v63 =	vadd.s32 $0x10, v5;
	[tilespmem:s28+$0x11AC0] =	vst v12;
	v7 =	vld.idx.msk [tilespmem:v58+s13+$0x0], $0xffff  }
0x32f: {  	v20 =	vadd.s32 $0x11, v1;
	v13 =	vld.idx.msk [tilespmem:v60+s13+$0x0], $0xffff;
	[tilespmem:s28+$0x11AD0] =	vst v14  }
0x330: {  	v22 =	vadd.s32 $0x11, v2;
	v9 =	vld.idx.msk [tilespmem:v61+s13+$0x0], $0xffff;
	[tilespmem:s28+$0x11AE0] =	vst v15  }
0x331: {  	v23 =	vadd.s32 $0x11, v4;
	[tilespmem:s28+$0x11AB0] =	vst v10;
	v8 =	vld.idx.msk [tilespmem:v62+s13+$0x0], $0xffff  }
0x332: {  	v24 =	vadd.s32 $0x11, v6;
	[tilespmem:s28+$0x11AF0] =	vst v16;
	v11 =	vld.idx.msk [tilespmem:v59+s13+$0x0], $0xffff  }
0x333: {  	v21 =	vadd.s32 $0x11, v3;
	v10 =	vld.idx.msk [tilespmem:v63+s13+$0x0], $0xffff;
	[tilespmem:s28+$0x13F20] =	vst v7  }
0x334: {  	v25 =	vadd.s32 $0x11, v5;
	[tilespmem:s28+$0x13F40] =	vst v13;
	v12 =	vld.idx.msk [tilespmem:v20+s13+$0x0], $0xffff  }
0x335: {  	v26 =	vadd.s32 $0x12, v1;
	v15 =	vld.idx.msk [tilespmem:v22+s13+$0x0], $0xffff;
	[tilespmem:s28+$0x13F50] =	vst v9  }
0x336: {  	v28 =	vadd.s32 $0x12, v2;
	v16 =	vld.idx.msk [tilespmem:v23+s13+$0x0], $0xffff;
	[tilespmem:s28+$0x13F60] =	vst v8  }
0x337: {  	v29 =	vadd.s32 $0x12, v4;
	[tilespmem:s28+$0x13F30] =	vst v11;
	v7 =	vld.idx.msk [tilespmem:v24+s13+$0x0], $0xffff  }
0x338: {  	v30 =	vadd.s32 $0x12, v6;
	[tilespmem:s28+$0x13F70] =	vst v10;
	v14 =	vld.idx.msk [tilespmem:v21+s13+$0x0], $0xffff  }
0x339: {  	v27 =	vadd.s32 $0x12, v3;
	v11 =	vld.idx.msk [tilespmem:v25+s13+$0x0], $0xffff;
	[tilespmem:s28+$0x13FA0] =	vst v12  }
0x33a: {  	v31 =	vadd.s32 $0x12, v5;
	[tilespmem:s28+$0x13FC0] =	vst v15;
	v13 =	vld.idx.msk [tilespmem:v26+s13+$0x0], $0xffff  }
0x33b: {  	v32 =	vadd.s32 $0x13, v1;
	v8 =	vld.idx.msk [tilespmem:v28+s13+$0x0], $0xffff;
	[tilespmem:s28+$0x13FD0] =	vst v16  }
0x33c: {  	v34 =	vadd.s32 $0x13, v2;
	v10 =	vld.idx.msk [tilespmem:v29+s13+$0x0], $0xffff;
	[tilespmem:s28+$0x13FE0] =	vst v7  }
0x33d: {  	v35 =	vadd.s32 $0x13, v4;
	[tilespmem:s28+$0x13FB0] =	vst v14;
	v12 =	vld.idx.msk [tilespmem:v30+s13+$0x0], $0xffff  }
0x33e: {  	v36 =	vadd.s32 $0x13, v6;
	[tilespmem:s28+$0x13FF0] =	vst v11;
	v9 =	vld.idx.msk [tilespmem:v27+s13+$0x0], $0xffff  }
0x33f: {  	v33 =	vadd.s32 $0x13, v3;
	v14 =	vld.idx.msk [tilespmem:v31+s13+$0x0], $0xffff;
	[tilespmem:s28+$0x14020] =	vst v13  }
0x340: {  	v37 =	vadd.s32 $0x13, v5;
	[tilespmem:s28+$0x14040] =	vst v8;
	v15 =	vld.idx.msk [tilespmem:v32+s13+$0x0], $0xffff  }
0x341: {  	v38 =	vadd.s32 $0x14, v1;
	v7 =	vld.idx.msk [tilespmem:v34+s13+$0x0], $0xffff;
	[tilespmem:s28+$0x14050] =	vst v10  }
0x342: {  	v40 =	vadd.s32 $0x14, v2;
	v11 =	vld.idx.msk [tilespmem:v35+s13+$0x0], $0xffff;
	[tilespmem:s28+$0x14060] =	vst v12  }
0x343: {  	v41 =	vadd.s32 $0x14, v4;
	[tilespmem:s28+$0x14030] =	vst v9;
	v13 =	vld.idx.msk [tilespmem:v36+s13+$0x0], $0xffff  }
0x344: {  	v42 =	vadd.s32 $0x14, v6;
	[tilespmem:s28+$0x14070] =	vst v14;
	v16 =	vld.idx.msk [tilespmem:v33+s13+$0x0], $0xffff  }
0x345: {  	v39 =	vadd.s32 $0x14, v3;
	v9 =	vld.idx.msk [tilespmem:v37+s13+$0x0], $0xffff;
	[tilespmem:s28+$0x140A0] =	vst v15  }
0x346: {  	v43 =	vadd.s32 $0x14, v5;
	[tilespmem:s28+$0x140C0] =	vst v7;
	v8 =	vld.idx.msk [tilespmem:v38+s13+$0x0], $0xffff  }
0x347: {  	v44 =	vadd.s32 $0x15, v1;
	v12 =	vld.idx.msk [tilespmem:v40+s13+$0x0], $0xffff;
	[tilespmem:s28+$0x140D0] =	vst v11  }
0x348: {  	v46 =	vadd.s32 $0x15, v2;
	v14 =	vld.idx.msk [tilespmem:v41+s13+$0x0], $0xffff;
	[tilespmem:s28+$0x140E0] =	vst v13  }
0x349: {  	v47 =	vadd.s32 $0x15, v4;
	[tilespmem:s28+$0x140B0] =	vst v16;
	v15 =	vld.idx.msk [tilespmem:v42+s13+$0x0], $0xffff  }
0x34a: {  	v48 =	vadd.s32 $0x15, v6;
	[tilespmem:s28+$0x140F0] =	vst v9;
	v10 =	vld.idx.msk [tilespmem:v39+s13+$0x0], $0xffff  }
0x34b: {  	v45 =	vadd.s32 $0x15, v3;
	v16 =	vld.idx.msk [tilespmem:v43+s13+$0x0], $0xffff;
	[tilespmem:s28+$0x14120] =	vst v8  }
0x34c: {  	v49 =	vadd.s32 $0x15, v5;
	[tilespmem:s28+$0x14140] =	vst v12;
	v7 =	vld.idx.msk [tilespmem:v44+s13+$0x0], $0xffff  }
0x34d: {  	v50 =	vadd.s32 $0x16, v1;
	v13 =	vld.idx.msk [tilespmem:v46+s13+$0x0], $0xffff;
	[tilespmem:s28+$0x14150] =	vst v14  }
0x34e: {  	v52 =	vadd.s32 $0x16, v2;
	v9 =	vld.idx.msk [tilespmem:v47+s13+$0x0], $0xffff;
	[tilespmem:s28+$0x14160] =	vst v15  }
0x34f: {  	v53 =	vadd.s32 $0x16, v4;
	[tilespmem:s28+$0x14130] =	vst v10;
	v8 =	vld.idx.msk [tilespmem:v48+s13+$0x0], $0xffff  }
0x350: {  	v54 =	vadd.s32 $0x16, v6;
	[tilespmem:s28+$0x14170] =	vst v16;
	v11 =	vld.idx.msk [tilespmem:v45+s13+$0x0], $0xffff  }
0x351: {  	v51 =	vadd.s32 $0x16, v3;
	v10 =	vld.idx.msk [tilespmem:v49+s13+$0x0], $0xffff;
	[tilespmem:s28+$0x141A0] =	vst v7  }
0x352: {  	v55 =	vadd.s32 $0x16, v5;
	[tilespmem:s28+$0x141C0] =	vst v13;
	v12 =	vld.idx.msk [tilespmem:v50+s13+$0x0], $0xffff  }
0x353: {  	v56 =	vadd.s32 $0x17, v1;
	v15 =	vld.idx.msk [tilespmem:v52+s13+$0x0], $0xffff;
	[tilespmem:s28+$0x141D0] =	vst v9  }
0x354: {  	v58 =	vadd.s32 $0x17, v2;
	v16 =	vld.idx.msk [tilespmem:v53+s13+$0x0], $0xffff;
	[tilespmem:s28+$0x141E0] =	vst v8  }
0x355: {  	v59 =	vadd.s32 $0x17, v4;
	[tilespmem:s28+$0x141B0] =	vst v11;
	v7 =	vld.idx.msk [tilespmem:v54+s13+$0x0], $0xffff  }
0x356: {  	v60 =	vadd.s32 $0x17, v6;
	[tilespmem:s28+$0x141F0] =	vst v10;
	v14 =	vld.idx.msk [tilespmem:v51+s13+$0x0], $0xffff  }
0x357: {  	v57 =	vadd.s32 $0x17, v3;
	v11 =	vld.idx.msk [tilespmem:v55+s13+$0x0], $0xffff;
	[tilespmem:s28+$0x14220] =	vst v12  }
0x358: {  	v61 =	vadd.s32 $0x17, v5;
	[tilespmem:s28+$0x14240] =	vst v15;
	v13 =	vld.idx.msk [tilespmem:v56+s13+$0x0], $0xffff  }
0x359: {  	v62 =	vadd.s32 $0x18, v1;
	v8 =	vld.idx.msk [tilespmem:v58+s13+$0x0], $0xffff;
	[tilespmem:s28+$0x14250] =	vst v16  }
0x35a: {  	v20 =	vadd.s32 $0x18, v2;
	v10 =	vld.idx.msk [tilespmem:v59+s13+$0x0], $0xffff;
	[tilespmem:s28+$0x14260] =	vst v7  }
0x35b: {  	v21 =	vadd.s32 $0x18, v4;
	[tilespmem:s28+$0x14230] =	vst v14;
	v12 =	vld.idx.msk [tilespmem:v60+s13+$0x0], $0xffff  }
0x35c: {  	v22 =	vadd.s32 $0x18, v6;
	[tilespmem:s28+$0x14270] =	vst v11;
	v9 =	vld.idx.msk [tilespmem:v57+s13+$0x0], $0xffff  }
0x35d: {  	v63 =	vadd.s32 $0x18, v3;
	v14 =	vld.idx.msk [tilespmem:v61+s13+$0x0], $0xffff;
	[tilespmem:s28+$0x142A0] =	vst v13  }
0x35e: {  	v23 =	vadd.s32 $0x18, v5;
	[tilespmem:s28+$0x142C0] =	vst v8;
	v15 =	vld.idx.msk [tilespmem:v62+s13+$0x0], $0xffff  }
0x35f: {  	v24 =	vadd.s32 $0x19, v1;
	v7 =	vld.idx.msk [tilespmem:v20+s13+$0x0], $0xffff;
	[tilespmem:s28+$0x142D0] =	vst v10  }
0x360: {  	v26 =	vadd.s32 $0x19, v2;
	v11 =	vld.idx.msk [tilespmem:v21+s13+$0x0], $0xffff;
	[tilespmem:s28+$0x142E0] =	vst v12  }
0x361: {  	v27 =	vadd.s32 $0x19, v4;
	[tilespmem:s28+$0x142B0] =	vst v9;
	v13 =	vld.idx.msk [tilespmem:v22+s13+$0x0], $0xffff  }
0x362: {  	v28 =	vadd.s32 $0x19, v6;
	[tilespmem:s28+$0x142F0] =	vst v14;
	v16 =	vld.idx.msk [tilespmem:v63+s13+$0x0], $0xffff  }
0x363: {  	v25 =	vadd.s32 $0x19, v3;
	v9 =	vld.idx.msk [tilespmem:v23+s13+$0x0], $0xffff;
	[tilespmem:s28+$0x16720] =	vst v15  }
0x364: {  	v29 =	vadd.s32 $0x19, v5;
	[tilespmem:s28+$0x16740] =	vst v7;
	v8 =	vld.idx.msk [tilespmem:v24+s13+$0x0], $0xffff  }
0x365: {  	v30 =	vadd.s32 $0x1A, v1;
	v12 =	vld.idx.msk [tilespmem:v26+s13+$0x0], $0xffff;
	[tilespmem:s28+$0x16750] =	vst v11  }
0x366: {  	v32 =	vadd.s32 $0x1A, v2;
	v14 =	vld.idx.msk [tilespmem:v27+s13+$0x0], $0xffff;
	[tilespmem:s28+$0x16760] =	vst v13  }
0x367: {  	v33 =	vadd.s32 $0x1A, v4;
	[tilespmem:s28+$0x16730] =	vst v16;
	v15 =	vld.idx.msk [tilespmem:v28+s13+$0x0], $0xffff  }
0x368: {  	v34 =	vadd.s32 $0x1A, v6;
	[tilespmem:s28+$0x16770] =	vst v9;
	v10 =	vld.idx.msk [tilespmem:v25+s13+$0x0], $0xffff  }
0x369: {  	v31 =	vadd.s32 $0x1A, v3;
	v16 =	vld.idx.msk [tilespmem:v29+s13+$0x0], $0xffff;
	[tilespmem:s28+$0x167A0] =	vst v8  }
0x36a: {  	v35 =	vadd.s32 $0x1A, v5;
	[tilespmem:s28+$0x167C0] =	vst v12;
	v7 =	vld.idx.msk [tilespmem:v30+s13+$0x0], $0xffff  }
0x36b: {  	v36 =	vadd.s32 $0x1B, v1;
	v13 =	vld.idx.msk [tilespmem:v32+s13+$0x0], $0xffff;
	[tilespmem:s28+$0x167D0] =	vst v14  }
0x36c: {  	v38 =	vadd.s32 $0x1B, v2;
	v9 =	vld.idx.msk [tilespmem:v33+s13+$0x0], $0xffff;
	[tilespmem:s28+$0x167E0] =	vst v15  }
0x36d: {  	v39 =	vadd.s32 $0x1B, v4;
	[tilespmem:s28+$0x167B0] =	vst v10;
	v8 =	vld.idx.msk [tilespmem:v34+s13+$0x0], $0xffff  }
0x36e: {  	v40 =	vadd.s32 $0x1B, v6;
	[tilespmem:s28+$0x167F0] =	vst v16;
	v11 =	vld.idx.msk [tilespmem:v31+s13+$0x0], $0xffff  }
0x36f: {  	v37 =	vadd.s32 $0x1B, v3;
	v10 =	vld.idx.msk [tilespmem:v35+s13+$0x0], $0xffff;
	[tilespmem:s28+$0x16820] =	vst v7  }
0x370: {  	v41 =	vadd.s32 $0x1B, v5;
	[tilespmem:s28+$0x16840] =	vst v13;
	v12 =	vld.idx.msk [tilespmem:v36+s13+$0x0], $0xffff  }
0x371: {  	v42 =	vadd.s32 $0x1C, v1;
	v15 =	vld.idx.msk [tilespmem:v38+s13+$0x0], $0xffff;
	[tilespmem:s28+$0x16850] =	vst v9  }
0x372: {  	v44 =	vadd.s32 $0x1C, v2;
	v16 =	vld.idx.msk [tilespmem:v39+s13+$0x0], $0xffff;
	[tilespmem:s28+$0x16860] =	vst v8  }
0x373: {  	v45 =	vadd.s32 $0x1C, v4;
	[tilespmem:s28+$0x16830] =	vst v11;
	v7 =	vld.idx.msk [tilespmem:v40+s13+$0x0], $0xffff  }
0x374: {  	v46 =	vadd.s32 $0x1C, v6;
	[tilespmem:s28+$0x16870] =	vst v10;
	v14 =	vld.idx.msk [tilespmem:v37+s13+$0x0], $0xffff  }
0x375: {  	v43 =	vadd.s32 $0x1C, v3;
	v11 =	vld.idx.msk [tilespmem:v41+s13+$0x0], $0xffff;
	[tilespmem:s28+$0x168A0] =	vst v12  }
0x376: {  	v47 =	vadd.s32 $0x1C, v5;
	[tilespmem:s28+$0x168C0] =	vst v15;
	v13 =	vld.idx.msk [tilespmem:v42+s13+$0x0], $0xffff  }
0x377: {  	v48 =	vadd.s32 $0x1D, v1;
	v8 =	vld.idx.msk [tilespmem:v44+s13+$0x0], $0xffff;
	[tilespmem:s28+$0x168D0] =	vst v16  }
0x378: {  	v50 =	vadd.s32 $0x1D, v2;
	v10 =	vld.idx.msk [tilespmem:v45+s13+$0x0], $0xffff;
	[tilespmem:s28+$0x168E0] =	vst v7  }
0x379: {  	v51 =	vadd.s32 $0x1D, v4;
	[tilespmem:s28+$0x168B0] =	vst v14;
	v12 =	vld.idx.msk [tilespmem:v46+s13+$0x0], $0xffff  }
0x37a: {  	v52 =	vadd.s32 $0x1D, v6;
	[tilespmem:s28+$0x168F0] =	vst v11;
	v9 =	vld.idx.msk [tilespmem:v43+s13+$0x0], $0xffff  }
0x37b: {  	v49 =	vadd.s32 $0x1D, v3;
	v14 =	vld.idx.msk [tilespmem:v47+s13+$0x0], $0xffff;
	[tilespmem:s28+$0x16920] =	vst v13  }
0x37c: {  	v53 =	vadd.s32 $0x1D, v5;
	[tilespmem:s28+$0x16940] =	vst v8;
	v15 =	vld.idx.msk [tilespmem:v48+s13+$0x0], $0xffff  }
0x37d: {  	v54 =	vadd.s32 $0x1E, v1;
	v7 =	vld.idx.msk [tilespmem:v50+s13+$0x0], $0xffff;
	[tilespmem:s28+$0x16950] =	vst v10  }
0x37e: {  	v56 =	vadd.s32 $0x1E, v2;
	v11 =	vld.idx.msk [tilespmem:v51+s13+$0x0], $0xffff;
	[tilespmem:s28+$0x16960] =	vst v12  }
0x37f: {  	v57 =	vadd.s32 $0x1E, v4;
	[tilespmem:s28+$0x16930] =	vst v9;
	v13 =	vld.idx.msk [tilespmem:v52+s13+$0x0], $0xffff  }
0x380: {  	v58 =	vadd.s32 $0x1E, v6;
	[tilespmem:s28+$0x16970] =	vst v14;
	v16 =	vld.idx.msk [tilespmem:v49+s13+$0x0], $0xffff  }
0x381: {  	v55 =	vadd.s32 $0x1E, v3;
	v9 =	vld.idx.msk [tilespmem:v53+s13+$0x0], $0xffff;
	[tilespmem:s28+$0x169A0] =	vst v15  }
0x382: {  	v59 =	vadd.s32 $0x1E, v5;
	[tilespmem:s28+$0x169C0] =	vst v7;
	v8 =	vld.idx.msk [tilespmem:v54+s13+$0x0], $0xffff  }
0x383: {  	v1 =	vadd.s32 $0x1F, v1;
	v61 =	vld.idx.msk [tilespmem:v56+s13+$0x0], $0xffff;
	[tilespmem:s28+$0x169D0] =	vst v11  }
0x384: {  	v2 =	vadd.s32 $0x1F, v2;
	v11 =	vld.idx.msk [tilespmem:v57+s13+$0x0], $0xffff;
	[tilespmem:s28+$0x169E0] =	vst v13  }
0x385: {  	v4 =	vadd.s32 $0x1F, v4;
	[tilespmem:s28+$0x169B0] =	vst v16;
	v62 =	vld.idx.msk [tilespmem:v58+s13+$0x0], $0xffff  }
0x386: {  	v6 =	vadd.s32 $0x1F, v6;
	[tilespmem:s28+$0x169F0] =	vst v9;
	v60 =	vld.idx.msk [tilespmem:v55+s13+$0x0], $0xffff  }
0x387: {  	v3 =	vadd.s32 $0x1F, v3;
	v63 =	vld.idx.msk [tilespmem:v59+s13+$0x0], $0xffff;
	[tilespmem:s28+$0x16A20] =	vst v8  }
0x388: {  	v5 =	vadd.s32 $0x1F, v5;
	[tilespmem:s28+$0x16A40] =	vst v61;
	v1 =	vld.idx.msk [tilespmem:v1+s13+$0x0], $0xffff  }
0x389: {  	v2 =	vld.idx.msk [tilespmem:v2+s13+$0x0], $0xffff;
	[tilespmem:s28+$0x16A50] =	vst v11  }
0x38a: {  	v4 =	vld.idx.msk [tilespmem:v4+s13+$0x0], $0xffff;
	[tilespmem:s28+$0x16A60] =	vst v62  }
0x38b: {  	[tilespmem:s28+$0x16A30] =	vst v60;
	v6 =	vld.idx.msk [tilespmem:v6+s13+$0x0], $0xffff  }
0x38c: {  	[tilespmem:s28+$0x16A70] =	vst v63;
	v3 =	vld.idx.msk [tilespmem:v3+s13+$0x0], $0xffff  }
0x38d: {  	p0 =	slt.u32 s26, $0x48;
	[tilespmem:s28+$0x16AA0] =	vst v1;
	v1 =	vld.idx.msk [tilespmem:v5+s13+$0x0], $0xffff  }
.Ltmp7:
0x38e: {  	[tilespmem:s28+$0x16AC0] =	vst v2;
	(pc) =	sbr.rel @p0 .LBB2_8-.Ltmp7, $4  }
0x38f: {  	[tilespmem:s28+$0x16AD0] =	vst v4  }
0x390: {  	[tilespmem:s28+$0x16AE0] =	vst v6  }
0x391: {  	s31 =	sadd.s32 $0x8, s26;
	[tilespmem:s28+$0x16AB0] =	vst v3  }
0x392: {  	s26 =	smov.u32 s31;
	[tilespmem:s28+$0x16AF0] =	vst v1  }
.Ltmp8:
0x393: {  	(pc) =	sbr.rel .LBB2_10-.Ltmp8, $3  }
0x394: {  	s0 =	smul.u32 $0x500, s25;
	_ =	sdelay $0x1  }
0x395: {  	s0 =	sadd.s32 s1, s0  }
0x396: {  	[hbm4b:s0+s16] =	stream.strided.scatter [tilespmem:s20], [sflag:$0x4], $0xA000, s17, s16, $0x38;
	[tilespmem:$0x18F00] =	vst v63  }
.LBB2_12:
0x397: {  	_ =	sfence.sel $0x180000  }
0x398: {  	[bflag:$0x0] =	sbarrier.arrive $0xFFFF  }
0x399: {  	_ =	strace $0x90000047  }
0x39a: {  	s0 =	stileid.u32;
	[bflag:$0x2] =	sbarrier.arrive $0xFFFF  }
0x39b: {  	p0 =	sne.s32 s0, $0x0;
	s0 =	rddreg [dreg:$0x2]  }
0x39c: {  	s0 =	sadd.s32 @!p0 $0x100000, s0  }
0x39d: {  	[sflag:s0] =	ssyncadd.tile.s32 @!p0 $0x1;
	_ =	shalt  }
.Lfunc_end2:
_tile_overlayer_lowered:
.L_overlay_start_2:
0x39e: {  	(tag) =	ssettag $0x2  }
0x39f: {  	s0 =	rddreg [dreg:$0x0];
	s2 =	stileid.u32  }
0x3a0: {  	s1 =	rddreg [dreg:$0x1];
	p0 =	sne.s32 s2, $0x0  }
0x3a1: {  	s3 =	rddreg [dreg:$0x2];
	[bflag:$0x3] =	sbarrier.arrive $0xFFFF;
	s2 =	simm.s32 @!p0 $0x1C05  }
0x3a2: {  	[timem:s3], [sflag:s2] =	dma.local @!p0 [hbm:s0], s1  }
0x3a3: {  	s0 =	simm.s32 @!p0 $0x5  }
0x3a4: {  	_ =	swait.ge @!p0 [sflag:s0], s1  }
0x3a5: {  	s1 =	ssub.s32 @!p0 $0x0, s1;
	[sflag:s0] =	ssyncset.done @!p0 $0x0  }
0x3a6: {  	[sflag:s0] =	ssyncadd.s32 @!p0 s1  }
0x3a7: {  	[bflag:$0x3] =	sbarrier.arrive $0xFFFF  }
0x3a8: {  	_ =	shalt  }

</sc_bundles>
